<compile_context>
chip_gen: v7x
topology: tpu7x:2x2x1
jax: 0.10.2.dev20260603
libtpu: 0.0.44.dev20260713+nightly
codegen_flags: <defaults>
</compile_context>

<pallas_src>
import jax
import jax.numpy as jnp
from jax import lax
from jax.experimental import pallas as pl
from jax.experimental.pallas import tpu as pltpu
from jax.experimental.pallas import tpu_sc as plsc

N = 10000
E = 320000
IN_DIM = 128
HID = 128
D = 64

NCORE = 2
NTILE = 16
NWORK = NCORE * NTILE
ROWS_PER_TILE = 624
TAIL_ROWS = N - NTILE * ROWS_PER_TILE
DEG_EDGES_PER_WORKER = E // NWORK
AGG_EDGES_PER_TILE = E // NTILE
KB = 80
NBATCH = AGG_EDGES_PER_TILE // KB

_MESH = plsc.VectorSubcoreMesh(core_axis_name="c", subcore_axis_name="s")


def _deg_body(dst_hbm, hist_hbm, dst_v, hist_v, sem):
    cid = lax.axis_index("c")
    sid = lax.axis_index("s")
    w = cid * NTILE + sid
    zeros = jnp.zeros((16,), jnp.float32)

    def _zero(i, _):
        hist_v[pl.ds(i * 16, 16)] = zeros
        return 0

    lax.fori_loop(0, N // 16, _zero, 0, unroll=4)
    pltpu.async_copy(
        dst_hbm.at[pl.ds(w * DEG_EDGES_PER_WORKER, DEG_EDGES_PER_WORKER)],
        dst_v, sem).wait()
    ones = jnp.ones((16,), jnp.float32)

    def _acc(i, _):
        idx = dst_v[pl.ds(i * 16, 16)]
        plsc.addupdate_scatter(hist_v, [idx], ones)
        return 0

    lax.fori_loop(0, DEG_EDGES_PER_WORKER // 16, _acc, 0, unroll=4)
    pltpu.async_copy(hist_v, hist_hbm.at[pl.ds(w * N, N)], sem).wait()


_deg_call = pl.kernel(
    _deg_body,
    out_type=jax.ShapeDtypeStruct((NWORK * N,), jnp.float32),
    mesh=_MESH,
    compiler_params=pltpu.CompilerParams(needs_layout_passes=False),
    scratch_types=[
        pltpu.VMEM((DEG_EDGES_PER_WORKER,), jnp.int32),
        pltpu.VMEM((N,), jnp.float32),
        pltpu.SemaphoreType.DMA,
    ],
)


def _agg_body(h0_hbm, h1_hbm, src_hbm, dst_hbm, o0_hbm, o1_hbm,
              src_v, dst_v, r0_v, r1_v, acc, sem0, sem1):
    cid = lax.axis_index("c")
    sid = lax.axis_index("s")
    base_e = sid * AGG_EDGES_PER_TILE
    rs = sid * ROWS_PER_TILE
    pltpu.async_copy(src_hbm.at[pl.ds(base_e, AGG_EDGES_PER_TILE)], src_v,
                     sem0).wait()
    pltpu.async_copy(dst_hbm.at[sid], dst_v, sem0).wait()

    tail = NTILE * ROWS_PER_TILE

    def _run(h_hbm, out_hbm):
        pltpu.sync_copy(h_hbm.at[pl.ds(rs, ROWS_PER_TILE)],
                        acc.at[pl.ds(rs, ROWS_PER_TILE)])

        @pl.when(sid == 0)
        def _():
            pltpu.sync_copy(h_hbm.at[pl.ds(tail, TAIL_ROWS)],
                            acc.at[pl.ds(tail, TAIL_ROWS)])

        plsc.subcore_barrier()

        def _gather(j, buf, sem):
            return pltpu.make_async_copy(
                h_hbm.at[src_v.at[pl.ds(j * KB, KB)]], buf, sem)

        _gather(0, r0_v, sem0).start()

        def _batch2(t, _):
            j0 = 2 * t
            _gather(j0 + 1, r1_v, sem1).start()
            _gather(j0, r0_v, sem0).wait()
            pltpu.sync_copy(r0_v, acc.at[dst_v.at[j0]], add=True)

            @pl.when(t + 1 < NBATCH // 2)
            def _():
                _gather(j0 + 2, r0_v, sem0).start()

            _gather(j0 + 1, r1_v, sem1).wait()
            pltpu.sync_copy(r1_v, acc.at[dst_v.at[j0 + 1]], add=True)
            return 0

        lax.fori_loop(0, NBATCH // 2, _batch2, 0)
        plsc.subcore_barrier()
        pltpu.sync_copy(acc.at[pl.ds(rs, ROWS_PER_TILE)],
                        out_hbm.at[pl.ds(rs, ROWS_PER_TILE)])

        @pl.when(sid == 0)
        def _():
            pltpu.sync_copy(acc.at[pl.ds(tail, TAIL_ROWS)],
                            out_hbm.at[pl.ds(tail, TAIL_ROWS)])

    @pl.when(cid == 0)
    def _():
        _run(h0_hbm, o0_hbm)

    @pl.when(cid == 1)
    def _():
        _run(h1_hbm, o1_hbm)


_agg_call = pl.kernel(
    _agg_body,
    out_type=(jax.ShapeDtypeStruct((N, D), jnp.float32),
              jax.ShapeDtypeStruct((N, D), jnp.float32)),
    mesh=_MESH,
    compiler_params=pltpu.CompilerParams(use_tc_tiling_on_sc=False),
    scratch_types=[
        pltpu.VMEM((AGG_EDGES_PER_TILE,), jnp.int32),
        pltpu.VMEM((NBATCH, KB), jnp.int32),
        pltpu.VMEM((KB, D), jnp.float32),
        pltpu.VMEM((KB, D), jnp.float32),
        pltpu.VMEM_SHARED((N, D), jnp.float32),
        pltpu.SemaphoreType.DMA,
        pltpu.SemaphoreType.DMA,
    ],
)


def _dinv_body(hist_ref, dinv_ref):
    deg = jnp.sum(hist_ref[...], axis=0) + 1.0
    dinv_ref[...] = lax.rsqrt(deg)[:, None]


def _tca_body(x_ref, w1_ref, dinv_ref, o0_ref, o1_ref, o2_ref, o3_ref):
    y = lax.dot_general(x_ref[...], w1_ref[...], (((1,), (1,)), ((), ())),
                        preferred_element_type=jnp.float32)
    dv = dinv_ref[...]
    o0_ref[...] = y[:, 0 * D:1 * D] * dv
    o1_ref[...] = y[:, 1 * D:2 * D] * dv
    o2_ref[...] = y[:, 2 * D:3 * D] * dv
    o3_ref[...] = y[:, 3 * D:4 * D] * dv


def _tcb_body(a0_ref, a1_ref, a2_ref, a3_ref, dinv_ref, b1_ref, g1_ref,
              be1_ref, w2_ref, o0_ref, o1_ref):
    dv = dinv_ref[...]
    t = jnp.concatenate(
        [a0_ref[...], a1_ref[...], a2_ref[...], a3_ref[...]], axis=1
    ) * dv + b1_ref[...]
    mu = jnp.mean(t, axis=1, keepdims=True)
    c = t - mu
    var = jnp.mean(c * c, axis=1, keepdims=True)
    ln = c * lax.rsqrt(var + 1e-5) * g1_ref[...] + be1_ref[...]
    ge = 0.5 * ln * (1.0 + lax.erf(ln * 0.7071067811865476))
    y = lax.dot_general(ge, w2_ref[...], (((1,), (1,)), ((), ())),
                        preferred_element_type=jnp.float32) * dv
    o0_ref[...] = y[:, :D]
    o1_ref[...] = y[:, D:]


def _tcc_body(a0_ref, a1_ref, dinv_ref, b2_ref, g2_ref, be2_ref, o_ref):
    dv = dinv_ref[...]
    t = jnp.concatenate([a0_ref[...], a1_ref[...]], axis=1) * dv + b2_ref[...]
    mu = jnp.mean(t, axis=1, keepdims=True)
    c = t - mu
    var = jnp.mean(c * c, axis=1, keepdims=True)
    o_ref[...] = c * lax.rsqrt(var + 1e-5) * g2_ref[...] + be2_ref[...]


_BM = 1000
_GRID = N // _BM


def _row_spec(d):
    return pl.BlockSpec((_BM, d), lambda i: (i, 0))


def _full_spec(shape):
    return pl.BlockSpec(shape, lambda i: tuple(0 for _ in shape))


_DINV_SPEC = pl.BlockSpec((_BM, 1), lambda i: (i, 0))

_dinv_call = pl.pallas_call(
    _dinv_body,
    out_shape=jax.ShapeDtypeStruct((N, 1), jnp.float32),
)

_tca_call = pl.pallas_call(
    _tca_body,
    grid=(_GRID,),
    in_specs=[_row_spec(IN_DIM), _full_spec((2 * HID, IN_DIM)), _DINV_SPEC],
    out_specs=[_row_spec(D)] * 4,
    out_shape=[jax.ShapeDtypeStruct((N, D), jnp.float32)] * 4,
)

_tcb_call = pl.pallas_call(
    _tcb_body,
    grid=(_GRID,),
    in_specs=[_row_spec(D), _row_spec(D), _row_spec(D), _row_spec(D),
              _DINV_SPEC, _full_spec((1, 2 * HID)), _full_spec((1, 2 * HID)),
              _full_spec((1, 2 * HID)), _full_spec((HID, 2 * HID))],
    out_specs=[_row_spec(D), _row_spec(D)],
    out_shape=[jax.ShapeDtypeStruct((N, D), jnp.float32),
               jax.ShapeDtypeStruct((N, D), jnp.float32)],
)

_tcc_call = pl.pallas_call(
    _tcc_body,
    grid=(_GRID,),
    in_specs=[_row_spec(D), _row_spec(D), _DINV_SPEC,
              _full_spec((1, HID)), _full_spec((1, HID)),
              _full_spec((1, HID))],
    out_specs=_row_spec(HID),
    out_shape=jax.ShapeDtypeStruct((N, HID), jnp.float32),
)


def kernel(x, edge_index, W1, b1, g1, be1, W2, b2, g2, be2):
    src = edge_index[0]
    dst = edge_index[1]
    dst3d = dst.reshape(NTILE, NBATCH, KB)
    hist = _deg_call(dst).reshape(NWORK, N)
    dinv = _dinv_call(hist)
    h0, h1, h2, h3 = _tca_call(x, W1, dinv)
    a0, a1 = _agg_call(h0, h1, src, dst3d)
    a2, a3 = _agg_call(h2, h3, src, dst3d)
    p0, p1 = _tcb_call(a0, a1, a2, a3, dinv, b1.reshape(1, -1),
                       g1.reshape(1, -1), be1.reshape(1, -1), W2)
    q0, q1 = _agg_call(p0, p1, src, dst3d)
    return _tcc_call(q0, q1, dinv, b2.reshape(1, -1), g2.reshape(1, -1),
                     be2.reshape(1, -1))

# --- scband reference (transcript-rebuilt; emitter-appended) ---
"""Pipeline reference for scband-gcnencoder-12386685681960 (READ-ONLY COPY).

The authoritative reference and input builder live on the scoring server;
editing this copy changes nothing except your own understanding.
"""

import jax, jax.numpy as jnp
import numpy as np

N = 10000
E = 320000
IN_DIM = 128
HID = 128


def setup_inputs(seed: int = 0) -> dict:
    key = jax.random.key(seed)
    ks = jax.random.split(key, 12)
    x = jax.random.normal(ks[0], (N, IN_DIM), dtype=jnp.float32)
    edge_index = jax.random.randint(ks[1], (2, E), 0, N, dtype=jnp.int32)
    # GCNConv layer 1: in=128 -> out=256 (hidden_dim*2)
    W1 = jax.random.normal(ks[2], (2 * HID, IN_DIM), dtype=jnp.float32) * (1.0 / np.sqrt(IN_DIM))
    b1 = jnp.zeros((2 * HID,), dtype=jnp.float32)
    # LayerNorm 1 params
    g1 = jnp.ones((2 * HID,), dtype=jnp.float32)
    be1 = jnp.zeros((2 * HID,), dtype=jnp.float32)
    # GCNConv layer 2: in=256 -> out=128
    W2 = jax.random.normal(ks[3], (HID, 2 * HID), dtype=jnp.float32) * (1.0 / np.sqrt(2 * HID))
    b2 = jnp.zeros((HID,), dtype=jnp.float32)
    # LayerNorm 2 params
    g2 = jnp.ones((HID,), dtype=jnp.float32)
    be2 = jnp.zeros((HID,), dtype=jnp.float32)
    return {"x": x, "edge_index": edge_index, "W1": W1, "b1": b1, "g1": g1, "be1": be1, "W2": W2, "b2": b2, "g2": g2, "be2": be2}


def _gcn_conv(x, edge_index, W, b, num_nodes):
    # PyG GCNConv: h = x @ W.T; add self-loops; symmetric norm deg^-1/2 A deg^-1/2; scatter-add; + bias
    h = x @ W.T
    loop = jnp.arange(num_nodes, dtype=edge_index.dtype)
    src = jnp.concatenate([edge_index[0], loop])
    dst = jnp.concatenate([edge_index[1], loop])
    deg = jnp.zeros((num_nodes,), dtype=h.dtype).at[dst].add(1.0)
    dinv = jnp.where(deg > 0, deg ** -0.5, 0.0)
    norm = dinv[src] * dinv[dst]
    msg = h[src] * norm[:, None]  # gather (memory-bound)
    out = jnp.zeros((num_nodes, h.shape[1]), dtype=h.dtype).at[dst].add(msg)  # scatter-add
    return out + b


def _layer_norm(h, gamma, beta, eps=1e-5):
    mu = jnp.mean(h, axis=-1, keepdims=True)
    var = jnp.mean((h - mu) ** 2, axis=-1, keepdims=True)
    return (h - mu) / jnp.sqrt(var + eps) * gamma + beta


def reference(x, edge_index, W1, b1, g1, be1, W2, b2, g2, be2):
    num_nodes = x.shape[0]
    h = _gcn_conv(x, edge_index, W1, b1, num_nodes)
    h = _layer_norm(h, g1, be1)
    h = jax.nn.gelu(h, approximate=False)
    # dropout in eval mode -> identity
    h = _gcn_conv(h, edge_index, W2, b2, num_nodes)
    h = _layer_norm(h, g2, be2)
    return h

if __name__ == "__main__":
    import jax
    _d = setup_inputs()
    print(jax.jit(kernel)(*tuple(_d.values())))

</pallas_src>

<mosaic_0001>
#map = affine_map<(d0, d1) -> (0, 0)>
#map1 = affine_map<(d0, d1) -> (0)>
#map2 = affine_map<(d0, d1) -> (0, 0, 0)>
module attributes {stable_mosaic.version = 14 : i64} {
  func.func @_agg_body(%arg0: i32, %arg1: i32, %arg2: memref<10000x64xf32, #tpu.memory_space<hbm>>, %arg3: memref<10000x64xf32, #tpu.memory_space<hbm>>, %arg4: memref<320000xi32, #tpu.memory_space<hbm>>, %arg5: memref<16x250x80xi32, #tpu.memory_space<hbm>>, %arg6: memref<10000x64xf32, #tpu.memory_space<hbm>>, %arg7: memref<10000x64xf32, #tpu.memory_space<hbm>>, %arg8: memref<20000xi32, #tpu.memory_space<vmem>>, %arg9: memref<250x80xi32, #tpu.memory_space<vmem>>, %arg10: memref<80x64xf32, #tpu.memory_space<vmem>>, %arg11: memref<80x64xf32, #tpu.memory_space<vmem>>, %arg12: memref<10000x64xf32, #tpu.memory_space<vmem_shared>>, %arg13: memref<!tpu.dma_semaphore, #tpu.memory_space<semaphore_mem>>, %arg14: memref<!tpu.dma_semaphore, #tpu.memory_space<semaphore_mem>>) attributes {dimension_semantics = [#tpu.dimension_semantics<core_parallel>, #tpu.dimension_semantics<subcore_parallel>], iteration_bounds = array<i64: 2, 16>, scalar_prefetch = 0 : i64, scratch_operands = 7 : i64, tpu.core_type = #tpu.core_type<sc_vector_subcore>, window_params = [{transform_indices = #map}, {transform_indices = #map}, {transform_indices = #map1}, {transform_indices = #map2}, {transform_indices = #map}, {transform_indices = #map}]} {
    %mul3A = arith.constant 20000 : i32
    %mul3A_0 = arith.muli %arg1, %mul3A : i32
    %mul3A_1 = arith.constant 624 : i32
    %mul3A_2 = arith.muli %arg1, %mul3A_1 : i32
    %dma_start3A = tpu.memref_slice %arg4[%mul3A_0] : memref<320000xi32, #tpu.memory_space<hbm>> -> memref<20000xi32, #tpu.memory_space<hbm>>
    %dma_start3A_3 = tpu.memref_slice %arg4[%mul3A_0] : memref<320000xi32, #tpu.memory_space<hbm>> -> memref<20000xi32, #tpu.memory_space<hbm>>
    tpu.enqueue_dma source(%dma_start3A_3 : memref<20000xi32, #tpu.memory_space<hbm>>) target(%arg8 : memref<20000xi32, #tpu.memory_space<vmem>>) target_semaphore(%arg13 : memref<!tpu.dma_semaphore, #tpu.memory_space<semaphore_mem>>)
    %dma_wait3A = tpu.memref_slice %arg4[%mul3A_0] : memref<320000xi32, #tpu.memory_space<hbm>> -> memref<20000xi32, #tpu.memory_space<hbm>>
    %dma_wait3A_4 = tpu.memref_slice %arg4[%mul3A_0] : memref<320000xi32, #tpu.memory_space<hbm>> -> memref<20000xi32, #tpu.memory_space<hbm>>
    tpu.wait_dma2 semaphore(%arg13 : memref<!tpu.dma_semaphore, #tpu.memory_space<semaphore_mem>>) src(%dma_wait3A_4 : memref<20000xi32, #tpu.memory_space<hbm>>) dst(%arg8 : memref<20000xi32, #tpu.memory_space<vmem>>)
    %dma_start3A_5 = arith.constant 0 : i32
    %dma_start3A_6 = arith.constant 0 : i32
    %dma_start3A_7 = tpu.memref_slice %arg5[%arg1, %dma_start3A_5, %dma_start3A_6] : memref<16x250x80xi32, #tpu.memory_space<hbm>> -> memref<1x250x80xi32, #tpu.memory_space<hbm>>
    %dma_start3A_8 = tpu.memref_squeeze %dma_start3A_7 : memref<1x250x80xi32, #tpu.memory_space<hbm>> -> memref<250x80xi32, #tpu.memory_space<hbm>>
    %dma_start3A_9 = arith.constant 0 : i32
    %dma_start3A_10 = arith.constant 0 : i32
    %dma_start3A_11 = tpu.memref_slice %arg5[%arg1, %dma_start3A_9, %dma_start3A_10] : memref<16x250x80xi32, #tpu.memory_space<hbm>> -> memref<1x250x80xi32, #tpu.memory_space<hbm>>
    %dma_start3A_12 = tpu.memref_squeeze %dma_start3A_11 : memref<1x250x80xi32, #tpu.memory_space<hbm>> -> memref<250x80xi32, #tpu.memory_space<hbm>>
    tpu.enqueue_dma source(%dma_start3A_12 : memref<250x80xi32, #tpu.memory_space<hbm>>) target(%arg9 : memref<250x80xi32, #tpu.memory_space<vmem>>) target_semaphore(%arg13 : memref<!tpu.dma_semaphore, #tpu.memory_space<semaphore_mem>>)
    %dma_wait3A_13 = arith.constant 0 : i32
    %dma_wait3A_14 = arith.constant 0 : i32
    %dma_wait3A_15 = tpu.memref_slice %arg5[%arg1, %dma_wait3A_13, %dma_wait3A_14] : memref<16x250x80xi32, #tpu.memory_space<hbm>> -> memref<1x250x80xi32, #tpu.memory_space<hbm>>
    %dma_wait3A_16 = tpu.memref_squeeze %dma_wait3A_15 : memref<1x250x80xi32, #tpu.memory_space<hbm>> -> memref<250x80xi32, #tpu.memory_space<hbm>>
    %dma_wait3A_17 = arith.constant 0 : i32
    %dma_wait3A_18 = arith.constant 0 : i32
    %dma_wait3A_19 = tpu.memref_slice %arg5[%arg1, %dma_wait3A_17, %dma_wait3A_18] : memref<16x250x80xi32, #tpu.memory_space<hbm>> -> memref<1x250x80xi32, #tpu.memory_space<hbm>>
    %dma_wait3A_20 = tpu.memref_squeeze %dma_wait3A_19 : memref<1x250x80xi32, #tpu.memory_space<hbm>> -> memref<250x80xi32, #tpu.memory_space<hbm>>
    tpu.wait_dma2 semaphore(%arg13 : memref<!tpu.dma_semaphore, #tpu.memory_space<semaphore_mem>>) src(%dma_wait3A_20 : memref<250x80xi32, #tpu.memory_space<hbm>>) dst(%arg9 : memref<250x80xi32, #tpu.memory_space<vmem>>)
    %eq3A = arith.constant 0 : i32
    %eq3A_21 = arith.cmpi eq, %arg0, %eq3A : i32
    %convert_element_type3A = arith.extui %eq3A_21 : i1 to i32
    %cond3A = arith.constant 0 : i32
    %cond3A_22 = arith.cmpi ne, %convert_element_type3A, %cond3A : i32
    scf.if %cond3A_22 {
      "tpu.region"() ({
        %run_scoped3A = tpu.sem_alloc : memref<!tpu.dma_semaphore, #tpu.memory_space<semaphore_mem>>
        %dma_start3A_50 = arith.constant 0 : i32
        %dma_start3A_51 = tpu.memref_slice %arg12[%mul3A_2, %dma_start3A_50] : memref<10000x64xf32, #tpu.memory_space<vmem_shared>> -> memref<624x64xf32, #tpu.memory_space<vmem_shared>>
        %dma_start3A_52 = arith.constant 0 : i32
        %dma_start3A_53 = tpu.memref_slice %arg2[%mul3A_2, %dma_start3A_52] : memref<10000x64xf32, #tpu.memory_space<hbm>> -> memref<624x64xf32, #tpu.memory_space<hbm>>
        tpu.enqueue_dma source(%dma_start3A_53 : memref<624x64xf32, #tpu.memory_space<hbm>>) target(%dma_start3A_51 : memref<624x64xf32, #tpu.memory_space<vmem_shared>>) target_semaphore(%run_scoped3A : memref<!tpu.dma_semaphore, #tpu.memory_space<semaphore_mem>>)
        %dma_wait3A_54 = arith.constant 0 : i32
        %dma_wait3A_55 = tpu.memref_slice %arg12[%mul3A_2, %dma_wait3A_54] : memref<10000x64xf32, #tpu.memory_space<vmem_shared>> -> memref<624x64xf32, #tpu.memory_space<vmem_shared>>
        %dma_wait3A_56 = arith.constant 0 : i32
        %dma_wait3A_57 = tpu.memref_slice %arg2[%mul3A_2, %dma_wait3A_56] : memref<10000x64xf32, #tpu.memory_space<hbm>> -> memref<624x64xf32, #tpu.memory_space<hbm>>
        tpu.wait_dma2 semaphore(%run_scoped3A : memref<!tpu.dma_semaphore, #tpu.memory_space<semaphore_mem>>) src(%dma_wait3A_57 : memref<624x64xf32, #tpu.memory_space<hbm>>) dst(%dma_wait3A_55 : memref<624x64xf32, #tpu.memory_space<vmem_shared>>)
        tpu.yield
      }) : () -> ()
      %eq3A_28 = arith.constant 0 : i32
      %eq3A_29 = arith.cmpi eq, %arg1, %eq3A_28 : i32
      %convert_element_type3A_30 = arith.extui %eq3A_29 : i1 to i32
      %cond3A_31 = arith.constant 0 : i32
      %cond3A_32 = arith.cmpi ne, %convert_element_type3A_30, %cond3A_31 : i32
      scf.if %cond3A_32 {
        "tpu.region"() ({
          %run_scoped3A = tpu.sem_alloc : memref<!tpu.dma_semaphore, #tpu.memory_space<semaphore_mem>>
          %dma_start3A_50 = arith.constant 9984 : i32
          %dma_start3A_51 = arith.constant 0 : i32
          %dma_start3A_52 = tpu.memref_slice %arg12[%dma_start3A_50, %dma_start3A_51] : memref<10000x64xf32, #tpu.memory_space<vmem_shared>> -> memref<16x64xf32, #tpu.memory_space<vmem_shared>>
          %dma_start3A_53 = arith.constant 9984 : i32
          %dma_start3A_54 = arith.constant 0 : i32
          %dma_start3A_55 = tpu.memref_slice %arg2[%dma_start3A_53, %dma_start3A_54] : memref<10000x64xf32, #tpu.memory_space<hbm>> -> memref<16x64xf32, #tpu.memory_space<hbm>>
          tpu.enqueue_dma source(%dma_start3A_55 : memref<16x64xf32, #tpu.memory_space<hbm>>) target(%dma_start3A_52 : memref<16x64xf32, #tpu.memory_space<vmem_shared>>) target_semaphore(%run_scoped3A : memref<!tpu.dma_semaphore, #tpu.memory_space<semaphore_mem>>)
          %dma_wait3A_56 = arith.constant 9984 : i32
          %dma_wait3A_57 = arith.constant 0 : i32
          %dma_wait3A_58 = tpu.memref_slice %arg12[%dma_wait3A_56, %dma_wait3A_57] : memref<10000x64xf32, #tpu.memory_space<vmem_shared>> -> memref<16x64xf32, #tpu.memory_space<vmem_shared>>
          %dma_wait3A_59 = arith.constant 9984 : i32
          %dma_wait3A_60 = arith.constant 0 : i32
          %dma_wait3A_61 = tpu.memref_slice %arg2[%dma_wait3A_59, %dma_wait3A_60] : memref<10000x64xf32, #tpu.memory_space<hbm>> -> memref<16x64xf32, #tpu.memory_space<hbm>>
          tpu.wait_dma2 semaphore(%run_scoped3A : memref<!tpu.dma_semaphore, #tpu.memory_space<semaphore_mem>>) src(%dma_wait3A_61 : memref<16x64xf32, #tpu.memory_space<hbm>>) dst(%dma_wait3A_58 : memref<16x64xf32, #tpu.memory_space<vmem_shared>>)
          tpu.yield
        }) : () -> ()
      } else {
      }
      %barrier3A = arith.constant 0 : index
      tpu.barrier barrier_id(%barrier3A)
      %dma_start3A_33 = arith.constant 0 : i32
      %dma_start3A_34 = tpu.memref_slice %arg8[%dma_start3A_33] : memref<20000xi32, #tpu.memory_space<vmem>> -> memref<80xi32, #tpu.memory_space<vmem>>
      %dma_start3A_35 = arith.constant 0 : i32
      %dma_start3A_36 = arith.constant 0 : i32
      %dma_start3A_37 = tpu.memref_slice %arg2[%dma_start3A_35, %dma_start3A_36] : memref<10000x64xf32, #tpu.memory_space<hbm>> -> memref<10000x64xf32, #tpu.memory_space<hbm>>
      tpu.enqueue_indirect_dma source(%dma_start3A_37 : memref<10000x64xf32, #tpu.memory_space<hbm>>) target(%arg10 : memref<80x64xf32, #tpu.memory_space<vmem>>) offsets(%dma_start3A_34 : memref<80xi32, #tpu.memory_space<vmem>>) semaphore(%arg13 : memref<!tpu.dma_semaphore, #tpu.memory_space<semaphore_mem>>)
      %scan3A = arith.constant 0 : i32
      %scan3A_38 = arith.constant 0 : i32
      %scan3A_39 = arith.constant 125 : i32
      %scan3A_40 = arith.addi %scan3A_38, %scan3A_39 : i32
      %scan3A_41 = arith.constant 1 : i32
      %scan3A_42 = scf.for %scan3A_50 = %scan3A_38 to %scan3A_40 step %scan3A_41 iter_args(%scan3A_51 = %scan3A) -> (i32)  : i32 {
        %mul3A_52 = arith.constant 2 : i32
        %mul3A_53 = arith.muli %mul3A_52, %scan3A_50 : i32
        %add3A = arith.constant 1 : i32
        %add3A_54 = arith.addi %mul3A_53, %add3A : i32
        %mul3A_55 = arith.constant 80 : i32
        %mul3A_56 = arith.muli %add3A_54, %mul3A_55 : i32
        %dma_start3A_57 = tpu.memref_slice %arg8[%mul3A_56] : memref<20000xi32, #tpu.memory_space<vmem>> -> memref<80xi32, #tpu.memory_space<vmem>>
        %dma_start3A_58 = arith.constant 0 : i32
        %dma_start3A_59 = arith.constant 0 : i32
        %dma_start3A_60 = tpu.memref_slice %arg2[%dma_start3A_58, %dma_start3A_59] : memref<10000x64xf32, #tpu.memory_space<hbm>> -> memref<10000x64xf32, #tpu.memory_space<hbm>>
        tpu.enqueue_indirect_dma source(%dma_start3A_60 : memref<10000x64xf32, #tpu.memory_space<hbm>>) target(%arg11 : memref<80x64xf32, #tpu.memory_space<vmem>>) offsets(%dma_start3A_57 : memref<80xi32, #tpu.memory_space<vmem>>) semaphore(%arg14 : memref<!tpu.dma_semaphore, #tpu.memory_space<semaphore_mem>>)
        %mul3A_61 = arith.constant 80 : i32
        %mul3A_62 = arith.muli %mul3A_53, %mul3A_61 : i32
        %dma_wait3A_63 = tpu.memref_slice %arg8[%mul3A_62] : memref<20000xi32, #tpu.memory_space<vmem>> -> memref<80xi32, #tpu.memory_space<vmem>>
        %dma_wait3A_64 = arith.constant 0 : i32
        %dma_wait3A_65 = arith.constant 0 : i32
        %dma_wait3A_66 = tpu.memref_slice %arg2[%dma_wait3A_64, %dma_wait3A_65] : memref<10000x64xf32, #tpu.memory_space<hbm>> -> memref<10000x64xf32, #tpu.memory_space<hbm>>
        tpu.wait_indirect_dma semaphore(%arg13 : memref<!tpu.dma_semaphore, #tpu.memory_space<semaphore_mem>>) src(%dma_wait3A_66 : memref<10000x64xf32, #tpu.memory_space<hbm>>) dst(%arg10 : memref<80x64xf32, #tpu.memory_space<vmem>>)
        "tpu.region"() ({
          %run_scoped3A = tpu.sem_alloc : memref<!tpu.dma_semaphore, #tpu.memory_space<semaphore_mem>>
          %dma_start3A_84 = arith.constant 0 : i32
          %dma_start3A_85 = tpu.memref_slice %arg9[%mul3A_53, %dma_start3A_84] : memref<250x80xi32, #tpu.memory_space<vmem>> -> memref<1x80xi32, #tpu.memory_space<vmem>>
          %dma_start3A_86 = tpu.memref_squeeze %dma_start3A_85 : memref<1x80xi32, #tpu.memory_space<vmem>> -> memref<80xi32, #tpu.memory_space<vmem>>
          %dma_start3A_87 = arith.constant 0 : i32
          %dma_start3A_88 = arith.constant 0 : i32
          %dma_start3A_89 = tpu.memref_slice %arg12[%dma_start3A_87, %dma_start3A_88] : memref<10000x64xf32, #tpu.memory_space<vmem_shared>> -> memref<10000x64xf32, #tpu.memory_space<vmem_shared>>
          tpu.enqueue_indirect_dma source(%arg10 : memref<80x64xf32, #tpu.memory_space<vmem>>) target(%dma_start3A_89 : memref<10000x64xf32, #tpu.memory_space<vmem_shared>>) offsets(%dma_start3A_86 : memref<80xi32, #tpu.memory_space<vmem>>) semaphore(%run_scoped3A : memref<!tpu.dma_semaphore, #tpu.memory_space<semaphore_mem>>) {add = true}
          %dma_wait3A_90 = arith.constant 0 : i32
          %dma_wait3A_91 = tpu.memref_slice %arg9[%mul3A_53, %dma_wait3A_90] : memref<250x80xi32, #tpu.memory_space<vmem>> -> memref<1x80xi32, #tpu.memory_space<vmem>>
          %dma_wait3A_92 = tpu.memref_squeeze %dma_wait3A_91 : memref<1x80xi32, #tpu.memory_space<vmem>> -> memref<80xi32, #tpu.memory_space<vmem>>
          %dma_wait3A_93 = arith.constant 0 : i32
          %dma_wait3A_94 = arith.constant 0 : i32
          %dma_wait3A_95 = tpu.memref_slice %arg12[%dma_wait3A_93, %dma_wait3A_94] : memref<10000x64xf32, #tpu.memory_space<vmem_shared>> -> memref<10000x64xf32, #tpu.memory_space<vmem_shared>>
          tpu.wait_indirect_dma semaphore(%run_scoped3A : memref<!tpu.dma_semaphore, #tpu.memory_space<semaphore_mem>>) src(%arg10 : memref<80x64xf32, #tpu.memory_space<vmem>>) dst(%dma_wait3A_95 : memref<10000x64xf32, #tpu.memory_space<vmem_shared>>)
          tpu.yield
        }) : () -> ()
        %add3A_67 = arith.constant 1 : i32
        %add3A_68 = arith.addi %scan3A_50, %add3A_67 : i32
        %lt3A = arith.constant 125 : i32
        %lt3A_69 = arith.cmpi slt, %add3A_68, %lt3A : i32
        %convert_element_type3A_70 = arith.extui %lt3A_69 : i1 to i32
        %cond3A_71 = arith.constant 0 : i32
        %cond3A_72 = arith.cmpi ne, %convert_element_type3A_70, %cond3A_71 : i32
        scf.if %cond3A_72 {
          %add3A_84 = arith.constant 2 : i32
          %add3A_85 = arith.addi %mul3A_53, %add3A_84 : i32
          %mul3A_86 = arith.constant 80 : i32
          %mul3A_87 = arith.muli %add3A_85, %mul3A_86 : i32
          %dma_start3A_88 = tpu.memref_slice %arg8[%mul3A_87] : memref<20000xi32, #tpu.memory_space<vmem>> -> memref<80xi32, #tpu.memory_space<vmem>>
          %dma_start3A_89 = arith.constant 0 : i32
          %dma_start3A_90 = arith.constant 0 : i32
          %dma_start3A_91 = tpu.memref_slice %arg2[%dma_start3A_89, %dma_start3A_90] : memref<10000x64xf32, #tpu.memory_space<hbm>> -> memref<10000x64xf32, #tpu.memory_space<hbm>>
          tpu.enqueue_indirect_dma source(%dma_start3A_91 : memref<10000x64xf32, #tpu.memory_space<hbm>>) target(%arg10 : memref<80x64xf32, #tpu.memory_space<vmem>>) offsets(%dma_start3A_88 : memref<80xi32, #tpu.memory_space<vmem>>) semaphore(%arg13 : memref<!tpu.dma_semaphore, #tpu.memory_space<semaphore_mem>>)
        } else {
        }
        %add3A_73 = arith.constant 1 : i32
        %add3A_74 = arith.addi %mul3A_53, %add3A_73 : i32
        %mul3A_75 = arith.constant 80 : i32
        %mul3A_76 = arith.muli %add3A_74, %mul3A_75 : i32
        %dma_wait3A_77 = tpu.memref_slice %arg8[%mul3A_76] : memref<20000xi32, #tpu.memory_space<vmem>> -> memref<80xi32, #tpu.memory_space<vmem>>
        %dma_wait3A_78 = arith.constant 0 : i32
        %dma_wait3A_79 = arith.constant 0 : i32
        %dma_wait3A_80 = tpu.memref_slice %arg2[%dma_wait3A_78, %dma_wait3A_79] : memref<10000x64xf32, #tpu.memory_space<hbm>> -> memref<10000x64xf32, #tpu.memory_space<hbm>>
        tpu.wait_indirect_dma semaphore(%arg14 : memref<!tpu.dma_semaphore, #tpu.memory_space<semaphore_mem>>) src(%dma_wait3A_80 : memref<10000x64xf32, #tpu.memory_space<hbm>>) dst(%arg11 : memref<80x64xf32, #tpu.memory_space<vmem>>)
        %add3A_81 = arith.constant 1 : i32
        %add3A_82 = arith.addi %mul3A_53, %add3A_81 : i32
        "tpu.region"() ({
          %run_scoped3A = tpu.sem_alloc : memref<!tpu.dma_semaphore, #tpu.memory_space<semaphore_mem>>
          %dma_start3A_84 = arith.constant 0 : i32
          %dma_start3A_85 = tpu.memref_slice %arg9[%add3A_82, %dma_start3A_84] : memref<250x80xi32, #tpu.memory_space<vmem>> -> memref<1x80xi32, #tpu.memory_space<vmem>>
          %dma_start3A_86 = tpu.memref_squeeze %dma_start3A_85 : memref<1x80xi32, #tpu.memory_space<vmem>> -> memref<80xi32, #tpu.memory_space<vmem>>
          %dma_start3A_87 = arith.constant 0 : i32
          %dma_start3A_88 = arith.constant 0 : i32
          %dma_start3A_89 = tpu.memref_slice %arg12[%dma_start3A_87, %dma_start3A_88] : memref<10000x64xf32, #tpu.memory_space<vmem_shared>> -> memref<10000x64xf32, #tpu.memory_space<vmem_shared>>
          tpu.enqueue_indirect_dma source(%arg11 : memref<80x64xf32, #tpu.memory_space<vmem>>) target(%dma_start3A_89 : memref<10000x64xf32, #tpu.memory_space<vmem_shared>>) offsets(%dma_start3A_86 : memref<80xi32, #tpu.memory_space<vmem>>) semaphore(%run_scoped3A : memref<!tpu.dma_semaphore, #tpu.memory_space<semaphore_mem>>) {add = true}
          %dma_wait3A_90 = arith.constant 0 : i32
          %dma_wait3A_91 = tpu.memref_slice %arg9[%add3A_82, %dma_wait3A_90] : memref<250x80xi32, #tpu.memory_space<vmem>> -> memref<1x80xi32, #tpu.memory_space<vmem>>
          %dma_wait3A_92 = tpu.memref_squeeze %dma_wait3A_91 : memref<1x80xi32, #tpu.memory_space<vmem>> -> memref<80xi32, #tpu.memory_space<vmem>>
          %dma_wait3A_93 = arith.constant 0 : i32
          %dma_wait3A_94 = arith.constant 0 : i32
          %dma_wait3A_95 = tpu.memref_slice %arg12[%dma_wait3A_93, %dma_wait3A_94] : memref<10000x64xf32, #tpu.memory_space<vmem_shared>> -> memref<10000x64xf32, #tpu.memory_space<vmem_shared>>
          tpu.wait_indirect_dma semaphore(%run_scoped3A : memref<!tpu.dma_semaphore, #tpu.memory_space<semaphore_mem>>) src(%arg11 : memref<80x64xf32, #tpu.memory_space<vmem>>) dst(%dma_wait3A_95 : memref<10000x64xf32, #tpu.memory_space<vmem_shared>>)
          tpu.yield
        }) : () -> ()
        %scan3A_83 = arith.constant 0 : i32
        scf.yield %scan3A_83 : i32
      }
      %scan3A_43 = arith.constant 125 : i32
      %barrier3A_44 = arith.constant 0 : index
      tpu.barrier barrier_id(%barrier3A_44)
      "tpu.region"() ({
        %run_scoped3A = tpu.sem_alloc : memref<!tpu.dma_semaphore, #tpu.memory_space<semaphore_mem>>
        %dma_start3A_50 = arith.constant 0 : i32
        %dma_start3A_51 = tpu.memref_slice %arg6[%mul3A_2, %dma_start3A_50] : memref<10000x64xf32, #tpu.memory_space<hbm>> -> memref<624x64xf32, #tpu.memory_space<hbm>>
        %dma_start3A_52 = arith.constant 0 : i32
        %dma_start3A_53 = tpu.memref_slice %arg12[%mul3A_2, %dma_start3A_52] : memref<10000x64xf32, #tpu.memory_space<vmem_shared>> -> memref<624x64xf32, #tpu.memory_space<vmem_shared>>
        tpu.enqueue_dma source(%dma_start3A_53 : memref<624x64xf32, #tpu.memory_space<vmem_shared>>) target(%dma_start3A_51 : memref<624x64xf32, #tpu.memory_space<hbm>>) target_semaphore(%run_scoped3A : memref<!tpu.dma_semaphore, #tpu.memory_space<semaphore_mem>>)
        %dma_wait3A_54 = arith.constant 0 : i32
        %dma_wait3A_55 = tpu.memref_slice %arg6[%mul3A_2, %dma_wait3A_54] : memref<10000x64xf32, #tpu.memory_space<hbm>> -> memref<624x64xf32, #tpu.memory_space<hbm>>
        %dma_wait3A_56 = arith.constant 0 : i32
        %dma_wait3A_57 = tpu.memref_slice %arg12[%mul3A_2, %dma_wait3A_56] : memref<10000x64xf32, #tpu.memory_space<vmem_shared>> -> memref<624x64xf32, #tpu.memory_space<vmem_shared>>
        tpu.wait_dma2 semaphore(%run_scoped3A : memref<!tpu.dma_semaphore, #tpu.memory_space<semaphore_mem>>) src(%dma_wait3A_57 : memref<624x64xf32, #tpu.memory_space<vmem_shared>>) dst(%dma_wait3A_55 : memref<624x64xf32, #tpu.memory_space<hbm>>)
        tpu.yield
      }) : () -> ()
      %eq3A_45 = arith.constant 0 : i32
      %eq3A_46 = arith.cmpi eq, %arg1, %eq3A_45 : i32
      %convert_element_type3A_47 = arith.extui %eq3A_46 : i1 to i32
      %cond3A_48 = arith.constant 0 : i32
      %cond3A_49 = arith.cmpi ne, %convert_element_type3A_47, %cond3A_48 : i32
      scf.if %cond3A_49 {
        "tpu.region"() ({
          %run_scoped3A = tpu.sem_alloc : memref<!tpu.dma_semaphore, #tpu.memory_space<semaphore_mem>>
          %dma_start3A_50 = arith.constant 9984 : i32
          %dma_start3A_51 = arith.constant 0 : i32
          %dma_start3A_52 = tpu.memref_slice %arg6[%dma_start3A_50, %dma_start3A_51] : memref<10000x64xf32, #tpu.memory_space<hbm>> -> memref<16x64xf32, #tpu.memory_space<hbm>>
          %dma_start3A_53 = arith.constant 9984 : i32
          %dma_start3A_54 = arith.constant 0 : i32
          %dma_start3A_55 = tpu.memref_slice %arg12[%dma_start3A_53, %dma_start3A_54] : memref<10000x64xf32, #tpu.memory_space<vmem_shared>> -> memref<16x64xf32, #tpu.memory_space<vmem_shared>>
          tpu.enqueue_dma source(%dma_start3A_55 : memref<16x64xf32, #tpu.memory_space<vmem_shared>>) target(%dma_start3A_52 : memref<16x64xf32, #tpu.memory_space<hbm>>) target_semaphore(%run_scoped3A : memref<!tpu.dma_semaphore, #tpu.memory_space<semaphore_mem>>)
          %dma_wait3A_56 = arith.constant 9984 : i32
          %dma_wait3A_57 = arith.constant 0 : i32
          %dma_wait3A_58 = tpu.memref_slice %arg6[%dma_wait3A_56, %dma_wait3A_57] : memref<10000x64xf32, #tpu.memory_space<hbm>> -> memref<16x64xf32, #tpu.memory_space<hbm>>
          %dma_wait3A_59 = arith.constant 9984 : i32
          %dma_wait3A_60 = arith.constant 0 : i32
          %dma_wait3A_61 = tpu.memref_slice %arg12[%dma_wait3A_59, %dma_wait3A_60] : memref<10000x64xf32, #tpu.memory_space<vmem_shared>> -> memref<16x64xf32, #tpu.memory_space<vmem_shared>>
          tpu.wait_dma2 semaphore(%run_scoped3A : memref<!tpu.dma_semaphore, #tpu.memory_space<semaphore_mem>>) src(%dma_wait3A_61 : memref<16x64xf32, #tpu.memory_space<vmem_shared>>) dst(%dma_wait3A_58 : memref<16x64xf32, #tpu.memory_space<hbm>>)
          tpu.yield
        }) : () -> ()
      } else {
      }
    } else {
    }
    %eq3A_23 = arith.constant 1 : i32
    %eq3A_24 = arith.cmpi eq, %arg0, %eq3A_23 : i32
    %convert_element_type3A_25 = arith.extui %eq3A_24 : i1 to i32
    %cond3A_26 = arith.constant 0 : i32
    %cond3A_27 = arith.cmpi ne, %convert_element_type3A_25, %cond3A_26 : i32
    scf.if %cond3A_27 {
      "tpu.region"() ({
        %run_scoped3A = tpu.sem_alloc : memref<!tpu.dma_semaphore, #tpu.memory_space<semaphore_mem>>
        %dma_start3A_50 = arith.constant 0 : i32
        %dma_start3A_51 = tpu.memref_slice %arg12[%mul3A_2, %dma_start3A_50] : memref<10000x64xf32, #tpu.memory_space<vmem_shared>> -> memref<624x64xf32, #tpu.memory_space<vmem_shared>>
        %dma_start3A_52 = arith.constant 0 : i32
        %dma_start3A_53 = tpu.memref_slice %arg3[%mul3A_2, %dma_start3A_52] : memref<10000x64xf32, #tpu.memory_space<hbm>> -> memref<624x64xf32, #tpu.memory_space<hbm>>
        tpu.enqueue_dma source(%dma_start3A_53 : memref<624x64xf32, #tpu.memory_space<hbm>>) target(%dma_start3A_51 : memref<624x64xf32, #tpu.memory_space<vmem_shared>>) target_semaphore(%run_scoped3A : memref<!tpu.dma_semaphore, #tpu.memory_space<semaphore_mem>>)
        %dma_wait3A_54 = arith.constant 0 : i32
        %dma_wait3A_55 = tpu.memref_slice %arg12[%mul3A_2, %dma_wait3A_54] : memref<10000x64xf32, #tpu.memory_space<vmem_shared>> -> memref<624x64xf32, #tpu.memory_space<vmem_shared>>
        %dma_wait3A_56 = arith.constant 0 : i32
        %dma_wait3A_57 = tpu.memref_slice %arg3[%mul3A_2, %dma_wait3A_56] : memref<10000x64xf32, #tpu.memory_space<hbm>> -> memref<624x64xf32, #tpu.memory_space<hbm>>
        tpu.wait_dma2 semaphore(%run_scoped3A : memref<!tpu.dma_semaphore, #tpu.memory_space<semaphore_mem>>) src(%dma_wait3A_57 : memref<624x64xf32, #tpu.memory_space<hbm>>) dst(%dma_wait3A_55 : memref<624x64xf32, #tpu.memory_space<vmem_shared>>)
        tpu.yield
      }) : () -> ()
      %eq3A_28 = arith.constant 0 : i32
      %eq3A_29 = arith.cmpi eq, %arg1, %eq3A_28 : i32
      %convert_element_type3A_30 = arith.extui %eq3A_29 : i1 to i32
      %cond3A_31 = arith.constant 0 : i32
      %cond3A_32 = arith.cmpi ne, %convert_element_type3A_30, %cond3A_31 : i32
      scf.if %cond3A_32 {
        "tpu.region"() ({
          %run_scoped3A = tpu.sem_alloc : memref<!tpu.dma_semaphore, #tpu.memory_space<semaphore_mem>>
          %dma_start3A_50 = arith.constant 9984 : i32
          %dma_start3A_51 = arith.constant 0 : i32
          %dma_start3A_52 = tpu.memref_slice %arg12[%dma_start3A_50, %dma_start3A_51] : memref<10000x64xf32, #tpu.memory_space<vmem_shared>> -> memref<16x64xf32, #tpu.memory_space<vmem_shared>>
          %dma_start3A_53 = arith.constant 9984 : i32
          %dma_start3A_54 = arith.constant 0 : i32
          %dma_start3A_55 = tpu.memref_slice %arg3[%dma_start3A_53, %dma_start3A_54] : memref<10000x64xf32, #tpu.memory_space<hbm>> -> memref<16x64xf32, #tpu.memory_space<hbm>>
          tpu.enqueue_dma source(%dma_start3A_55 : memref<16x64xf32, #tpu.memory_space<hbm>>) target(%dma_start3A_52 : memref<16x64xf32, #tpu.memory_space<vmem_shared>>) target_semaphore(%run_scoped3A : memref<!tpu.dma_semaphore, #tpu.memory_space<semaphore_mem>>)
          %dma_wait3A_56 = arith.constant 9984 : i32
          %dma_wait3A_57 = arith.constant 0 : i32
          %dma_wait3A_58 = tpu.memref_slice %arg12[%dma_wait3A_56, %dma_wait3A_57] : memref<10000x64xf32, #tpu.memory_space<vmem_shared>> -> memref<16x64xf32, #tpu.memory_space<vmem_shared>>
          %dma_wait3A_59 = arith.constant 9984 : i32
          %dma_wait3A_60 = arith.constant 0 : i32
          %dma_wait3A_61 = tpu.memref_slice %arg3[%dma_wait3A_59, %dma_wait3A_60] : memref<10000x64xf32, #tpu.memory_space<hbm>> -> memref<16x64xf32, #tpu.memory_space<hbm>>
          tpu.wait_dma2 semaphore(%run_scoped3A : memref<!tpu.dma_semaphore, #tpu.memory_space<semaphore_mem>>) src(%dma_wait3A_61 : memref<16x64xf32, #tpu.memory_space<hbm>>) dst(%dma_wait3A_58 : memref<16x64xf32, #tpu.memory_space<vmem_shared>>)
          tpu.yield
        }) : () -> ()
      } else {
      }
      %barrier3A = arith.constant 0 : index
      tpu.barrier barrier_id(%barrier3A)
      %dma_start3A_33 = arith.constant 0 : i32
      %dma_start3A_34 = tpu.memref_slice %arg8[%dma_start3A_33] : memref<20000xi32, #tpu.memory_space<vmem>> -> memref<80xi32, #tpu.memory_space<vmem>>
      %dma_start3A_35 = arith.constant 0 : i32
      %dma_start3A_36 = arith.constant 0 : i32
      %dma_start3A_37 = tpu.memref_slice %arg3[%dma_start3A_35, %dma_start3A_36] : memref<10000x64xf32, #tpu.memory_space<hbm>> -> memref<10000x64xf32, #tpu.memory_space<hbm>>
      tpu.enqueue_indirect_dma source(%dma_start3A_37 : memref<10000x64xf32, #tpu.memory_space<hbm>>) target(%arg10 : memref<80x64xf32, #tpu.memory_space<vmem>>) offsets(%dma_start3A_34 : memref<80xi32, #tpu.memory_space<vmem>>) semaphore(%arg13 : memref<!tpu.dma_semaphore, #tpu.memory_space<semaphore_mem>>)
      %scan3A = arith.constant 0 : i32
      %scan3A_38 = arith.constant 0 : i32
      %scan3A_39 = arith.constant 125 : i32
      %scan3A_40 = arith.addi %scan3A_38, %scan3A_39 : i32
      %scan3A_41 = arith.constant 1 : i32
      %scan3A_42 = scf.for %scan3A_50 = %scan3A_38 to %scan3A_40 step %scan3A_41 iter_args(%scan3A_51 = %scan3A) -> (i32)  : i32 {
        %mul3A_52 = arith.constant 2 : i32
        %mul3A_53 = arith.muli %mul3A_52, %scan3A_50 : i32
        %add3A = arith.constant 1 : i32
        %add3A_54 = arith.addi %mul3A_53, %add3A : i32
        %mul3A_55 = arith.constant 80 : i32
        %mul3A_56 = arith.muli %add3A_54, %mul3A_55 : i32
        %dma_start3A_57 = tpu.memref_slice %arg8[%mul3A_56] : memref<20000xi32, #tpu.memory_space<vmem>> -> memref<80xi32, #tpu.memory_space<vmem>>
        %dma_start3A_58 = arith.constant 0 : i32
        %dma_start3A_59 = arith.constant 0 : i32
        %dma_start3A_60 = tpu.memref_slice %arg3[%dma_start3A_58, %dma_start3A_59] : memref<10000x64xf32, #tpu.memory_space<hbm>> -> memref<10000x64xf32, #tpu.memory_space<hbm>>
        tpu.enqueue_indirect_dma source(%dma_start3A_60 : memref<10000x64xf32, #tpu.memory_space<hbm>>) target(%arg11 : memref<80x64xf32, #tpu.memory_space<vmem>>) offsets(%dma_start3A_57 : memref<80xi32, #tpu.memory_space<vmem>>) semaphore(%arg14 : memref<!tpu.dma_semaphore, #tpu.memory_space<semaphore_mem>>)
        %mul3A_61 = arith.constant 80 : i32
        %mul3A_62 = arith.muli %mul3A_53, %mul3A_61 : i32
        %dma_wait3A_63 = tpu.memref_slice %arg8[%mul3A_62] : memref<20000xi32, #tpu.memory_space<vmem>> -> memref<80xi32, #tpu.memory_space<vmem>>
        %dma_wait3A_64 = arith.constant 0 : i32
        %dma_wait3A_65 = arith.constant 0 : i32
        %dma_wait3A_66 = tpu.memref_slice %arg3[%dma_wait3A_64, %dma_wait3A_65] : memref<10000x64xf32, #tpu.memory_space<hbm>> -> memref<10000x64xf32, #tpu.memory_space<hbm>>
        tpu.wait_indirect_dma semaphore(%arg13 : memref<!tpu.dma_semaphore, #tpu.memory_space<semaphore_mem>>) src(%dma_wait3A_66 : memref<10000x64xf32, #tpu.memory_space<hbm>>) dst(%arg10 : memref<80x64xf32, #tpu.memory_space<vmem>>)
        "tpu.region"() ({
          %run_scoped3A = tpu.sem_alloc : memref<!tpu.dma_semaphore, #tpu.memory_space<semaphore_mem>>
          %dma_start3A_84 = arith.constant 0 : i32
          %dma_start3A_85 = tpu.memref_slice %arg9[%mul3A_53, %dma_start3A_84] : memref<250x80xi32, #tpu.memory_space<vmem>> -> memref<1x80xi32, #tpu.memory_space<vmem>>
          %dma_start3A_86 = tpu.memref_squeeze %dma_start3A_85 : memref<1x80xi32, #tpu.memory_space<vmem>> -> memref<80xi32, #tpu.memory_space<vmem>>
          %dma_start3A_87 = arith.constant 0 : i32
          %dma_start3A_88 = arith.constant 0 : i32
          %dma_start3A_89 = tpu.memref_slice %arg12[%dma_start3A_87, %dma_start3A_88] : memref<10000x64xf32, #tpu.memory_space<vmem_shared>> -> memref<10000x64xf32, #tpu.memory_space<vmem_shared>>
          tpu.enqueue_indirect_dma source(%arg10 : memref<80x64xf32, #tpu.memory_space<vmem>>) target(%dma_start3A_89 : memref<10000x64xf32, #tpu.memory_space<vmem_shared>>) offsets(%dma_start3A_86 : memref<80xi32, #tpu.memory_space<vmem>>) semaphore(%run_scoped3A : memref<!tpu.dma_semaphore, #tpu.memory_space<semaphore_mem>>) {add = true}
          %dma_wait3A_90 = arith.constant 0 : i32
          %dma_wait3A_91 = tpu.memref_slice %arg9[%mul3A_53, %dma_wait3A_90] : memref<250x80xi32, #tpu.memory_space<vmem>> -> memref<1x80xi32, #tpu.memory_space<vmem>>
          %dma_wait3A_92 = tpu.memref_squeeze %dma_wait3A_91 : memref<1x80xi32, #tpu.memory_space<vmem>> -> memref<80xi32, #tpu.memory_space<vmem>>
          %dma_wait3A_93 = arith.constant 0 : i32
          %dma_wait3A_94 = arith.constant 0 : i32
          %dma_wait3A_95 = tpu.memref_slice %arg12[%dma_wait3A_93, %dma_wait3A_94] : memref<10000x64xf32, #tpu.memory_space<vmem_shared>> -> memref<10000x64xf32, #tpu.memory_space<vmem_shared>>
          tpu.wait_indirect_dma semaphore(%run_scoped3A : memref<!tpu.dma_semaphore, #tpu.memory_space<semaphore_mem>>) src(%arg10 : memref<80x64xf32, #tpu.memory_space<vmem>>) dst(%dma_wait3A_95 : memref<10000x64xf32, #tpu.memory_space<vmem_shared>>)
          tpu.yield
        }) : () -> ()
        %add3A_67 = arith.constant 1 : i32
        %add3A_68 = arith.addi %scan3A_50, %add3A_67 : i32
        %lt3A = arith.constant 125 : i32
        %lt3A_69 = arith.cmpi slt, %add3A_68, %lt3A : i32
        %convert_element_type3A_70 = arith.extui %lt3A_69 : i1 to i32
        %cond3A_71 = arith.constant 0 : i32
        %cond3A_72 = arith.cmpi ne, %convert_element_type3A_70, %cond3A_71 : i32
        scf.if %cond3A_72 {
          %add3A_84 = arith.constant 2 : i32
          %add3A_85 = arith.addi %mul3A_53, %add3A_84 : i32
          %mul3A_86 = arith.constant 80 : i32
          %mul3A_87 = arith.muli %add3A_85, %mul3A_86 : i32
          %dma_start3A_88 = tpu.memref_slice %arg8[%mul3A_87] : memref<20000xi32, #tpu.memory_space<vmem>> -> memref<80xi32, #tpu.memory_space<vmem>>
          %dma_start3A_89 = arith.constant 0 : i32
          %dma_start3A_90 = arith.constant 0 : i32
          %dma_start3A_91 = tpu.memref_slice %arg3[%dma_start3A_89, %dma_start3A_90] : memref<10000x64xf32, #tpu.memory_space<hbm>> -> memref<10000x64xf32, #tpu.memory_space<hbm>>
          tpu.enqueue_indirect_dma source(%dma_start3A_91 : memref<10000x64xf32, #tpu.memory_space<hbm>>) target(%arg10 : memref<80x64xf32, #tpu.memory_space<vmem>>) offsets(%dma_start3A_88 : memref<80xi32, #tpu.memory_space<vmem>>) semaphore(%arg13 : memref<!tpu.dma_semaphore, #tpu.memory_space<semaphore_mem>>)
        } else {
        }
        %add3A_73 = arith.constant 1 : i32
        %add3A_74 = arith.addi %mul3A_53, %add3A_73 : i32
        %mul3A_75 = arith.constant 80 : i32
        %mul3A_76 = arith.muli %add3A_74, %mul3A_75 : i32
        %dma_wait3A_77 = tpu.memref_slice %arg8[%mul3A_76] : memref<20000xi32, #tpu.memory_space<vmem>> -> memref<80xi32, #tpu.memory_space<vmem>>
        %dma_wait3A_78 = arith.constant 0 : i32
        %dma_wait3A_79 = arith.constant 0 : i32
        %dma_wait3A_80 = tpu.memref_slice %arg3[%dma_wait3A_78, %dma_wait3A_79] : memref<10000x64xf32, #tpu.memory_space<hbm>> -> memref<10000x64xf32, #tpu.memory_space<hbm>>
        tpu.wait_indirect_dma semaphore(%arg14 : memref<!tpu.dma_semaphore, #tpu.memory_space<semaphore_mem>>) src(%dma_wait3A_80 : memref<10000x64xf32, #tpu.memory_space<hbm>>) dst(%arg11 : memref<80x64xf32, #tpu.memory_space<vmem>>)
        %add3A_81 = arith.constant 1 : i32
        %add3A_82 = arith.addi %mul3A_53, %add3A_81 : i32
        "tpu.region"() ({
          %run_scoped3A = tpu.sem_alloc : memref<!tpu.dma_semaphore, #tpu.memory_space<semaphore_mem>>
          %dma_start3A_84 = arith.constant 0 : i32
          %dma_start3A_85 = tpu.memref_slice %arg9[%add3A_82, %dma_start3A_84] : memref<250x80xi32, #tpu.memory_space<vmem>> -> memref<1x80xi32, #tpu.memory_space<vmem>>
          %dma_start3A_86 = tpu.memref_squeeze %dma_start3A_85 : memref<1x80xi32, #tpu.memory_space<vmem>> -> memref<80xi32, #tpu.memory_space<vmem>>
          %dma_start3A_87 = arith.constant 0 : i32
          %dma_start3A_88 = arith.constant 0 : i32
          %dma_start3A_89 = tpu.memref_slice %arg12[%dma_start3A_87, %dma_start3A_88] : memref<10000x64xf32, #tpu.memory_space<vmem_shared>> -> memref<10000x64xf32, #tpu.memory_space<vmem_shared>>
          tpu.enqueue_indirect_dma source(%arg11 : memref<80x64xf32, #tpu.memory_space<vmem>>) target(%dma_start3A_89 : memref<10000x64xf32, #tpu.memory_space<vmem_shared>>) offsets(%dma_start3A_86 : memref<80xi32, #tpu.memory_space<vmem>>) semaphore(%run_scoped3A : memref<!tpu.dma_semaphore, #tpu.memory_space<semaphore_mem>>) {add = true}
          %dma_wait3A_90 = arith.constant 0 : i32
          %dma_wait3A_91 = tpu.memref_slice %arg9[%add3A_82, %dma_wait3A_90] : memref<250x80xi32, #tpu.memory_space<vmem>> -> memref<1x80xi32, #tpu.memory_space<vmem>>
          %dma_wait3A_92 = tpu.memref_squeeze %dma_wait3A_91 : memref<1x80xi32, #tpu.memory_space<vmem>> -> memref<80xi32, #tpu.memory_space<vmem>>
          %dma_wait3A_93 = arith.constant 0 : i32
          %dma_wait3A_94 = arith.constant 0 : i32
          %dma_wait3A_95 = tpu.memref_slice %arg12[%dma_wait3A_93, %dma_wait3A_94] : memref<10000x64xf32, #tpu.memory_space<vmem_shared>> -> memref<10000x64xf32, #tpu.memory_space<vmem_shared>>
          tpu.wait_indirect_dma semaphore(%run_scoped3A : memref<!tpu.dma_semaphore, #tpu.memory_space<semaphore_mem>>) src(%arg11 : memref<80x64xf32, #tpu.memory_space<vmem>>) dst(%dma_wait3A_95 : memref<10000x64xf32, #tpu.memory_space<vmem_shared>>)
          tpu.yield
        }) : () -> ()
        %scan3A_83 = arith.constant 0 : i32
        scf.yield %scan3A_83 : i32
      }
      %scan3A_43 = arith.constant 125 : i32
      %barrier3A_44 = arith.constant 0 : index
      tpu.barrier barrier_id(%barrier3A_44)
      "tpu.region"() ({
        %run_scoped3A = tpu.sem_alloc : memref<!tpu.dma_semaphore, #tpu.memory_space<semaphore_mem>>
        %dma_start3A_50 = arith.constant 0 : i32
        %dma_start3A_51 = tpu.memref_slice %arg7[%mul3A_2, %dma_start3A_50] : memref<10000x64xf32, #tpu.memory_space<hbm>> -> memref<624x64xf32, #tpu.memory_space<hbm>>
        %dma_start3A_52 = arith.constant 0 : i32
        %dma_start3A_53 = tpu.memref_slice %arg12[%mul3A_2, %dma_start3A_52] : memref<10000x64xf32, #tpu.memory_space<vmem_shared>> -> memref<624x64xf32, #tpu.memory_space<vmem_shared>>
        tpu.enqueue_dma source(%dma_start3A_53 : memref<624x64xf32, #tpu.memory_space<vmem_shared>>) target(%dma_start3A_51 : memref<624x64xf32, #tpu.memory_space<hbm>>) target_semaphore(%run_scoped3A : memref<!tpu.dma_semaphore, #tpu.memory_space<semaphore_mem>>)
        %dma_wait3A_54 = arith.constant 0 : i32
        %dma_wait3A_55 = tpu.memref_slice %arg7[%mul3A_2, %dma_wait3A_54] : memref<10000x64xf32, #tpu.memory_space<hbm>> -> memref<624x64xf32, #tpu.memory_space<hbm>>
        %dma_wait3A_56 = arith.constant 0 : i32
        %dma_wait3A_57 = tpu.memref_slice %arg12[%mul3A_2, %dma_wait3A_56] : memref<10000x64xf32, #tpu.memory_space<vmem_shared>> -> memref<624x64xf32, #tpu.memory_space<vmem_shared>>
        tpu.wait_dma2 semaphore(%run_scoped3A : memref<!tpu.dma_semaphore, #tpu.memory_space<semaphore_mem>>) src(%dma_wait3A_57 : memref<624x64xf32, #tpu.memory_space<vmem_shared>>) dst(%dma_wait3A_55 : memref<624x64xf32, #tpu.memory_space<hbm>>)
        tpu.yield
      }) : () -> ()
      %eq3A_45 = arith.constant 0 : i32
      %eq3A_46 = arith.cmpi eq, %arg1, %eq3A_45 : i32
      %convert_element_type3A_47 = arith.extui %eq3A_46 : i1 to i32
      %cond3A_48 = arith.constant 0 : i32
      %cond3A_49 = arith.cmpi ne, %convert_element_type3A_47, %cond3A_48 : i32
      scf.if %cond3A_49 {
        "tpu.region"() ({
          %run_scoped3A = tpu.sem_alloc : memref<!tpu.dma_semaphore, #tpu.memory_space<semaphore_mem>>
          %dma_start3A_50 = arith.constant 9984 : i32
          %dma_start3A_51 = arith.constant 0 : i32
          %dma_start3A_52 = tpu.memref_slice %arg7[%dma_start3A_50, %dma_start3A_51] : memref<10000x64xf32, #tpu.memory_space<hbm>> -> memref<16x64xf32, #tpu.memory_space<hbm>>
          %dma_start3A_53 = arith.constant 9984 : i32
          %dma_start3A_54 = arith.constant 0 : i32
          %dma_start3A_55 = tpu.memref_slice %arg12[%dma_start3A_53, %dma_start3A_54] : memref<10000x64xf32, #tpu.memory_space<vmem_shared>> -> memref<16x64xf32, #tpu.memory_space<vmem_shared>>
          tpu.enqueue_dma source(%dma_start3A_55 : memref<16x64xf32, #tpu.memory_space<vmem_shared>>) target(%dma_start3A_52 : memref<16x64xf32, #tpu.memory_space<hbm>>) target_semaphore(%run_scoped3A : memref<!tpu.dma_semaphore, #tpu.memory_space<semaphore_mem>>)
          %dma_wait3A_56 = arith.constant 9984 : i32
          %dma_wait3A_57 = arith.constant 0 : i32
          %dma_wait3A_58 = tpu.memref_slice %arg7[%dma_wait3A_56, %dma_wait3A_57] : memref<10000x64xf32, #tpu.memory_space<hbm>> -> memref<16x64xf32, #tpu.memory_space<hbm>>
          %dma_wait3A_59 = arith.constant 9984 : i32
          %dma_wait3A_60 = arith.constant 0 : i32
          %dma_wait3A_61 = tpu.memref_slice %arg12[%dma_wait3A_59, %dma_wait3A_60] : memref<10000x64xf32, #tpu.memory_space<vmem_shared>> -> memref<16x64xf32, #tpu.memory_space<vmem_shared>>
          tpu.wait_dma2 semaphore(%run_scoped3A : memref<!tpu.dma_semaphore, #tpu.memory_space<semaphore_mem>>) src(%dma_wait3A_61 : memref<16x64xf32, #tpu.memory_space<vmem_shared>>) dst(%dma_wait3A_58 : memref<16x64xf32, #tpu.memory_space<hbm>>)
          tpu.yield
        }) : () -> ()
      } else {
      }
    } else {
    }
    return
  }
}

#map = affine_map<(d0, d1) -> (0)>
module attributes {stable_mosaic.version = 14 : i64} {
  func.func @_deg_body(%arg0: i32, %arg1: i32, %arg2: memref<320000xi32, #tpu.memory_space<hbm>>, %arg3: memref<320000xf32, #tpu.memory_space<hbm>>, %arg4: memref<10000xi32, #tpu.memory_space<vmem>>, %arg5: memref<10000xf32, #tpu.memory_space<vmem>>, %arg6: memref<!tpu.dma_semaphore, #tpu.memory_space<semaphore_mem>>) attributes {dimension_semantics = [#tpu.dimension_semantics<core_parallel>, #tpu.dimension_semantics<subcore_parallel>], iteration_bounds = array<i64: 2, 16>, scalar_prefetch = 0 : i64, scratch_operands = 3 : i64, tpu.core_type = #tpu.core_type<sc_vector_subcore>, window_params = [{transform_indices = #map}, {transform_indices = #map}]} {
    %mul3A = arith.constant 16 : i32
    %mul3A_0 = arith.muli %arg0, %mul3A : i32
    %add3A = arith.addi %mul3A_0, %arg1 : i32
    %broadcast_in_dim3A = arith.constant 0.000000e+00 : f32
    %broadcast_in_dim3A_1 = vector.broadcast %broadcast_in_dim3A : f32 to vector<16xf32>
    %scan3A = arith.constant 0 : i32
    %scan3A_2 = arith.constant 0 : i32
    %scan3A_3 = arith.constant 624 : i32
    %scan3A_4 = arith.addi %scan3A_2, %scan3A_3 : i32
    %scan3A_5 = arith.constant 4 : i32
    %scan3A_6 = scf.for %scan3A_39 = %scan3A_2 to %scan3A_4 step %scan3A_5 iter_args(%scan3A_40 = %scan3A) -> (i32)  : i32 {
      %mul3A_41 = arith.constant 16 : i32
      %mul3A_42 = arith.muli %scan3A_39, %mul3A_41 : i32
      %swap3A_43 = arith.index_cast %mul3A_42 : i32 to index
      %swap3A_44 = tpu.vector_load %arg5[%swap3A_43] {strides = array<i32>} : memref<10000xf32, #tpu.memory_space<vmem>>, vector<16xf32>,
      tpu.vector_store %arg5[%swap3A_43], %broadcast_in_dim3A_1 {strides = array<i32>} : memref<10000xf32, #tpu.memory_space<vmem>>, vector<16xf32>,
      %scan3A_45 = arith.constant 0 : i32
      %scan3A_46 = arith.constant 1 : i32
      %scan3A_47 = arith.addi %scan3A_39, %scan3A_46 : i32
      %mul3A_48 = arith.constant 16 : i32
      %mul3A_49 = arith.muli %scan3A_47, %mul3A_48 : i32
      %swap3A_50 = arith.index_cast %mul3A_49 : i32 to index
      %swap3A_51 = tpu.vector_load %arg5[%swap3A_50] {strides = array<i32>} : memref<10000xf32, #tpu.memory_space<vmem>>, vector<16xf32>,
      tpu.vector_store %arg5[%swap3A_50], %broadcast_in_dim3A_1 {strides = array<i32>} : memref<10000xf32, #tpu.memory_space<vmem>>, vector<16xf32>,
      %scan3A_52 = arith.constant 0 : i32
      %scan3A_53 = arith.constant 2 : i32
      %scan3A_54 = arith.addi %scan3A_39, %scan3A_53 : i32
      %mul3A_55 = arith.constant 16 : i32
      %mul3A_56 = arith.muli %scan3A_54, %mul3A_55 : i32
      %swap3A_57 = arith.index_cast %mul3A_56 : i32 to index
      %swap3A_58 = tpu.vector_load %arg5[%swap3A_57] {strides = array<i32>} : memref<10000xf32, #tpu.memory_space<vmem>>, vector<16xf32>,
      tpu.vector_store %arg5[%swap3A_57], %broadcast_in_dim3A_1 {strides = array<i32>} : memref<10000xf32, #tpu.memory_space<vmem>>, vector<16xf32>,
      %scan3A_59 = arith.constant 0 : i32
      %scan3A_60 = arith.constant 3 : i32
      %scan3A_61 = arith.addi %scan3A_39, %scan3A_60 : i32
      %mul3A_62 = arith.constant 16 : i32
      %mul3A_63 = arith.muli %scan3A_61, %mul3A_62 : i32
      %swap3A_64 = arith.index_cast %mul3A_63 : i32 to index
      %swap3A_65 = tpu.vector_load %arg5[%swap3A_64] {strides = array<i32>} : memref<10000xf32, #tpu.memory_space<vmem>>, vector<16xf32>,
      tpu.vector_store %arg5[%swap3A_64], %broadcast_in_dim3A_1 {strides = array<i32>} : memref<10000xf32, #tpu.memory_space<vmem>>, vector<16xf32>,
      %scan3A_66 = arith.constant 0 : i32
      scf.yield %scan3A_66 : i32
    }
    %scan3A_7 = arith.constant 624 : i32
    %scan3A_8 = arith.addi %scan3A_2, %scan3A_7 : i32
    %mul3A_9 = arith.constant 16 : i32
    %mul3A_10 = arith.muli %scan3A_8, %mul3A_9 : i32
    %swap3A = arith.index_cast %mul3A_10 : i32 to index
    %swap3A_11 = tpu.vector_load %arg5[%swap3A] {strides = array<i32>} : memref<10000xf32, #tpu.memory_space<vmem>>, vector<16xf32>,
    tpu.vector_store %arg5[%swap3A], %broadcast_in_dim3A_1 {strides = array<i32>} : memref<10000xf32, #tpu.memory_space<vmem>>, vector<16xf32>,
    %scan3A_12 = arith.constant 0 : i32
    %scan3A_13 = arith.constant 625 : i32
    %mul3A_14 = arith.constant 10000 : i32
    %mul3A_15 = arith.muli %add3A, %mul3A_14 : i32
    %dma_start3A = tpu.memref_slice %arg2[%mul3A_15] : memref<320000xi32, #tpu.memory_space<hbm>> -> memref<10000xi32, #tpu.memory_space<hbm>>
    %dma_start3A_16 = tpu.memref_slice %arg2[%mul3A_15] : memref<320000xi32, #tpu.memory_space<hbm>> -> memref<10000xi32, #tpu.memory_space<hbm>>
    tpu.enqueue_dma source(%dma_start3A_16 : memref<10000xi32, #tpu.memory_space<hbm>>) target(%arg4 : memref<10000xi32, #tpu.memory_space<vmem>>) target_semaphore(%arg6 : memref<!tpu.dma_semaphore, #tpu.memory_space<semaphore_mem>>)
    %dma_wait3A = tpu.memref_slice %arg2[%mul3A_15] : memref<320000xi32, #tpu.memory_space<hbm>> -> memref<10000xi32, #tpu.memory_space<hbm>>
    %dma_wait3A_17 = tpu.memref_slice %arg2[%mul3A_15] : memref<320000xi32, #tpu.memory_space<hbm>> -> memref<10000xi32, #tpu.memory_space<hbm>>
    tpu.wait_dma2 semaphore(%arg6 : memref<!tpu.dma_semaphore, #tpu.memory_space<semaphore_mem>>) src(%dma_wait3A_17 : memref<10000xi32, #tpu.memory_space<hbm>>) dst(%arg4 : memref<10000xi32, #tpu.memory_space<vmem>>)
    %broadcast_in_dim3A_18 = arith.constant 1.000000e+00 : f32
    %broadcast_in_dim3A_19 = vector.broadcast %broadcast_in_dim3A_18 : f32 to vector<16xf32>
    %scan3A_20 = arith.constant 0 : i32
    %scan3A_21 = arith.constant 0 : i32
    %scan3A_22 = arith.constant 624 : i32
    %scan3A_23 = arith.addi %scan3A_21, %scan3A_22 : i32
    %scan3A_24 = arith.constant 4 : i32
    %scan3A_25 = scf.for %scan3A_39 = %scan3A_21 to %scan3A_23 step %scan3A_24 iter_args(%scan3A_40 = %scan3A_20) -> (i32)  : i32 {
      %mul3A_41 = arith.constant 16 : i32
      %mul3A_42 = arith.muli %scan3A_39, %mul3A_41 : i32
      %get3A_43 = arith.index_cast %mul3A_42 : i32 to index
      %get3A_44 = tpu.vector_load %arg4[%get3A_43] {strides = array<i32>} : memref<10000xi32, #tpu.memory_space<vmem>>, vector<16xi32>,
      tpu.vector_store_idx %arg5[%get3A_44], %broadcast_in_dim3A_19 {add = true} : memref<10000xf32, #tpu.memory_space<vmem>>[vector<16xi32>], vector<16xf32>,
      %scan3A_45 = arith.constant 0 : i32
      %scan3A_46 = arith.constant 1 : i32
      %scan3A_47 = arith.addi %scan3A_39, %scan3A_46 : i32
      %mul3A_48 = arith.constant 16 : i32
      %mul3A_49 = arith.muli %scan3A_47, %mul3A_48 : i32
      %get3A_50 = arith.index_cast %mul3A_49 : i32 to index
      %get3A_51 = tpu.vector_load %arg4[%get3A_50] {strides = array<i32>} : memref<10000xi32, #tpu.memory_space<vmem>>, vector<16xi32>,
      tpu.vector_store_idx %arg5[%get3A_51], %broadcast_in_dim3A_19 {add = true} : memref<10000xf32, #tpu.memory_space<vmem>>[vector<16xi32>], vector<16xf32>,
      %scan3A_52 = arith.constant 0 : i32
      %scan3A_53 = arith.constant 2 : i32
      %scan3A_54 = arith.addi %scan3A_39, %scan3A_53 : i32
      %mul3A_55 = arith.constant 16 : i32
      %mul3A_56 = arith.muli %scan3A_54, %mul3A_55 : i32
      %get3A_57 = arith.index_cast %mul3A_56 : i32 to index
      %get3A_58 = tpu.vector_load %arg4[%get3A_57] {strides = array<i32>} : memref<10000xi32, #tpu.memory_space<vmem>>, vector<16xi32>,
      tpu.vector_store_idx %arg5[%get3A_58], %broadcast_in_dim3A_19 {add = true} : memref<10000xf32, #tpu.memory_space<vmem>>[vector<16xi32>], vector<16xf32>,
      %scan3A_59 = arith.constant 0 : i32
      %scan3A_60 = arith.constant 3 : i32
      %scan3A_61 = arith.addi %scan3A_39, %scan3A_60 : i32
      %mul3A_62 = arith.constant 16 : i32
      %mul3A_63 = arith.muli %scan3A_61, %mul3A_62 : i32
      %get3A_64 = arith.index_cast %mul3A_63 : i32 to index
      %get3A_65 = tpu.vector_load %arg4[%get3A_64] {strides = array<i32>} : memref<10000xi32, #tpu.memory_space<vmem>>, vector<16xi32>,
      tpu.vector_store_idx %arg5[%get3A_65], %broadcast_in_dim3A_19 {add = true} : memref<10000xf32, #tpu.memory_space<vmem>>[vector<16xi32>], vector<16xf32>,
      %scan3A_66 = arith.constant 0 : i32
      scf.yield %scan3A_66 : i32
    }
    %scan3A_26 = arith.constant 624 : i32
    %scan3A_27 = arith.addi %scan3A_21, %scan3A_26 : i32
    %mul3A_28 = arith.constant 16 : i32
    %mul3A_29 = arith.muli %scan3A_27, %mul3A_28 : i32
    %get3A = arith.index_cast %mul3A_29 : i32 to index
    %get3A_30 = tpu.vector_load %arg4[%get3A] {strides = array<i32>} : memref<10000xi32, #tpu.memory_space<vmem>>, vector<16xi32>,
    tpu.vector_store_idx %arg5[%get3A_30], %broadcast_in_dim3A_19 {add = true} : memref<10000xf32, #tpu.memory_space<vmem>>[vector<16xi32>], vector<16xf32>,
    %scan3A_31 = arith.constant 0 : i32
    %scan3A_32 = arith.constant 625 : i32
    %mul3A_33 = arith.constant 10000 : i32
    %mul3A_34 = arith.muli %add3A, %mul3A_33 : i32
    %dma_start3A_35 = tpu.memref_slice %arg3[%mul3A_34] : memref<320000xf32, #tpu.memory_space<hbm>> -> memref<10000xf32, #tpu.memory_space<hbm>>
    %dma_start3A_36 = tpu.memref_slice %arg3[%mul3A_34] : memref<320000xf32, #tpu.memory_space<hbm>> -> memref<10000xf32, #tpu.memory_space<hbm>>
    tpu.enqueue_dma source(%arg5 : memref<10000xf32, #tpu.memory_space<vmem>>) target(%dma_start3A_36 : memref<10000xf32, #tpu.memory_space<hbm>>) target_semaphore(%arg6 : memref<!tpu.dma_semaphore, #tpu.memory_space<semaphore_mem>>)
    %dma_wait3A_37 = tpu.memref_slice %arg3[%mul3A_34] : memref<320000xf32, #tpu.memory_space<hbm>> -> memref<10000xf32, #tpu.memory_space<hbm>>
    %dma_wait3A_38 = tpu.memref_slice %arg3[%mul3A_34] : memref<320000xf32, #tpu.memory_space<hbm>> -> memref<10000xf32, #tpu.memory_space<hbm>>
    tpu.wait_dma2 semaphore(%arg6 : memref<!tpu.dma_semaphore, #tpu.memory_space<semaphore_mem>>) src(%arg5 : memref<10000xf32, #tpu.memory_space<vmem>>) dst(%dma_wait3A_38 : memref<10000xf32, #tpu.memory_space<hbm>>)
    return
  }
}

#map = affine_map<(d0, d1) -> (0, 0)>
#map1 = affine_map<(d0, d1) -> (0)>
#map2 = affine_map<(d0, d1) -> (0, 0, 0)>
module attributes {stable_mosaic.version = 14 : i64} {
  func.func @_agg_body(%arg0: i32, %arg1: i32, %arg2: memref<10000x64xf32, #tpu.memory_space<hbm>>, %arg3: memref<10000x64xf32, #tpu.memory_space<hbm>>, %arg4: memref<320000xi32, #tpu.memory_space<hbm>>, %arg5: memref<16x250x80xi32, #tpu.memory_space<hbm>>, %arg6: memref<10000x64xf32, #tpu.memory_space<hbm>>, %arg7: memref<10000x64xf32, #tpu.memory_space<hbm>>, %arg8: memref<20000xi32, #tpu.memory_space<vmem>>, %arg9: memref<250x80xi32, #tpu.memory_space<vmem>>, %arg10: memref<80x64xf32, #tpu.memory_space<vmem>>, %arg11: memref<80x64xf32, #tpu.memory_space<vmem>>, %arg12: memref<10000x64xf32, #tpu.memory_space<vmem_shared>>, %arg13: memref<!tpu.dma_semaphore, #tpu.memory_space<semaphore_mem>>, %arg14: memref<!tpu.dma_semaphore, #tpu.memory_space<semaphore_mem>>) attributes {dimension_semantics = [#tpu.dimension_semantics<core_parallel>, #tpu.dimension_semantics<subcore_parallel>], iteration_bounds = array<i64: 2, 16>, scalar_prefetch = 0 : i64, scratch_operands = 7 : i64, tpu.core_type = #tpu.core_type<sc_vector_subcore>, window_params = [{transform_indices = #map}, {transform_indices = #map}, {transform_indices = #map1}, {transform_indices = #map2}, {transform_indices = #map}, {transform_indices = #map}]} {
    %mul3A = arith.constant 20000 : i32
    %mul3A_0 = arith.muli %arg1, %mul3A : i32
    %mul3A_1 = arith.constant 624 : i32
    %mul3A_2 = arith.muli %arg1, %mul3A_1 : i32
    %dma_start3A = tpu.memref_slice %arg4[%mul3A_0] : memref<320000xi32, #tpu.memory_space<hbm>> -> memref<20000xi32, #tpu.memory_space<hbm>>
    %dma_start3A_3 = tpu.memref_slice %arg4[%mul3A_0] : memref<320000xi32, #tpu.memory_space<hbm>> -> memref<20000xi32, #tpu.memory_space<hbm>>
    tpu.enqueue_dma source(%dma_start3A_3 : memref<20000xi32, #tpu.memory_space<hbm>>) target(%arg8 : memref<20000xi32, #tpu.memory_space<vmem>>) target_semaphore(%arg13 : memref<!tpu.dma_semaphore, #tpu.memory_space<semaphore_mem>>)
    %dma_wait3A = tpu.memref_slice %arg4[%mul3A_0] : memref<320000xi32, #tpu.memory_space<hbm>> -> memref<20000xi32, #tpu.memory_space<hbm>>
    %dma_wait3A_4 = tpu.memref_slice %arg4[%mul3A_0] : memref<320000xi32, #tpu.memory_space<hbm>> -> memref<20000xi32, #tpu.memory_space<hbm>>
    tpu.wait_dma2 semaphore(%arg13 : memref<!tpu.dma_semaphore, #tpu.memory_space<semaphore_mem>>) src(%dma_wait3A_4 : memref<20000xi32, #tpu.memory_space<hbm>>) dst(%arg8 : memref<20000xi32, #tpu.memory_space<vmem>>)
    %dma_start3A_5 = arith.constant 0 : i32
    %dma_start3A_6 = arith.constant 0 : i32
    %dma_start3A_7 = tpu.memref_slice %arg5[%arg1, %dma_start3A_5, %dma_start3A_6] : memref<16x250x80xi32, #tpu.memory_space<hbm>> -> memref<1x250x80xi32, #tpu.memory_space<hbm>>
    %dma_start3A_8 = tpu.memref_squeeze %dma_start3A_7 : memref<1x250x80xi32, #tpu.memory_space<hbm>> -> memref<250x80xi32, #tpu.memory_space<hbm>>
    %dma_start3A_9 = arith.constant 0 : i32
    %dma_start3A_10 = arith.constant 0 : i32
    %dma_start3A_11 = tpu.memref_slice %arg5[%arg1, %dma_start3A_9, %dma_start3A_10] : memref<16x250x80xi32, #tpu.memory_space<hbm>> -> memref<1x250x80xi32, #tpu.memory_space<hbm>>
    %dma_start3A_12 = tpu.memref_squeeze %dma_start3A_11 : memref<1x250x80xi32, #tpu.memory_space<hbm>> -> memref<250x80xi32, #tpu.memory_space<hbm>>
    tpu.enqueue_dma source(%dma_start3A_12 : memref<250x80xi32, #tpu.memory_space<hbm>>) target(%arg9 : memref<250x80xi32, #tpu.memory_space<vmem>>) target_semaphore(%arg13 : memref<!tpu.dma_semaphore, #tpu.memory_space<semaphore_mem>>)
    %dma_wait3A_13 = arith.constant 0 : i32
    %dma_wait3A_14 = arith.constant 0 : i32
    %dma_wait3A_15 = tpu.memref_slice %arg5[%arg1, %dma_wait3A_13, %dma_wait3A_14] : memref<16x250x80xi32, #tpu.memory_space<hbm>> -> memref<1x250x80xi32, #tpu.memory_space<hbm>>
    %dma_wait3A_16 = tpu.memref_squeeze %dma_wait3A_15 : memref<1x250x80xi32, #tpu.memory_space<hbm>> -> memref<250x80xi32, #tpu.memory_space<hbm>>
    %dma_wait3A_17 = arith.constant 0 : i32
    %dma_wait3A_18 = arith.constant 0 : i32
    %dma_wait3A_19 = tpu.memref_slice %arg5[%arg1, %dma_wait3A_17, %dma_wait3A_18] : memref<16x250x80xi32, #tpu.memory_space<hbm>> -> memref<1x250x80xi32, #tpu.memory_space<hbm>>
    %dma_wait3A_20 = tpu.memref_squeeze %dma_wait3A_19 : memref<1x250x80xi32, #tpu.memory_space<hbm>> -> memref<250x80xi32, #tpu.memory_space<hbm>>
    tpu.wait_dma2 semaphore(%arg13 : memref<!tpu.dma_semaphore, #tpu.memory_space<semaphore_mem>>) src(%dma_wait3A_20 : memref<250x80xi32, #tpu.memory_space<hbm>>) dst(%arg9 : memref<250x80xi32, #tpu.memory_space<vmem>>)
    %eq3A = arith.constant 0 : i32
    %eq3A_21 = arith.cmpi eq, %arg0, %eq3A : i32
    %convert_element_type3A = arith.extui %eq3A_21 : i1 to i32
    %cond3A = arith.constant 0 : i32
    %cond3A_22 = arith.cmpi ne, %convert_element_type3A, %cond3A : i32
    scf.if %cond3A_22 {
      "tpu.region"() ({
        %run_scoped3A = tpu.sem_alloc : memref<!tpu.dma_semaphore, #tpu.memory_space<semaphore_mem>>
        %dma_start3A_50 = arith.constant 0 : i32
        %dma_start3A_51 = tpu.memref_slice %arg12[%mul3A_2, %dma_start3A_50] : memref<10000x64xf32, #tpu.memory_space<vmem_shared>> -> memref<624x64xf32, #tpu.memory_space<vmem_shared>>
        %dma_start3A_52 = arith.constant 0 : i32
        %dma_start3A_53 = tpu.memref_slice %arg2[%mul3A_2, %dma_start3A_52] : memref<10000x64xf32, #tpu.memory_space<hbm>> -> memref<624x64xf32, #tpu.memory_space<hbm>>
        tpu.enqueue_dma source(%dma_start3A_53 : memref<624x64xf32, #tpu.memory_space<hbm>>) target(%dma_start3A_51 : memref<624x64xf32, #tpu.memory_space<vmem_shared>>) target_semaphore(%run_scoped3A : memref<!tpu.dma_semaphore, #tpu.memory_space<semaphore_mem>>)
        %dma_wait3A_54 = arith.constant 0 : i32
        %dma_wait3A_55 = tpu.memref_slice %arg12[%mul3A_2, %dma_wait3A_54] : memref<10000x64xf32, #tpu.memory_space<vmem_shared>> -> memref<624x64xf32, #tpu.memory_space<vmem_shared>>
        %dma_wait3A_56 = arith.constant 0 : i32
        %dma_wait3A_57 = tpu.memref_slice %arg2[%mul3A_2, %dma_wait3A_56] : memref<10000x64xf32, #tpu.memory_space<hbm>> -> memref<624x64xf32, #tpu.memory_space<hbm>>
        tpu.wait_dma2 semaphore(%run_scoped3A : memref<!tpu.dma_semaphore, #tpu.memory_space<semaphore_mem>>) src(%dma_wait3A_57 : memref<624x64xf32, #tpu.memory_space<hbm>>) dst(%dma_wait3A_55 : memref<624x64xf32, #tpu.memory_space<vmem_shared>>)
        tpu.yield
      }) : () -> ()
      %eq3A_28 = arith.constant 0 : i32
      %eq3A_29 = arith.cmpi eq, %arg1, %eq3A_28 : i32
      %convert_element_type3A_30 = arith.extui %eq3A_29 : i1 to i32
      %cond3A_31 = arith.constant 0 : i32
      %cond3A_32 = arith.cmpi ne, %convert_element_type3A_30, %cond3A_31 : i32
      scf.if %cond3A_32 {
        "tpu.region"() ({
          %run_scoped3A = tpu.sem_alloc : memref<!tpu.dma_semaphore, #tpu.memory_space<semaphore_mem>>
          %dma_start3A_50 = arith.constant 9984 : i32
          %dma_start3A_51 = arith.constant 0 : i32
          %dma_start3A_52 = tpu.memref_slice %arg12[%dma_start3A_50, %dma_start3A_51] : memref<10000x64xf32, #tpu.memory_space<vmem_shared>> -> memref<16x64xf32, #tpu.memory_space<vmem_shared>>
          %dma_start3A_53 = arith.constant 9984 : i32
          %dma_start3A_54 = arith.constant 0 : i32
          %dma_start3A_55 = tpu.memref_slice %arg2[%dma_start3A_53, %dma_start3A_54] : memref<10000x64xf32, #tpu.memory_space<hbm>> -> memref<16x64xf32, #tpu.memory_space<hbm>>
          tpu.enqueue_dma source(%dma_start3A_55 : memref<16x64xf32, #tpu.memory_space<hbm>>) target(%dma_start3A_52 : memref<16x64xf32, #tpu.memory_space<vmem_shared>>) target_semaphore(%run_scoped3A : memref<!tpu.dma_semaphore, #tpu.memory_space<semaphore_mem>>)
          %dma_wait3A_56 = arith.constant 9984 : i32
          %dma_wait3A_57 = arith.constant 0 : i32
          %dma_wait3A_58 = tpu.memref_slice %arg12[%dma_wait3A_56, %dma_wait3A_57] : memref<10000x64xf32, #tpu.memory_space<vmem_shared>> -> memref<16x64xf32, #tpu.memory_space<vmem_shared>>
          %dma_wait3A_59 = arith.constant 9984 : i32
          %dma_wait3A_60 = arith.constant 0 : i32
          %dma_wait3A_61 = tpu.memref_slice %arg2[%dma_wait3A_59, %dma_wait3A_60] : memref<10000x64xf32, #tpu.memory_space<hbm>> -> memref<16x64xf32, #tpu.memory_space<hbm>>
          tpu.wait_dma2 semaphore(%run_scoped3A : memref<!tpu.dma_semaphore, #tpu.memory_space<semaphore_mem>>) src(%dma_wait3A_61 : memref<16x64xf32, #tpu.memory_space<hbm>>) dst(%dma_wait3A_58 : memref<16x64xf32, #tpu.memory_space<vmem_shared>>)
          tpu.yield
        }) : () -> ()
      } else {
      }
      %barrier3A = arith.constant 0 : index
      tpu.barrier barrier_id(%barrier3A)
      %dma_start3A_33 = arith.constant 0 : i32
      %dma_start3A_34 = tpu.memref_slice %arg8[%dma_start3A_33] : memref<20000xi32, #tpu.memory_space<vmem>> -> memref<80xi32, #tpu.memory_space<vmem>>
      %dma_start3A_35 = arith.constant 0 : i32
      %dma_start3A_36 = arith.constant 0 : i32
      %dma_start3A_37 = tpu.memref_slice %arg2[%dma_start3A_35, %dma_start3A_36] : memref<10000x64xf32, #tpu.memory_space<hbm>> -> memref<10000x64xf32, #tpu.memory_space<hbm>>
      tpu.enqueue_indirect_dma source(%dma_start3A_37 : memref<10000x64xf32, #tpu.memory_space<hbm>>) target(%arg10 : memref<80x64xf32, #tpu.memory_space<vmem>>) offsets(%dma_start3A_34 : memref<80xi32, #tpu.memory_space<vmem>>) semaphore(%arg13 : memref<!tpu.dma_semaphore, #tpu.memory_space<semaphore_mem>>)
      %scan3A = arith.constant 0 : i32
      %scan3A_38 = arith.constant 0 : i32
      %scan3A_39 = arith.constant 125 : i32
      %scan3A_40 = arith.addi %scan3A_38, %scan3A_39 : i32
      %scan3A_41 = arith.constant 1 : i32
      %scan3A_42 = scf.for %scan3A_50 = %scan3A_38 to %scan3A_40 step %scan3A_41 iter_args(%scan3A_51 = %scan3A) -> (i32)  : i32 {
        %mul3A_52 = arith.constant 2 : i32
        %mul3A_53 = arith.muli %mul3A_52, %scan3A_50 : i32
        %add3A = arith.constant 1 : i32
        %add3A_54 = arith.addi %mul3A_53, %add3A : i32
        %mul3A_55 = arith.constant 80 : i32
        %mul3A_56 = arith.muli %add3A_54, %mul3A_55 : i32
        %dma_start3A_57 = tpu.memref_slice %arg8[%mul3A_56] : memref<20000xi32, #tpu.memory_space<vmem>> -> memref<80xi32, #tpu.memory_space<vmem>>
        %dma_start3A_58 = arith.constant 0 : i32
        %dma_start3A_59 = arith.constant 0 : i32
        %dma_start3A_60 = tpu.memref_slice %arg2[%dma_start3A_58, %dma_start3A_59] : memref<10000x64xf32, #tpu.memory_space<hbm>> -> memref<10000x64xf32, #tpu.memory_space<hbm>>
        tpu.enqueue_indirect_dma source(%dma_start3A_60 : memref<10000x64xf32, #tpu.memory_space<hbm>>) target(%arg11 : memref<80x64xf32, #tpu.memory_space<vmem>>) offsets(%dma_start3A_57 : memref<80xi32, #tpu.memory_space<vmem>>) semaphore(%arg14 : memref<!tpu.dma_semaphore, #tpu.memory_space<semaphore_mem>>)
        %mul3A_61 = arith.constant 80 : i32
        %mul3A_62 = arith.muli %mul3A_53, %mul3A_61 : i32
        %dma_wait3A_63 = tpu.memref_slice %arg8[%mul3A_62] : memref<20000xi32, #tpu.memory_space<vmem>> -> memref<80xi32, #tpu.memory_space<vmem>>
        %dma_wait3A_64 = arith.constant 0 : i32
        %dma_wait3A_65 = arith.constant 0 : i32
        %dma_wait3A_66 = tpu.memref_slice %arg2[%dma_wait3A_64, %dma_wait3A_65] : memref<10000x64xf32, #tpu.memory_space<hbm>> -> memref<10000x64xf32, #tpu.memory_space<hbm>>
        tpu.wait_indirect_dma semaphore(%arg13 : memref<!tpu.dma_semaphore, #tpu.memory_space<semaphore_mem>>) src(%dma_wait3A_66 : memref<10000x64xf32, #tpu.memory_space<hbm>>) dst(%arg10 : memref<80x64xf32, #tpu.memory_space<vmem>>)
        "tpu.region"() ({
          %run_scoped3A = tpu.sem_alloc : memref<!tpu.dma_semaphore, #tpu.memory_space<semaphore_mem>>
          %dma_start3A_84 = arith.constant 0 : i32
          %dma_start3A_85 = tpu.memref_slice %arg9[%mul3A_53, %dma_start3A_84] : memref<250x80xi32, #tpu.memory_space<vmem>> -> memref<1x80xi32, #tpu.memory_space<vmem>>
          %dma_start3A_86 = tpu.memref_squeeze %dma_start3A_85 : memref<1x80xi32, #tpu.memory_space<vmem>> -> memref<80xi32, #tpu.memory_space<vmem>>
          %dma_start3A_87 = arith.constant 0 : i32
          %dma_start3A_88 = arith.constant 0 : i32
          %dma_start3A_89 = tpu.memref_slice %arg12[%dma_start3A_87, %dma_start3A_88] : memref<10000x64xf32, #tpu.memory_space<vmem_shared>> -> memref<10000x64xf32, #tpu.memory_space<vmem_shared>>
          tpu.enqueue_indirect_dma source(%arg10 : memref<80x64xf32, #tpu.memory_space<vmem>>) target(%dma_start3A_89 : memref<10000x64xf32, #tpu.memory_space<vmem_shared>>) offsets(%dma_start3A_86 : memref<80xi32, #tpu.memory_space<vmem>>) semaphore(%run_scoped3A : memref<!tpu.dma_semaphore, #tpu.memory_space<semaphore_mem>>) {add = true}
          %dma_wait3A_90 = arith.constant 0 : i32
          %dma_wait3A_91 = tpu.memref_slice %arg9[%mul3A_53, %dma_wait3A_90] : memref<250x80xi32, #tpu.memory_space<vmem>> -> memref<1x80xi32, #tpu.memory_space<vmem>>
          %dma_wait3A_92 = tpu.memref_squeeze %dma_wait3A_91 : memref<1x80xi32, #tpu.memory_space<vmem>> -> memref<80xi32, #tpu.memory_space<vmem>>
          %dma_wait3A_93 = arith.constant 0 : i32
          %dma_wait3A_94 = arith.constant 0 : i32
          %dma_wait3A_95 = tpu.memref_slice %arg12[%dma_wait3A_93, %dma_wait3A_94] : memref<10000x64xf32, #tpu.memory_space<vmem_shared>> -> memref<10000x64xf32, #tpu.memory_space<vmem_shared>>
          tpu.wait_indirect_dma semaphore(%run_scoped3A : memref<!tpu.dma_semaphore, #tpu.memory_space<semaphore_mem>>) src(%arg10 : memref<80x64xf32, #tpu.memory_space<vmem>>) dst(%dma_wait3A_95 : memref<10000x64xf32, #tpu.memory_space<vmem_shared>>)
          tpu.yield
        }) : () -> ()
        %add3A_67 = arith.constant 1 : i32
        %add3A_68 = arith.addi %scan3A_50, %add3A_67 : i32
        %lt3A = arith.constant 125 : i32
        %lt3A_69 = arith.cmpi slt, %add3A_68, %lt3A : i32
        %convert_element_type3A_70 = arith.extui %lt3A_69 : i1 to i32
        %cond3A_71 = arith.constant 0 : i32
        %cond3A_72 = arith.cmpi ne, %convert_element_type3A_70, %cond3A_71 : i32
        scf.if %cond3A_72 {
          %add3A_84 = arith.constant 2 : i32
          %add3A_85 = arith.addi %mul3A_53, %add3A_84 : i32
          %mul3A_86 = arith.constant 80 : i32
          %mul3A_87 = arith.muli %add3A_85, %mul3A_86 : i32
          %dma_start3A_88 = tpu.memref_slice %arg8[%mul3A_87] : memref<20000xi32, #tpu.memory_space<vmem>> -> memref<80xi32, #tpu.memory_space<vmem>>
          %dma_start3A_89 = arith.constant 0 : i32
          %dma_start3A_90 = arith.constant 0 : i32
          %dma_start3A_91 = tpu.memref_slice %arg2[%dma_start3A_89, %dma_start3A_90] : memref<10000x64xf32, #tpu.memory_space<hbm>> -> memref<10000x64xf32, #tpu.memory_space<hbm>>
          tpu.enqueue_indirect_dma source(%dma_start3A_91 : memref<10000x64xf32, #tpu.memory_space<hbm>>) target(%arg10 : memref<80x64xf32, #tpu.memory_space<vmem>>) offsets(%dma_start3A_88 : memref<80xi32, #tpu.memory_space<vmem>>) semaphore(%arg13 : memref<!tpu.dma_semaphore, #tpu.memory_space<semaphore_mem>>)
        } else {
        }
        %add3A_73 = arith.constant 1 : i32
        %add3A_74 = arith.addi %mul3A_53, %add3A_73 : i32
        %mul3A_75 = arith.constant 80 : i32
        %mul3A_76 = arith.muli %add3A_74, %mul3A_75 : i32
        %dma_wait3A_77 = tpu.memref_slice %arg8[%mul3A_76] : memref<20000xi32, #tpu.memory_space<vmem>> -> memref<80xi32, #tpu.memory_space<vmem>>
        %dma_wait3A_78 = arith.constant 0 : i32
        %dma_wait3A_79 = arith.constant 0 : i32
        %dma_wait3A_80 = tpu.memref_slice %arg2[%dma_wait3A_78, %dma_wait3A_79] : memref<10000x64xf32, #tpu.memory_space<hbm>> -> memref<10000x64xf32, #tpu.memory_space<hbm>>
        tpu.wait_indirect_dma semaphore(%arg14 : memref<!tpu.dma_semaphore, #tpu.memory_space<semaphore_mem>>) src(%dma_wait3A_80 : memref<10000x64xf32, #tpu.memory_space<hbm>>) dst(%arg11 : memref<80x64xf32, #tpu.memory_space<vmem>>)
        %add3A_81 = arith.constant 1 : i32
        %add3A_82 = arith.addi %mul3A_53, %add3A_81 : i32
        "tpu.region"() ({
          %run_scoped3A = tpu.sem_alloc : memref<!tpu.dma_semaphore, #tpu.memory_space<semaphore_mem>>
          %dma_start3A_84 = arith.constant 0 : i32
          %dma_start3A_85 = tpu.memref_slice %arg9[%add3A_82, %dma_start3A_84] : memref<250x80xi32, #tpu.memory_space<vmem>> -> memref<1x80xi32, #tpu.memory_space<vmem>>
          %dma_start3A_86 = tpu.memref_squeeze %dma_start3A_85 : memref<1x80xi32, #tpu.memory_space<vmem>> -> memref<80xi32, #tpu.memory_space<vmem>>
          %dma_start3A_87 = arith.constant 0 : i32
          %dma_start3A_88 = arith.constant 0 : i32
          %dma_start3A_89 = tpu.memref_slice %arg12[%dma_start3A_87, %dma_start3A_88] : memref<10000x64xf32, #tpu.memory_space<vmem_shared>> -> memref<10000x64xf32, #tpu.memory_space<vmem_shared>>
          tpu.enqueue_indirect_dma source(%arg11 : memref<80x64xf32, #tpu.memory_space<vmem>>) target(%dma_start3A_89 : memref<10000x64xf32, #tpu.memory_space<vmem_shared>>) offsets(%dma_start3A_86 : memref<80xi32, #tpu.memory_space<vmem>>) semaphore(%run_scoped3A : memref<!tpu.dma_semaphore, #tpu.memory_space<semaphore_mem>>) {add = true}
          %dma_wait3A_90 = arith.constant 0 : i32
          %dma_wait3A_91 = tpu.memref_slice %arg9[%add3A_82, %dma_wait3A_90] : memref<250x80xi32, #tpu.memory_space<vmem>> -> memref<1x80xi32, #tpu.memory_space<vmem>>
          %dma_wait3A_92 = tpu.memref_squeeze %dma_wait3A_91 : memref<1x80xi32, #tpu.memory_space<vmem>> -> memref<80xi32, #tpu.memory_space<vmem>>
          %dma_wait3A_93 = arith.constant 0 : i32
          %dma_wait3A_94 = arith.constant 0 : i32
          %dma_wait3A_95 = tpu.memref_slice %arg12[%dma_wait3A_93, %dma_wait3A_94] : memref<10000x64xf32, #tpu.memory_space<vmem_shared>> -> memref<10000x64xf32, #tpu.memory_space<vmem_shared>>
          tpu.wait_indirect_dma semaphore(%run_scoped3A : memref<!tpu.dma_semaphore, #tpu.memory_space<semaphore_mem>>) src(%arg11 : memref<80x64xf32, #tpu.memory_space<vmem>>) dst(%dma_wait3A_95 : memref<10000x64xf32, #tpu.memory_space<vmem_shared>>)
          tpu.yield
        }) : () -> ()
        %scan3A_83 = arith.constant 0 : i32
        scf.yield %scan3A_83 : i32
      }
      %scan3A_43 = arith.constant 125 : i32
      %barrier3A_44 = arith.constant 0 : index
      tpu.barrier barrier_id(%barrier3A_44)
      "tpu.region"() ({
        %run_scoped3A = tpu.sem_alloc : memref<!tpu.dma_semaphore, #tpu.memory_space<semaphore_mem>>
        %dma_start3A_50 = arith.constant 0 : i32
        %dma_start3A_51 = tpu.memref_slice %arg6[%mul3A_2, %dma_start3A_50] : memref<10000x64xf32, #tpu.memory_space<hbm>> -> memref<624x64xf32, #tpu.memory_space<hbm>>
        %dma_start3A_52 = arith.constant 0 : i32
        %dma_start3A_53 = tpu.memref_slice %arg12[%mul3A_2, %dma_start3A_52] : memref<10000x64xf32, #tpu.memory_space<vmem_shared>> -> memref<624x64xf32, #tpu.memory_space<vmem_shared>>
        tpu.enqueue_dma source(%dma_start3A_53 : memref<624x64xf32, #tpu.memory_space<vmem_shared>>) target(%dma_start3A_51 : memref<624x64xf32, #tpu.memory_space<hbm>>) target_semaphore(%run_scoped3A : memref<!tpu.dma_semaphore, #tpu.memory_space<semaphore_mem>>)
        %dma_wait3A_54 = arith.constant 0 : i32
        %dma_wait3A_55 = tpu.memref_slice %arg6[%mul3A_2, %dma_wait3A_54] : memref<10000x64xf32, #tpu.memory_space<hbm>> -> memref<624x64xf32, #tpu.memory_space<hbm>>
        %dma_wait3A_56 = arith.constant 0 : i32
        %dma_wait3A_57 = tpu.memref_slice %arg12[%mul3A_2, %dma_wait3A_56] : memref<10000x64xf32, #tpu.memory_space<vmem_shared>> -> memref<624x64xf32, #tpu.memory_space<vmem_shared>>
        tpu.wait_dma2 semaphore(%run_scoped3A : memref<!tpu.dma_semaphore, #tpu.memory_space<semaphore_mem>>) src(%dma_wait3A_57 : memref<624x64xf32, #tpu.memory_space<vmem_shared>>) dst(%dma_wait3A_55 : memref<624x64xf32, #tpu.memory_space<hbm>>)
        tpu.yield
      }) : () -> ()
      %eq3A_45 = arith.constant 0 : i32
      %eq3A_46 = arith.cmpi eq, %arg1, %eq3A_45 : i32
      %convert_element_type3A_47 = arith.extui %eq3A_46 : i1 to i32
      %cond3A_48 = arith.constant 0 : i32
      %cond3A_49 = arith.cmpi ne, %convert_element_type3A_47, %cond3A_48 : i32
      scf.if %cond3A_49 {
        "tpu.region"() ({
          %run_scoped3A = tpu.sem_alloc : memref<!tpu.dma_semaphore, #tpu.memory_space<semaphore_mem>>
          %dma_start3A_50 = arith.constant 9984 : i32
          %dma_start3A_51 = arith.constant 0 : i32
          %dma_start3A_52 = tpu.memref_slice %arg6[%dma_start3A_50, %dma_start3A_51] : memref<10000x64xf32, #tpu.memory_space<hbm>> -> memref<16x64xf32, #tpu.memory_space<hbm>>
          %dma_start3A_53 = arith.constant 9984 : i32
          %dma_start3A_54 = arith.constant 0 : i32
          %dma_start3A_55 = tpu.memref_slice %arg12[%dma_start3A_53, %dma_start3A_54] : memref<10000x64xf32, #tpu.memory_space<vmem_shared>> -> memref<16x64xf32, #tpu.memory_space<vmem_shared>>
          tpu.enqueue_dma source(%dma_start3A_55 : memref<16x64xf32, #tpu.memory_space<vmem_shared>>) target(%dma_start3A_52 : memref<16x64xf32, #tpu.memory_space<hbm>>) target_semaphore(%run_scoped3A : memref<!tpu.dma_semaphore, #tpu.memory_space<semaphore_mem>>)
          %dma_wait3A_56 = arith.constant 9984 : i32
          %dma_wait3A_57 = arith.constant 0 : i32
          %dma_wait3A_58 = tpu.memref_slice %arg6[%dma_wait3A_56, %dma_wait3A_57] : memref<10000x64xf32, #tpu.memory_space<hbm>> -> memref<16x64xf32, #tpu.memory_space<hbm>>
          %dma_wait3A_59 = arith.constant 9984 : i32
          %dma_wait3A_60 = arith.constant 0 : i32
          %dma_wait3A_61 = tpu.memref_slice %arg12[%dma_wait3A_59, %dma_wait3A_60] : memref<10000x64xf32, #tpu.memory_space<vmem_shared>> -> memref<16x64xf32, #tpu.memory_space<vmem_shared>>
          tpu.wait_dma2 semaphore(%run_scoped3A : memref<!tpu.dma_semaphore, #tpu.memory_space<semaphore_mem>>) src(%dma_wait3A_61 : memref<16x64xf32, #tpu.memory_space<vmem_shared>>) dst(%dma_wait3A_58 : memref<16x64xf32, #tpu.memory_space<hbm>>)
          tpu.yield
        }) : () -> ()
      } else {
      }
    } else {
    }
    %eq3A_23 = arith.constant 1 : i32
    %eq3A_24 = arith.cmpi eq, %arg0, %eq3A_23 : i32
    %convert_element_type3A_25 = arith.extui %eq3A_24 : i1 to i32
    %cond3A_26 = arith.constant 0 : i32
    %cond3A_27 = arith.cmpi ne, %convert_element_type3A_25, %cond3A_26 : i32
    scf.if %cond3A_27 {
      "tpu.region"() ({
        %run_scoped3A = tpu.sem_alloc : memref<!tpu.dma_semaphore, #tpu.memory_space<semaphore_mem>>
        %dma_start3A_50 = arith.constant 0 : i32
        %dma_start3A_51 = tpu.memref_slice %arg12[%mul3A_2, %dma_start3A_50] : memref<10000x64xf32, #tpu.memory_space<vmem_shared>> -> memref<624x64xf32, #tpu.memory_space<vmem_shared>>
        %dma_start3A_52 = arith.constant 0 : i32
        %dma_start3A_53 = tpu.memref_slice %arg3[%mul3A_2, %dma_start3A_52] : memref<10000x64xf32, #tpu.memory_space<hbm>> -> memref<624x64xf32, #tpu.memory_space<hbm>>
        tpu.enqueue_dma source(%dma_start3A_53 : memref<624x64xf32, #tpu.memory_space<hbm>>) target(%dma_start3A_51 : memref<624x64xf32, #tpu.memory_space<vmem_shared>>) target_semaphore(%run_scoped3A : memref<!tpu.dma_semaphore, #tpu.memory_space<semaphore_mem>>)
        %dma_wait3A_54 = arith.constant 0 : i32
        %dma_wait3A_55 = tpu.memref_slice %arg12[%mul3A_2, %dma_wait3A_54] : memref<10000x64xf32, #tpu.memory_space<vmem_shared>> -> memref<624x64xf32, #tpu.memory_space<vmem_shared>>
        %dma_wait3A_56 = arith.constant 0 : i32
        %dma_wait3A_57 = tpu.memref_slice %arg3[%mul3A_2, %dma_wait3A_56] : memref<10000x64xf32, #tpu.memory_space<hbm>> -> memref<624x64xf32, #tpu.memory_space<hbm>>
        tpu.wait_dma2 semaphore(%run_scoped3A : memref<!tpu.dma_semaphore, #tpu.memory_space<semaphore_mem>>) src(%dma_wait3A_57 : memref<624x64xf32, #tpu.memory_space<hbm>>) dst(%dma_wait3A_55 : memref<624x64xf32, #tpu.memory_space<vmem_shared>>)
        tpu.yield
      }) : () -> ()
      %eq3A_28 = arith.constant 0 : i32
      %eq3A_29 = arith.cmpi eq, %arg1, %eq3A_28 : i32
      %convert_element_type3A_30 = arith.extui %eq3A_29 : i1 to i32
      %cond3A_31 = arith.constant 0 : i32
      %cond3A_32 = arith.cmpi ne, %convert_element_type3A_30, %cond3A_31 : i32
      scf.if %cond3A_32 {
        "tpu.region"() ({
          %run_scoped3A = tpu.sem_alloc : memref<!tpu.dma_semaphore, #tpu.memory_space<semaphore_mem>>
          %dma_start3A_50 = arith.constant 9984 : i32
          %dma_start3A_51 = arith.constant 0 : i32
          %dma_start3A_52 = tpu.memref_slice %arg12[%dma_start3A_50, %dma_start3A_51] : memref<10000x64xf32, #tpu.memory_space<vmem_shared>> -> memref<16x64xf32, #tpu.memory_space<vmem_shared>>
          %dma_start3A_53 = arith.constant 9984 : i32
          %dma_start3A_54 = arith.constant 0 : i32
          %dma_start3A_55 = tpu.memref_slice %arg3[%dma_start3A_53, %dma_start3A_54] : memref<10000x64xf32, #tpu.memory_space<hbm>> -> memref<16x64xf32, #tpu.memory_space<hbm>>
          tpu.enqueue_dma source(%dma_start3A_55 : memref<16x64xf32, #tpu.memory_space<hbm>>) target(%dma_start3A_52 : memref<16x64xf32, #tpu.memory_space<vmem_shared>>) target_semaphore(%run_scoped3A : memref<!tpu.dma_semaphore, #tpu.memory_space<semaphore_mem>>)
          %dma_wait3A_56 = arith.constant 9984 : i32
          %dma_wait3A_57 = arith.constant 0 : i32
          %dma_wait3A_58 = tpu.memref_slice %arg12[%dma_wait3A_56, %dma_wait3A_57] : memref<10000x64xf32, #tpu.memory_space<vmem_shared>> -> memref<16x64xf32, #tpu.memory_space<vmem_shared>>
          %dma_wait3A_59 = arith.constant 9984 : i32
          %dma_wait3A_60 = arith.constant 0 : i32
          %dma_wait3A_61 = tpu.memref_slice %arg3[%dma_wait3A_59, %dma_wait3A_60] : memref<10000x64xf32, #tpu.memory_space<hbm>> -> memref<16x64xf32, #tpu.memory_space<hbm>>
          tpu.wait_dma2 semaphore(%run_scoped3A : memref<!tpu.dma_semaphore, #tpu.memory_space<semaphore_mem>>) src(%dma_wait3A_61 : memref<16x64xf32, #tpu.memory_space<hbm>>) dst(%dma_wait3A_58 : memref<16x64xf32, #tpu.memory_space<vmem_shared>>)
          tpu.yield
        }) : () -> ()
      } else {
      }
      %barrier3A = arith.constant 0 : index
      tpu.barrier barrier_id(%barrier3A)
      %dma_start3A_33 = arith.constant 0 : i32
      %dma_start3A_34 = tpu.memref_slice %arg8[%dma_start3A_33] : memref<20000xi32, #tpu.memory_space<vmem>> -> memref<80xi32, #tpu.memory_space<vmem>>
      %dma_start3A_35 = arith.constant 0 : i32
      %dma_start3A_36 = arith.constant 0 : i32
      %dma_start3A_37 = tpu.memref_slice %arg3[%dma_start3A_35, %dma_start3A_36] : memref<10000x64xf32, #tpu.memory_space<hbm>> -> memref<10000x64xf32, #tpu.memory_space<hbm>>
      tpu.enqueue_indirect_dma source(%dma_start3A_37 : memref<10000x64xf32, #tpu.memory_space<hbm>>) target(%arg10 : memref<80x64xf32, #tpu.memory_space<vmem>>) offsets(%dma_start3A_34 : memref<80xi32, #tpu.memory_space<vmem>>) semaphore(%arg13 : memref<!tpu.dma_semaphore, #tpu.memory_space<semaphore_mem>>)
      %scan3A = arith.constant 0 : i32
      %scan3A_38 = arith.constant 0 : i32
      %scan3A_39 = arith.constant 125 : i32
      %scan3A_40 = arith.addi %scan3A_38, %scan3A_39 : i32
      %scan3A_41 = arith.constant 1 : i32
      %scan3A_42 = scf.for %scan3A_50 = %scan3A_38 to %scan3A_40 step %scan3A_41 iter_args(%scan3A_51 = %scan3A) -> (i32)  : i32 {
        %mul3A_52 = arith.constant 2 : i32
        %mul3A_53 = arith.muli %mul3A_52, %scan3A_50 : i32
        %add3A = arith.constant 1 : i32
        %add3A_54 = arith.addi %mul3A_53, %add3A : i32
        %mul3A_55 = arith.constant 80 : i32
        %mul3A_56 = arith.muli %add3A_54, %mul3A_55 : i32
        %dma_start3A_57 = tpu.memref_slice %arg8[%mul3A_56] : memref<20000xi32, #tpu.memory_space<vmem>> -> memref<80xi32, #tpu.memory_space<vmem>>
        %dma_start3A_58 = arith.constant 0 : i32
        %dma_start3A_59 = arith.constant 0 : i32
        %dma_start3A_60 = tpu.memref_slice %arg3[%dma_start3A_58, %dma_start3A_59] : memref<10000x64xf32, #tpu.memory_space<hbm>> -> memref<10000x64xf32, #tpu.memory_space<hbm>>
        tpu.enqueue_indirect_dma source(%dma_start3A_60 : memref<10000x64xf32, #tpu.memory_space<hbm>>) target(%arg11 : memref<80x64xf32, #tpu.memory_space<vmem>>) offsets(%dma_start3A_57 : memref<80xi32, #tpu.memory_space<vmem>>) semaphore(%arg14 : memref<!tpu.dma_semaphore, #tpu.memory_space<semaphore_mem>>)
        %mul3A_61 = arith.constant 80 : i32
        %mul3A_62 = arith.muli %mul3A_53, %mul3A_61 : i32
        %dma_wait3A_63 = tpu.memref_slice %arg8[%mul3A_62] : memref<20000xi32, #tpu.memory_space<vmem>> -> memref<80xi32, #tpu.memory_space<vmem>>
        %dma_wait3A_64 = arith.constant 0 : i32
        %dma_wait3A_65 = arith.constant 0 : i32
        %dma_wait3A_66 = tpu.memref_slice %arg3[%dma_wait3A_64, %dma_wait3A_65] : memref<10000x64xf32, #tpu.memory_space<hbm>> -> memref<10000x64xf32, #tpu.memory_space<hbm>>
        tpu.wait_indirect_dma semaphore(%arg13 : memref<!tpu.dma_semaphore, #tpu.memory_space<semaphore_mem>>) src(%dma_wait3A_66 : memref<10000x64xf32, #tpu.memory_space<hbm>>) dst(%arg10 : memref<80x64xf32, #tpu.memory_space<vmem>>)
        "tpu.region"() ({
          %run_scoped3A = tpu.sem_alloc : memref<!tpu.dma_semaphore, #tpu.memory_space<semaphore_mem>>
          %dma_start3A_84 = arith.constant 0 : i32
          %dma_start3A_85 = tpu.memref_slice %arg9[%mul3A_53, %dma_start3A_84] : memref<250x80xi32, #tpu.memory_space<vmem>> -> memref<1x80xi32, #tpu.memory_space<vmem>>
          %dma_start3A_86 = tpu.memref_squeeze %dma_start3A_85 : memref<1x80xi32, #tpu.memory_space<vmem>> -> memref<80xi32, #tpu.memory_space<vmem>>
          %dma_start3A_87 = arith.constant 0 : i32
          %dma_start3A_88 = arith.constant 0 : i32
          %dma_start3A_89 = tpu.memref_slice %arg12[%dma_start3A_87, %dma_start3A_88] : memref<10000x64xf32, #tpu.memory_space<vmem_shared>> -> memref<10000x64xf32, #tpu.memory_space<vmem_shared>>
          tpu.enqueue_indirect_dma source(%arg10 : memref<80x64xf32, #tpu.memory_space<vmem>>) target(%dma_start3A_89 : memref<10000x64xf32, #tpu.memory_space<vmem_shared>>) offsets(%dma_start3A_86 : memref<80xi32, #tpu.memory_space<vmem>>) semaphore(%run_scoped3A : memref<!tpu.dma_semaphore, #tpu.memory_space<semaphore_mem>>) {add = true}
          %dma_wait3A_90 = arith.constant 0 : i32
          %dma_wait3A_91 = tpu.memref_slice %arg9[%mul3A_53, %dma_wait3A_90] : memref<250x80xi32, #tpu.memory_space<vmem>> -> memref<1x80xi32, #tpu.memory_space<vmem>>
          %dma_wait3A_92 = tpu.memref_squeeze %dma_wait3A_91 : memref<1x80xi32, #tpu.memory_space<vmem>> -> memref<80xi32, #tpu.memory_space<vmem>>
          %dma_wait3A_93 = arith.constant 0 : i32
          %dma_wait3A_94 = arith.constant 0 : i32
          %dma_wait3A_95 = tpu.memref_slice %arg12[%dma_wait3A_93, %dma_wait3A_94] : memref<10000x64xf32, #tpu.memory_space<vmem_shared>> -> memref<10000x64xf32, #tpu.memory_space<vmem_shared>>
          tpu.wait_indirect_dma semaphore(%run_scoped3A : memref<!tpu.dma_semaphore, #tpu.memory_space<semaphore_mem>>) src(%arg10 : memref<80x64xf32, #tpu.memory_space<vmem>>) dst(%dma_wait3A_95 : memref<10000x64xf32, #tpu.memory_space<vmem_shared>>)
          tpu.yield
        }) : () -> ()
        %add3A_67 = arith.constant 1 : i32
        %add3A_68 = arith.addi %scan3A_50, %add3A_67 : i32
        %lt3A = arith.constant 125 : i32
        %lt3A_69 = arith.cmpi slt, %add3A_68, %lt3A : i32
        %convert_element_type3A_70 = arith.extui %lt3A_69 : i1 to i32
        %cond3A_71 = arith.constant 0 : i32
        %cond3A_72 = arith.cmpi ne, %convert_element_type3A_70, %cond3A_71 : i32
        scf.if %cond3A_72 {
          %add3A_84 = arith.constant 2 : i32
          %add3A_85 = arith.addi %mul3A_53, %add3A_84 : i32
          %mul3A_86 = arith.constant 80 : i32
          %mul3A_87 = arith.muli %add3A_85, %mul3A_86 : i32
          %dma_start3A_88 = tpu.memref_slice %arg8[%mul3A_87] : memref<20000xi32, #tpu.memory_space<vmem>> -> memref<80xi32, #tpu.memory_space<vmem>>
          %dma_start3A_89 = arith.constant 0 : i32
          %dma_start3A_90 = arith.constant 0 : i32
          %dma_start3A_91 = tpu.memref_slice %arg3[%dma_start3A_89, %dma_start3A_90] : memref<10000x64xf32, #tpu.memory_space<hbm>> -> memref<10000x64xf32, #tpu.memory_space<hbm>>
          tpu.enqueue_indirect_dma source(%dma_start3A_91 : memref<10000x64xf32, #tpu.memory_space<hbm>>) target(%arg10 : memref<80x64xf32, #tpu.memory_space<vmem>>) offsets(%dma_start3A_88 : memref<80xi32, #tpu.memory_space<vmem>>) semaphore(%arg13 : memref<!tpu.dma_semaphore, #tpu.memory_space<semaphore_mem>>)
        } else {
        }
        %add3A_73 = arith.constant 1 : i32
        %add3A_74 = arith.addi %mul3A_53, %add3A_73 : i32
        %mul3A_75 = arith.constant 80 : i32
        %mul3A_76 = arith.muli %add3A_74, %mul3A_75 : i32
        %dma_wait3A_77 = tpu.memref_slice %arg8[%mul3A_76] : memref<20000xi32, #tpu.memory_space<vmem>> -> memref<80xi32, #tpu.memory_space<vmem>>
        %dma_wait3A_78 = arith.constant 0 : i32
        %dma_wait3A_79 = arith.constant 0 : i32
        %dma_wait3A_80 = tpu.memref_slice %arg3[%dma_wait3A_78, %dma_wait3A_79] : memref<10000x64xf32, #tpu.memory_space<hbm>> -> memref<10000x64xf32, #tpu.memory_space<hbm>>
        tpu.wait_indirect_dma semaphore(%arg14 : memref<!tpu.dma_semaphore, #tpu.memory_space<semaphore_mem>>) src(%dma_wait3A_80 : memref<10000x64xf32, #tpu.memory_space<hbm>>) dst(%arg11 : memref<80x64xf32, #tpu.memory_space<vmem>>)
        %add3A_81 = arith.constant 1 : i32
        %add3A_82 = arith.addi %mul3A_53, %add3A_81 : i32
        "tpu.region"() ({
          %run_scoped3A = tpu.sem_alloc : memref<!tpu.dma_semaphore, #tpu.memory_space<semaphore_mem>>
          %dma_start3A_84 = arith.constant 0 : i32
          %dma_start3A_85 = tpu.memref_slice %arg9[%add3A_82, %dma_start3A_84] : memref<250x80xi32, #tpu.memory_space<vmem>> -> memref<1x80xi32, #tpu.memory_space<vmem>>
          %dma_start3A_86 = tpu.memref_squeeze %dma_start3A_85 : memref<1x80xi32, #tpu.memory_space<vmem>> -> memref<80xi32, #tpu.memory_space<vmem>>
          %dma_start3A_87 = arith.constant 0 : i32
          %dma_start3A_88 = arith.constant 0 : i32
          %dma_start3A_89 = tpu.memref_slice %arg12[%dma_start3A_87, %dma_start3A_88] : memref<10000x64xf32, #tpu.memory_space<vmem_shared>> -> memref<10000x64xf32, #tpu.memory_space<vmem_shared>>
          tpu.enqueue_indirect_dma source(%arg11 : memref<80x64xf32, #tpu.memory_space<vmem>>) target(%dma_start3A_89 : memref<10000x64xf32, #tpu.memory_space<vmem_shared>>) offsets(%dma_start3A_86 : memref<80xi32, #tpu.memory_space<vmem>>) semaphore(%run_scoped3A : memref<!tpu.dma_semaphore, #tpu.memory_space<semaphore_mem>>) {add = true}
          %dma_wait3A_90 = arith.constant 0 : i32
          %dma_wait3A_91 = tpu.memref_slice %arg9[%add3A_82, %dma_wait3A_90] : memref<250x80xi32, #tpu.memory_space<vmem>> -> memref<1x80xi32, #tpu.memory_space<vmem>>
          %dma_wait3A_92 = tpu.memref_squeeze %dma_wait3A_91 : memref<1x80xi32, #tpu.memory_space<vmem>> -> memref<80xi32, #tpu.memory_space<vmem>>
          %dma_wait3A_93 = arith.constant 0 : i32
          %dma_wait3A_94 = arith.constant 0 : i32
          %dma_wait3A_95 = tpu.memref_slice %arg12[%dma_wait3A_93, %dma_wait3A_94] : memref<10000x64xf32, #tpu.memory_space<vmem_shared>> -> memref<10000x64xf32, #tpu.memory_space<vmem_shared>>
          tpu.wait_indirect_dma semaphore(%run_scoped3A : memref<!tpu.dma_semaphore, #tpu.memory_space<semaphore_mem>>) src(%arg11 : memref<80x64xf32, #tpu.memory_space<vmem>>) dst(%dma_wait3A_95 : memref<10000x64xf32, #tpu.memory_space<vmem_shared>>)
          tpu.yield
        }) : () -> ()
        %scan3A_83 = arith.constant 0 : i32
        scf.yield %scan3A_83 : i32
      }
      %scan3A_43 = arith.constant 125 : i32
      %barrier3A_44 = arith.constant 0 : index
      tpu.barrier barrier_id(%barrier3A_44)
      "tpu.region"() ({
        %run_scoped3A = tpu.sem_alloc : memref<!tpu.dma_semaphore, #tpu.memory_space<semaphore_mem>>
        %dma_start3A_50 = arith.constant 0 : i32
        %dma_start3A_51 = tpu.memref_slice %arg7[%mul3A_2, %dma_start3A_50] : memref<10000x64xf32, #tpu.memory_space<hbm>> -> memref<624x64xf32, #tpu.memory_space<hbm>>
        %dma_start3A_52 = arith.constant 0 : i32
        %dma_start3A_53 = tpu.memref_slice %arg12[%mul3A_2, %dma_start3A_52] : memref<10000x64xf32, #tpu.memory_space<vmem_shared>> -> memref<624x64xf32, #tpu.memory_space<vmem_shared>>
        tpu.enqueue_dma source(%dma_start3A_53 : memref<624x64xf32, #tpu.memory_space<vmem_shared>>) target(%dma_start3A_51 : memref<624x64xf32, #tpu.memory_space<hbm>>) target_semaphore(%run_scoped3A : memref<!tpu.dma_semaphore, #tpu.memory_space<semaphore_mem>>)
        %dma_wait3A_54 = arith.constant 0 : i32
        %dma_wait3A_55 = tpu.memref_slice %arg7[%mul3A_2, %dma_wait3A_54] : memref<10000x64xf32, #tpu.memory_space<hbm>> -> memref<624x64xf32, #tpu.memory_space<hbm>>
        %dma_wait3A_56 = arith.constant 0 : i32
        %dma_wait3A_57 = tpu.memref_slice %arg12[%mul3A_2, %dma_wait3A_56] : memref<10000x64xf32, #tpu.memory_space<vmem_shared>> -> memref<624x64xf32, #tpu.memory_space<vmem_shared>>
        tpu.wait_dma2 semaphore(%run_scoped3A : memref<!tpu.dma_semaphore, #tpu.memory_space<semaphore_mem>>) src(%dma_wait3A_57 : memref<624x64xf32, #tpu.memory_space<vmem_shared>>) dst(%dma_wait3A_55 : memref<624x64xf32, #tpu.memory_space<hbm>>)
        tpu.yield
      }) : () -> ()
      %eq3A_45 = arith.constant 0 : i32
      %eq3A_46 = arith.cmpi eq, %arg1, %eq3A_45 : i32
      %convert_element_type3A_47 = arith.extui %eq3A_46 : i1 to i32
      %cond3A_48 = arith.constant 0 : i32
      %cond3A_49 = arith.cmpi ne, %convert_element_type3A_47, %cond3A_48 : i32
      scf.if %cond3A_49 {
        "tpu.region"() ({
          %run_scoped3A = tpu.sem_alloc : memref<!tpu.dma_semaphore, #tpu.memory_space<semaphore_mem>>
          %dma_start3A_50 = arith.constant 9984 : i32
          %dma_start3A_51 = arith.constant 0 : i32
          %dma_start3A_52 = tpu.memref_slice %arg7[%dma_start3A_50, %dma_start3A_51] : memref<10000x64xf32, #tpu.memory_space<hbm>> -> memref<16x64xf32, #tpu.memory_space<hbm>>
          %dma_start3A_53 = arith.constant 9984 : i32
          %dma_start3A_54 = arith.constant 0 : i32
          %dma_start3A_55 = tpu.memref_slice %arg12[%dma_start3A_53, %dma_start3A_54] : memref<10000x64xf32, #tpu.memory_space<vmem_shared>> -> memref<16x64xf32, #tpu.memory_space<vmem_shared>>
          tpu.enqueue_dma source(%dma_start3A_55 : memref<16x64xf32, #tpu.memory_space<vmem_shared>>) target(%dma_start3A_52 : memref<16x64xf32, #tpu.memory_space<hbm>>) target_semaphore(%run_scoped3A : memref<!tpu.dma_semaphore, #tpu.memory_space<semaphore_mem>>)
          %dma_wait3A_56 = arith.constant 9984 : i32
          %dma_wait3A_57 = arith.constant 0 : i32
          %dma_wait3A_58 = tpu.memref_slice %arg7[%dma_wait3A_56, %dma_wait3A_57] : memref<10000x64xf32, #tpu.memory_space<hbm>> -> memref<16x64xf32, #tpu.memory_space<hbm>>
          %dma_wait3A_59 = arith.constant 9984 : i32
          %dma_wait3A_60 = arith.constant 0 : i32
          %dma_wait3A_61 = tpu.memref_slice %arg12[%dma_wait3A_59, %dma_wait3A_60] : memref<10000x64xf32, #tpu.memory_space<vmem_shared>> -> memref<16x64xf32, #tpu.memory_space<vmem_shared>>
          tpu.wait_dma2 semaphore(%run_scoped3A : memref<!tpu.dma_semaphore, #tpu.memory_space<semaphore_mem>>) src(%dma_wait3A_61 : memref<16x64xf32, #tpu.memory_space<vmem_shared>>) dst(%dma_wait3A_58 : memref<16x64xf32, #tpu.memory_space<hbm>>)
          tpu.yield
        }) : () -> ()
      } else {
      }
    } else {
    }
    return
  }
}

#map = affine_map<(d0, d1) -> (0, 0)>
#map1 = affine_map<(d0, d1) -> (0)>
#map2 = affine_map<(d0, d1) -> (0, 0, 0)>
module attributes {stable_mosaic.version = 14 : i64} {
  func.func @_agg_body(%arg0: i32, %arg1: i32, %arg2: memref<10000x64xf32, #tpu.memory_space<hbm>>, %arg3: memref<10000x64xf32, #tpu.memory_space<hbm>>, %arg4: memref<320000xi32, #tpu.memory_space<hbm>>, %arg5: memref<16x250x80xi32, #tpu.memory_space<hbm>>, %arg6: memref<10000x64xf32, #tpu.memory_space<hbm>>, %arg7: memref<10000x64xf32, #tpu.memory_space<hbm>>, %arg8: memref<20000xi32, #tpu.memory_space<vmem>>, %arg9: memref<250x80xi32, #tpu.memory_space<vmem>>, %arg10: memref<80x64xf32, #tpu.memory_space<vmem>>, %arg11: memref<80x64xf32, #tpu.memory_space<vmem>>, %arg12: memref<10000x64xf32, #tpu.memory_space<vmem_shared>>, %arg13: memref<!tpu.dma_semaphore, #tpu.memory_space<semaphore_mem>>, %arg14: memref<!tpu.dma_semaphore, #tpu.memory_space<semaphore_mem>>) attributes {dimension_semantics = [#tpu.dimension_semantics<core_parallel>, #tpu.dimension_semantics<subcore_parallel>], iteration_bounds = array<i64: 2, 16>, scalar_prefetch = 0 : i64, scratch_operands = 7 : i64, tpu.core_type = #tpu.core_type<sc_vector_subcore>, window_params = [{transform_indices = #map}, {transform_indices = #map}, {transform_indices = #map1}, {transform_indices = #map2}, {transform_indices = #map}, {transform_indices = #map}]} {
    %mul3A = arith.constant 20000 : i32
    %mul3A_0 = arith.muli %arg1, %mul3A : i32
    %mul3A_1 = arith.constant 624 : i32
    %mul3A_2 = arith.muli %arg1, %mul3A_1 : i32
    %dma_start3A = tpu.memref_slice %arg4[%mul3A_0] : memref<320000xi32, #tpu.memory_space<hbm>> -> memref<20000xi32, #tpu.memory_space<hbm>>
    %dma_start3A_3 = tpu.memref_slice %arg4[%mul3A_0] : memref<320000xi32, #tpu.memory_space<hbm>> -> memref<20000xi32, #tpu.memory_space<hbm>>
    tpu.enqueue_dma source(%dma_start3A_3 : memref<20000xi32, #tpu.memory_space<hbm>>) target(%arg8 : memref<20000xi32, #tpu.memory_space<vmem>>) target_semaphore(%arg13 : memref<!tpu.dma_semaphore, #tpu.memory_space<semaphore_mem>>)
    %dma_wait3A = tpu.memref_slice %arg4[%mul3A_0] : memref<320000xi32, #tpu.memory_space<hbm>> -> memref<20000xi32, #tpu.memory_space<hbm>>
    %dma_wait3A_4 = tpu.memref_slice %arg4[%mul3A_0] : memref<320000xi32, #tpu.memory_space<hbm>> -> memref<20000xi32, #tpu.memory_space<hbm>>
    tpu.wait_dma2 semaphore(%arg13 : memref<!tpu.dma_semaphore, #tpu.memory_space<semaphore_mem>>) src(%dma_wait3A_4 : memref<20000xi32, #tpu.memory_space<hbm>>) dst(%arg8 : memref<20000xi32, #tpu.memory_space<vmem>>)
    %dma_start3A_5 = arith.constant 0 : i32
    %dma_start3A_6 = arith.constant 0 : i32
    %dma_start3A_7 = tpu.memref_slice %arg5[%arg1, %dma_start3A_5, %dma_start3A_6] : memref<16x250x80xi32, #tpu.memory_space<hbm>> -> memref<1x250x80xi32, #tpu.memory_space<hbm>>
    %dma_start3A_8 = tpu.memref_squeeze %dma_start3A_7 : memref<1x250x80xi32, #tpu.memory_space<hbm>> -> memref<250x80xi32, #tpu.memory_space<hbm>>
    %dma_start3A_9 = arith.constant 0 : i32
    %dma_start3A_10 = arith.constant 0 : i32
    %dma_start3A_11 = tpu.memref_slice %arg5[%arg1, %dma_start3A_9, %dma_start3A_10] : memref<16x250x80xi32, #tpu.memory_space<hbm>> -> memref<1x250x80xi32, #tpu.memory_space<hbm>>
    %dma_start3A_12 = tpu.memref_squeeze %dma_start3A_11 : memref<1x250x80xi32, #tpu.memory_space<hbm>> -> memref<250x80xi32, #tpu.memory_space<hbm>>
    tpu.enqueue_dma source(%dma_start3A_12 : memref<250x80xi32, #tpu.memory_space<hbm>>) target(%arg9 : memref<250x80xi32, #tpu.memory_space<vmem>>) target_semaphore(%arg13 : memref<!tpu.dma_semaphore, #tpu.memory_space<semaphore_mem>>)
    %dma_wait3A_13 = arith.constant 0 : i32
    %dma_wait3A_14 = arith.constant 0 : i32
    %dma_wait3A_15 = tpu.memref_slice %arg5[%arg1, %dma_wait3A_13, %dma_wait3A_14] : memref<16x250x80xi32, #tpu.memory_space<hbm>> -> memref<1x250x80xi32, #tpu.memory_space<hbm>>
    %dma_wait3A_16 = tpu.memref_squeeze %dma_wait3A_15 : memref<1x250x80xi32, #tpu.memory_space<hbm>> -> memref<250x80xi32, #tpu.memory_space<hbm>>
    %dma_wait3A_17 = arith.constant 0 : i32
    %dma_wait3A_18 = arith.constant 0 : i32
    %dma_wait3A_19 = tpu.memref_slice %arg5[%arg1, %dma_wait3A_17, %dma_wait3A_18] : memref<16x250x80xi32, #tpu.memory_space<hbm>> -> memref<1x250x80xi32, #tpu.memory_space<hbm>>
    %dma_wait3A_20 = tpu.memref_squeeze %dma_wait3A_19 : memref<1x250x80xi32, #tpu.memory_space<hbm>> -> memref<250x80xi32, #tpu.memory_space<hbm>>
    tpu.wait_dma2 semaphore(%arg13 : memref<!tpu.dma_semaphore, #tpu.memory_space<semaphore_mem>>) src(%dma_wait3A_20 : memref<250x80xi32, #tpu.memory_space<hbm>>) dst(%arg9 : memref<250x80xi32, #tpu.memory_space<vmem>>)
    %eq3A = arith.constant 0 : i32
    %eq3A_21 = arith.cmpi eq, %arg0, %eq3A : i32
    %convert_element_type3A = arith.extui %eq3A_21 : i1 to i32
    %cond3A = arith.constant 0 : i32
    %cond3A_22 = arith.cmpi ne, %convert_element_type3A, %cond3A : i32
    scf.if %cond3A_22 {
      "tpu.region"() ({
        %run_scoped3A = tpu.sem_alloc : memref<!tpu.dma_semaphore, #tpu.memory_space<semaphore_mem>>
        %dma_start3A_50 = arith.constant 0 : i32
        %dma_start3A_51 = tpu.memref_slice %arg12[%mul3A_2, %dma_start3A_50] : memref<10000x64xf32, #tpu.memory_space<vmem_shared>> -> memref<624x64xf32, #tpu.memory_space<vmem_shared>>
        %dma_start3A_52 = arith.constant 0 : i32
        %dma_start3A_53 = tpu.memref_slice %arg2[%mul3A_2, %dma_start3A_52] : memref<10000x64xf32, #tpu.memory_space<hbm>> -> memref<624x64xf32, #tpu.memory_space<hbm>>
        tpu.enqueue_dma source(%dma_start3A_53 : memref<624x64xf32, #tpu.memory_space<hbm>>) target(%dma_start3A_51 : memref<624x64xf32, #tpu.memory_space<vmem_shared>>) target_semaphore(%run_scoped3A : memref<!tpu.dma_semaphore, #tpu.memory_space<semaphore_mem>>)
        %dma_wait3A_54 = arith.constant 0 : i32
        %dma_wait3A_55 = tpu.memref_slice %arg12[%mul3A_2, %dma_wait3A_54] : memref<10000x64xf32, #tpu.memory_space<vmem_shared>> -> memref<624x64xf32, #tpu.memory_space<vmem_shared>>
        %dma_wait3A_56 = arith.constant 0 : i32
        %dma_wait3A_57 = tpu.memref_slice %arg2[%mul3A_2, %dma_wait3A_56] : memref<10000x64xf32, #tpu.memory_space<hbm>> -> memref<624x64xf32, #tpu.memory_space<hbm>>
        tpu.wait_dma2 semaphore(%run_scoped3A : memref<!tpu.dma_semaphore, #tpu.memory_space<semaphore_mem>>) src(%dma_wait3A_57 : memref<624x64xf32, #tpu.memory_space<hbm>>) dst(%dma_wait3A_55 : memref<624x64xf32, #tpu.memory_space<vmem_shared>>)
        tpu.yield
      }) : () -> ()
      %eq3A_28 = arith.constant 0 : i32
      %eq3A_29 = arith.cmpi eq, %arg1, %eq3A_28 : i32
      %convert_element_type3A_30 = arith.extui %eq3A_29 : i1 to i32
      %cond3A_31 = arith.constant 0 : i32
      %cond3A_32 = arith.cmpi ne, %convert_element_type3A_30, %cond3A_31 : i32
      scf.if %cond3A_32 {
        "tpu.region"() ({
          %run_scoped3A = tpu.sem_alloc : memref<!tpu.dma_semaphore, #tpu.memory_space<semaphore_mem>>
          %dma_start3A_50 = arith.constant 9984 : i32
          %dma_start3A_51 = arith.constant 0 : i32
          %dma_start3A_52 = tpu.memref_slice %arg12[%dma_start3A_50, %dma_start3A_51] : memref<10000x64xf32, #tpu.memory_space<vmem_shared>> -> memref<16x64xf32, #tpu.memory_space<vmem_shared>>
          %dma_start3A_53 = arith.constant 9984 : i32
          %dma_start3A_54 = arith.constant 0 : i32
          %dma_start3A_55 = tpu.memref_slice %arg2[%dma_start3A_53, %dma_start3A_54] : memref<10000x64xf32, #tpu.memory_space<hbm>> -> memref<16x64xf32, #tpu.memory_space<hbm>>
          tpu.enqueue_dma source(%dma_start3A_55 : memref<16x64xf32, #tpu.memory_space<hbm>>) target(%dma_start3A_52 : memref<16x64xf32, #tpu.memory_space<vmem_shared>>) target_semaphore(%run_scoped3A : memref<!tpu.dma_semaphore, #tpu.memory_space<semaphore_mem>>)
          %dma_wait3A_56 = arith.constant 9984 : i32
          %dma_wait3A_57 = arith.constant 0 : i32
          %dma_wait3A_58 = tpu.memref_slice %arg12[%dma_wait3A_56, %dma_wait3A_57] : memref<10000x64xf32, #tpu.memory_space<vmem_shared>> -> memref<16x64xf32, #tpu.memory_space<vmem_shared>>
          %dma_wait3A_59 = arith.constant 9984 : i32
          %dma_wait3A_60 = arith.constant 0 : i32
          %dma_wait3A_61 = tpu.memref_slice %arg2[%dma_wait3A_59, %dma_wait3A_60] : memref<10000x64xf32, #tpu.memory_space<hbm>> -> memref<16x64xf32, #tpu.memory_space<hbm>>
          tpu.wait_dma2 semaphore(%run_scoped3A : memref<!tpu.dma_semaphore, #tpu.memory_space<semaphore_mem>>) src(%dma_wait3A_61 : memref<16x64xf32, #tpu.memory_space<hbm>>) dst(%dma_wait3A_58 : memref<16x64xf32, #tpu.memory_space<vmem_shared>>)
          tpu.yield
        }) : () -> ()
      } else {
      }
      %barrier3A = arith.constant 0 : index
      tpu.barrier barrier_id(%barrier3A)
      %dma_start3A_33 = arith.constant 0 : i32
      %dma_start3A_34 = tpu.memref_slice %arg8[%dma_start3A_33] : memref<20000xi32, #tpu.memory_space<vmem>> -> memref<80xi32, #tpu.memory_space<vmem>>
      %dma_start3A_35 = arith.constant 0 : i32
      %dma_start3A_36 = arith.constant 0 : i32
      %dma_start3A_37 = tpu.memref_slice %arg2[%dma_start3A_35, %dma_start3A_36] : memref<10000x64xf32, #tpu.memory_space<hbm>> -> memref<10000x64xf32, #tpu.memory_space<hbm>>
      tpu.enqueue_indirect_dma source(%dma_start3A_37 : memref<10000x64xf32, #tpu.memory_space<hbm>>) target(%arg10 : memref<80x64xf32, #tpu.memory_space<vmem>>) offsets(%dma_start3A_34 : memref<80xi32, #tpu.memory_space<vmem>>) semaphore(%arg13 : memref<!tpu.dma_semaphore, #tpu.memory_space<semaphore_mem>>)
      %scan3A = arith.constant 0 : i32
      %scan3A_38 = arith.constant 0 : i32
      %scan3A_39 = arith.constant 125 : i32
      %scan3A_40 = arith.addi %scan3A_38, %scan3A_39 : i32
      %scan3A_41 = arith.constant 1 : i32
      %scan3A_42 = scf.for %scan3A_50 = %scan3A_38 to %scan3A_40 step %scan3A_41 iter_args(%scan3A_51 = %scan3A) -> (i32)  : i32 {
        %mul3A_52 = arith.constant 2 : i32
        %mul3A_53 = arith.muli %mul3A_52, %scan3A_50 : i32
        %add3A = arith.constant 1 : i32
        %add3A_54 = arith.addi %mul3A_53, %add3A : i32
        %mul3A_55 = arith.constant 80 : i32
        %mul3A_56 = arith.muli %add3A_54, %mul3A_55 : i32
        %dma_start3A_57 = tpu.memref_slice %arg8[%mul3A_56] : memref<20000xi32, #tpu.memory_space<vmem>> -> memref<80xi32, #tpu.memory_space<vmem>>
        %dma_start3A_58 = arith.constant 0 : i32
        %dma_start3A_59 = arith.constant 0 : i32
        %dma_start3A_60 = tpu.memref_slice %arg2[%dma_start3A_58, %dma_start3A_59] : memref<10000x64xf32, #tpu.memory_space<hbm>> -> memref<10000x64xf32, #tpu.memory_space<hbm>>
        tpu.enqueue_indirect_dma source(%dma_start3A_60 : memref<10000x64xf32, #tpu.memory_space<hbm>>) target(%arg11 : memref<80x64xf32, #tpu.memory_space<vmem>>) offsets(%dma_start3A_57 : memref<80xi32, #tpu.memory_space<vmem>>) semaphore(%arg14 : memref<!tpu.dma_semaphore, #tpu.memory_space<semaphore_mem>>)
        %mul3A_61 = arith.constant 80 : i32
        %mul3A_62 = arith.muli %mul3A_53, %mul3A_61 : i32
        %dma_wait3A_63 = tpu.memref_slice %arg8[%mul3A_62] : memref<20000xi32, #tpu.memory_space<vmem>> -> memref<80xi32, #tpu.memory_space<vmem>>
        %dma_wait3A_64 = arith.constant 0 : i32
        %dma_wait3A_65 = arith.constant 0 : i32
        %dma_wait3A_66 = tpu.memref_slice %arg2[%dma_wait3A_64, %dma_wait3A_65] : memref<10000x64xf32, #tpu.memory_space<hbm>> -> memref<10000x64xf32, #tpu.memory_space<hbm>>
        tpu.wait_indirect_dma semaphore(%arg13 : memref<!tpu.dma_semaphore, #tpu.memory_space<semaphore_mem>>) src(%dma_wait3A_66 : memref<10000x64xf32, #tpu.memory_space<hbm>>) dst(%arg10 : memref<80x64xf32, #tpu.memory_space<vmem>>)
        "tpu.region"() ({
          %run_scoped3A = tpu.sem_alloc : memref<!tpu.dma_semaphore, #tpu.memory_space<semaphore_mem>>
          %dma_start3A_84 = arith.constant 0 : i32
          %dma_start3A_85 = tpu.memref_slice %arg9[%mul3A_53, %dma_start3A_84] : memref<250x80xi32, #tpu.memory_space<vmem>> -> memref<1x80xi32, #tpu.memory_space<vmem>>
          %dma_start3A_86 = tpu.memref_squeeze %dma_start3A_85 : memref<1x80xi32, #tpu.memory_space<vmem>> -> memref<80xi32, #tpu.memory_space<vmem>>
          %dma_start3A_87 = arith.constant 0 : i32
          %dma_start3A_88 = arith.constant 0 : i32
          %dma_start3A_89 = tpu.memref_slice %arg12[%dma_start3A_87, %dma_start3A_88] : memref<10000x64xf32, #tpu.memory_space<vmem_shared>> -> memref<10000x64xf32, #tpu.memory_space<vmem_shared>>
          tpu.enqueue_indirect_dma source(%arg10 : memref<80x64xf32, #tpu.memory_space<vmem>>) target(%dma_start3A_89 : memref<10000x64xf32, #tpu.memory_space<vmem_shared>>) offsets(%dma_start3A_86 : memref<80xi32, #tpu.memory_space<vmem>>) semaphore(%run_scoped3A : memref<!tpu.dma_semaphore, #tpu.memory_space<semaphore_mem>>) {add = true}
          %dma_wait3A_90 = arith.constant 0 : i32
          %dma_wait3A_91 = tpu.memref_slice %arg9[%mul3A_53, %dma_wait3A_90] : memref<250x80xi32, #tpu.memory_space<vmem>> -> memref<1x80xi32, #tpu.memory_space<vmem>>
          %dma_wait3A_92 = tpu.memref_squeeze %dma_wait3A_91 : memref<1x80xi32, #tpu.memory_space<vmem>> -> memref<80xi32, #tpu.memory_space<vmem>>
          %dma_wait3A_93 = arith.constant 0 : i32
          %dma_wait3A_94 = arith.constant 0 : i32
          %dma_wait3A_95 = tpu.memref_slice %arg12[%dma_wait3A_93, %dma_wait3A_94] : memref<10000x64xf32, #tpu.memory_space<vmem_shared>> -> memref<10000x64xf32, #tpu.memory_space<vmem_shared>>
          tpu.wait_indirect_dma semaphore(%run_scoped3A : memref<!tpu.dma_semaphore, #tpu.memory_space<semaphore_mem>>) src(%arg10 : memref<80x64xf32, #tpu.memory_space<vmem>>) dst(%dma_wait3A_95 : memref<10000x64xf32, #tpu.memory_space<vmem_shared>>)
          tpu.yield
        }) : () -> ()
        %add3A_67 = arith.constant 1 : i32
        %add3A_68 = arith.addi %scan3A_50, %add3A_67 : i32
        %lt3A = arith.constant 125 : i32
        %lt3A_69 = arith.cmpi slt, %add3A_68, %lt3A : i32
        %convert_element_type3A_70 = arith.extui %lt3A_69 : i1 to i32
        %cond3A_71 = arith.constant 0 : i32
        %cond3A_72 = arith.cmpi ne, %convert_element_type3A_70, %cond3A_71 : i32
        scf.if %cond3A_72 {
          %add3A_84 = arith.constant 2 : i32
          %add3A_85 = arith.addi %mul3A_53, %add3A_84 : i32
          %mul3A_86 = arith.constant 80 : i32
          %mul3A_87 = arith.muli %add3A_85, %mul3A_86 : i32
          %dma_start3A_88 = tpu.memref_slice %arg8[%mul3A_87] : memref<20000xi32, #tpu.memory_space<vmem>> -> memref<80xi32, #tpu.memory_space<vmem>>
          %dma_start3A_89 = arith.constant 0 : i32
          %dma_start3A_90 = arith.constant 0 : i32
          %dma_start3A_91 = tpu.memref_slice %arg2[%dma_start3A_89, %dma_start3A_90] : memref<10000x64xf32, #tpu.memory_space<hbm>> -> memref<10000x64xf32, #tpu.memory_space<hbm>>
          tpu.enqueue_indirect_dma source(%dma_start3A_91 : memref<10000x64xf32, #tpu.memory_space<hbm>>) target(%arg10 : memref<80x64xf32, #tpu.memory_space<vmem>>) offsets(%dma_start3A_88 : memref<80xi32, #tpu.memory_space<vmem>>) semaphore(%arg13 : memref<!tpu.dma_semaphore, #tpu.memory_space<semaphore_mem>>)
        } else {
        }
        %add3A_73 = arith.constant 1 : i32
        %add3A_74 = arith.addi %mul3A_53, %add3A_73 : i32
        %mul3A_75 = arith.constant 80 : i32
        %mul3A_76 = arith.muli %add3A_74, %mul3A_75 : i32
        %dma_wait3A_77 = tpu.memref_slice %arg8[%mul3A_76] : memref<20000xi32, #tpu.memory_space<vmem>> -> memref<80xi32, #tpu.memory_space<vmem>>
        %dma_wait3A_78 = arith.constant 0 : i32
        %dma_wait3A_79 = arith.constant 0 : i32
        %dma_wait3A_80 = tpu.memref_slice %arg2[%dma_wait3A_78, %dma_wait3A_79] : memref<10000x64xf32, #tpu.memory_space<hbm>> -> memref<10000x64xf32, #tpu.memory_space<hbm>>
        tpu.wait_indirect_dma semaphore(%arg14 : memref<!tpu.dma_semaphore, #tpu.memory_space<semaphore_mem>>) src(%dma_wait3A_80 : memref<10000x64xf32, #tpu.memory_space<hbm>>) dst(%arg11 : memref<80x64xf32, #tpu.memory_space<vmem>>)
        %add3A_81 = arith.constant 1 : i32
        %add3A_82 = arith.addi %mul3A_53, %add3A_81 : i32
        "tpu.region"() ({
          %run_scoped3A = tpu.sem_alloc : memref<!tpu.dma_semaphore, #tpu.memory_space<semaphore_mem>>
          %dma_start3A_84 = arith.constant 0 : i32
          %dma_start3A_85 = tpu.memref_slice %arg9[%add3A_82, %dma_start3A_84] : memref<250x80xi32, #tpu.memory_space<vmem>> -> memref<1x80xi32, #tpu.memory_space<vmem>>
          %dma_start3A_86 = tpu.memref_squeeze %dma_start3A_85 : memref<1x80xi32, #tpu.memory_space<vmem>> -> memref<80xi32, #tpu.memory_space<vmem>>
          %dma_start3A_87 = arith.constant 0 : i32
          %dma_start3A_88 = arith.constant 0 : i32
          %dma_start3A_89 = tpu.memref_slice %arg12[%dma_start3A_87, %dma_start3A_88] : memref<10000x64xf32, #tpu.memory_space<vmem_shared>> -> memref<10000x64xf32, #tpu.memory_space<vmem_shared>>
          tpu.enqueue_indirect_dma source(%arg11 : memref<80x64xf32, #tpu.memory_space<vmem>>) target(%dma_start3A_89 : memref<10000x64xf32, #tpu.memory_space<vmem_shared>>) offsets(%dma_start3A_86 : memref<80xi32, #tpu.memory_space<vmem>>) semaphore(%run_scoped3A : memref<!tpu.dma_semaphore, #tpu.memory_space<semaphore_mem>>) {add = true}
          %dma_wait3A_90 = arith.constant 0 : i32
          %dma_wait3A_91 = tpu.memref_slice %arg9[%add3A_82, %dma_wait3A_90] : memref<250x80xi32, #tpu.memory_space<vmem>> -> memref<1x80xi32, #tpu.memory_space<vmem>>
          %dma_wait3A_92 = tpu.memref_squeeze %dma_wait3A_91 : memref<1x80xi32, #tpu.memory_space<vmem>> -> memref<80xi32, #tpu.memory_space<vmem>>
          %dma_wait3A_93 = arith.constant 0 : i32
          %dma_wait3A_94 = arith.constant 0 : i32
          %dma_wait3A_95 = tpu.memref_slice %arg12[%dma_wait3A_93, %dma_wait3A_94] : memref<10000x64xf32, #tpu.memory_space<vmem_shared>> -> memref<10000x64xf32, #tpu.memory_space<vmem_shared>>
          tpu.wait_indirect_dma semaphore(%run_scoped3A : memref<!tpu.dma_semaphore, #tpu.memory_space<semaphore_mem>>) src(%arg11 : memref<80x64xf32, #tpu.memory_space<vmem>>) dst(%dma_wait3A_95 : memref<10000x64xf32, #tpu.memory_space<vmem_shared>>)
          tpu.yield
        }) : () -> ()
        %scan3A_83 = arith.constant 0 : i32
        scf.yield %scan3A_83 : i32
      }
      %scan3A_43 = arith.constant 125 : i32
      %barrier3A_44 = arith.constant 0 : index
      tpu.barrier barrier_id(%barrier3A_44)
      "tpu.region"() ({
        %run_scoped3A = tpu.sem_alloc : memref<!tpu.dma_semaphore, #tpu.memory_space<semaphore_mem>>
        %dma_start3A_50 = arith.constant 0 : i32
        %dma_start3A_51 = tpu.memref_slice %arg6[%mul3A_2, %dma_start3A_50] : memref<10000x64xf32, #tpu.memory_space<hbm>> -> memref<624x64xf32, #tpu.memory_space<hbm>>
        %dma_start3A_52 = arith.constant 0 : i32
        %dma_start3A_53 = tpu.memref_slice %arg12[%mul3A_2, %dma_start3A_52] : memref<10000x64xf32, #tpu.memory_space<vmem_shared>> -> memref<624x64xf32, #tpu.memory_space<vmem_shared>>
        tpu.enqueue_dma source(%dma_start3A_53 : memref<624x64xf32, #tpu.memory_space<vmem_shared>>) target(%dma_start3A_51 : memref<624x64xf32, #tpu.memory_space<hbm>>) target_semaphore(%run_scoped3A : memref<!tpu.dma_semaphore, #tpu.memory_space<semaphore_mem>>)
        %dma_wait3A_54 = arith.constant 0 : i32
        %dma_wait3A_55 = tpu.memref_slice %arg6[%mul3A_2, %dma_wait3A_54] : memref<10000x64xf32, #tpu.memory_space<hbm>> -> memref<624x64xf32, #tpu.memory_space<hbm>>
        %dma_wait3A_56 = arith.constant 0 : i32
        %dma_wait3A_57 = tpu.memref_slice %arg12[%mul3A_2, %dma_wait3A_56] : memref<10000x64xf32, #tpu.memory_space<vmem_shared>> -> memref<624x64xf32, #tpu.memory_space<vmem_shared>>
        tpu.wait_dma2 semaphore(%run_scoped3A : memref<!tpu.dma_semaphore, #tpu.memory_space<semaphore_mem>>) src(%dma_wait3A_57 : memref<624x64xf32, #tpu.memory_space<vmem_shared>>) dst(%dma_wait3A_55 : memref<624x64xf32, #tpu.memory_space<hbm>>)
        tpu.yield
      }) : () -> ()
      %eq3A_45 = arith.constant 0 : i32
      %eq3A_46 = arith.cmpi eq, %arg1, %eq3A_45 : i32
      %convert_element_type3A_47 = arith.extui %eq3A_46 : i1 to i32
      %cond3A_48 = arith.constant 0 : i32
      %cond3A_49 = arith.cmpi ne, %convert_element_type3A_47, %cond3A_48 : i32
      scf.if %cond3A_49 {
        "tpu.region"() ({
          %run_scoped3A = tpu.sem_alloc : memref<!tpu.dma_semaphore, #tpu.memory_space<semaphore_mem>>
          %dma_start3A_50 = arith.constant 9984 : i32
          %dma_start3A_51 = arith.constant 0 : i32
          %dma_start3A_52 = tpu.memref_slice %arg6[%dma_start3A_50, %dma_start3A_51] : memref<10000x64xf32, #tpu.memory_space<hbm>> -> memref<16x64xf32, #tpu.memory_space<hbm>>
          %dma_start3A_53 = arith.constant 9984 : i32
          %dma_start3A_54 = arith.constant 0 : i32
          %dma_start3A_55 = tpu.memref_slice %arg12[%dma_start3A_53, %dma_start3A_54] : memref<10000x64xf32, #tpu.memory_space<vmem_shared>> -> memref<16x64xf32, #tpu.memory_space<vmem_shared>>
          tpu.enqueue_dma source(%dma_start3A_55 : memref<16x64xf32, #tpu.memory_space<vmem_shared>>) target(%dma_start3A_52 : memref<16x64xf32, #tpu.memory_space<hbm>>) target_semaphore(%run_scoped3A : memref<!tpu.dma_semaphore, #tpu.memory_space<semaphore_mem>>)
          %dma_wait3A_56 = arith.constant 9984 : i32
          %dma_wait3A_57 = arith.constant 0 : i32
          %dma_wait3A_58 = tpu.memref_slice %arg6[%dma_wait3A_56, %dma_wait3A_57] : memref<10000x64xf32, #tpu.memory_space<hbm>> -> memref<16x64xf32, #tpu.memory_space<hbm>>
          %dma_wait3A_59 = arith.constant 9984 : i32
          %dma_wait3A_60 = arith.constant 0 : i32
          %dma_wait3A_61 = tpu.memref_slice %arg12[%dma_wait3A_59, %dma_wait3A_60] : memref<10000x64xf32, #tpu.memory_space<vmem_shared>> -> memref<16x64xf32, #tpu.memory_space<vmem_shared>>
          tpu.wait_dma2 semaphore(%run_scoped3A : memref<!tpu.dma_semaphore, #tpu.memory_space<semaphore_mem>>) src(%dma_wait3A_61 : memref<16x64xf32, #tpu.memory_space<vmem_shared>>) dst(%dma_wait3A_58 : memref<16x64xf32, #tpu.memory_space<hbm>>)
          tpu.yield
        }) : () -> ()
      } else {
      }
    } else {
    }
    %eq3A_23 = arith.constant 1 : i32
    %eq3A_24 = arith.cmpi eq, %arg0, %eq3A_23 : i32
    %convert_element_type3A_25 = arith.extui %eq3A_24 : i1 to i32
    %cond3A_26 = arith.constant 0 : i32
    %cond3A_27 = arith.cmpi ne, %convert_element_type3A_25, %cond3A_26 : i32
    scf.if %cond3A_27 {
      "tpu.region"() ({
        %run_scoped3A = tpu.sem_alloc : memref<!tpu.dma_semaphore, #tpu.memory_space<semaphore_mem>>
        %dma_start3A_50 = arith.constant 0 : i32
        %dma_start3A_51 = tpu.memref_slice %arg12[%mul3A_2, %dma_start3A_50] : memref<10000x64xf32, #tpu.memory_space<vmem_shared>> -> memref<624x64xf32, #tpu.memory_space<vmem_shared>>
        %dma_start3A_52 = arith.constant 0 : i32
        %dma_start3A_53 = tpu.memref_slice %arg3[%mul3A_2, %dma_start3A_52] : memref<10000x64xf32, #tpu.memory_space<hbm>> -> memref<624x64xf32, #tpu.memory_space<hbm>>
        tpu.enqueue_dma source(%dma_start3A_53 : memref<624x64xf32, #tpu.memory_space<hbm>>) target(%dma_start3A_51 : memref<624x64xf32, #tpu.memory_space<vmem_shared>>) target_semaphore(%run_scoped3A : memref<!tpu.dma_semaphore, #tpu.memory_space<semaphore_mem>>)
        %dma_wait3A_54 = arith.constant 0 : i32
        %dma_wait3A_55 = tpu.memref_slice %arg12[%mul3A_2, %dma_wait3A_54] : memref<10000x64xf32, #tpu.memory_space<vmem_shared>> -> memref<624x64xf32, #tpu.memory_space<vmem_shared>>
        %dma_wait3A_56 = arith.constant 0 : i32
        %dma_wait3A_57 = tpu.memref_slice %arg3[%mul3A_2, %dma_wait3A_56] : memref<10000x64xf32, #tpu.memory_space<hbm>> -> memref<624x64xf32, #tpu.memory_space<hbm>>
        tpu.wait_dma2 semaphore(%run_scoped3A : memref<!tpu.dma_semaphore, #tpu.memory_space<semaphore_mem>>) src(%dma_wait3A_57 : memref<624x64xf32, #tpu.memory_space<hbm>>) dst(%dma_wait3A_55 : memref<624x64xf32, #tpu.memory_space<vmem_shared>>)
        tpu.yield
      }) : () -> ()
      %eq3A_28 = arith.constant 0 : i32
      %eq3A_29 = arith.cmpi eq, %arg1, %eq3A_28 : i32
      %convert_element_type3A_30 = arith.extui %eq3A_29 : i1 to i32
      %cond3A_31 = arith.constant 0 : i32
      %cond3A_32 = arith.cmpi ne, %convert_element_type3A_30, %cond3A_31 : i32
      scf.if %cond3A_32 {
        "tpu.region"() ({
          %run_scoped3A = tpu.sem_alloc : memref<!tpu.dma_semaphore, #tpu.memory_space<semaphore_mem>>
          %dma_start3A_50 = arith.constant 9984 : i32
          %dma_start3A_51 = arith.constant 0 : i32
          %dma_start3A_52 = tpu.memref_slice %arg12[%dma_start3A_50, %dma_start3A_51] : memref<10000x64xf32, #tpu.memory_space<vmem_shared>> -> memref<16x64xf32, #tpu.memory_space<vmem_shared>>
          %dma_start3A_53 = arith.constant 9984 : i32
          %dma_start3A_54 = arith.constant 0 : i32
          %dma_start3A_55 = tpu.memref_slice %arg3[%dma_start3A_53, %dma_start3A_54] : memref<10000x64xf32, #tpu.memory_space<hbm>> -> memref<16x64xf32, #tpu.memory_space<hbm>>
          tpu.enqueue_dma source(%dma_start3A_55 : memref<16x64xf32, #tpu.memory_space<hbm>>) target(%dma_start3A_52 : memref<16x64xf32, #tpu.memory_space<vmem_shared>>) target_semaphore(%run_scoped3A : memref<!tpu.dma_semaphore, #tpu.memory_space<semaphore_mem>>)
          %dma_wait3A_56 = arith.constant 9984 : i32
          %dma_wait3A_57 = arith.constant 0 : i32
          %dma_wait3A_58 = tpu.memref_slice %arg12[%dma_wait3A_56, %dma_wait3A_57] : memref<10000x64xf32, #tpu.memory_space<vmem_shared>> -> memref<16x64xf32, #tpu.memory_space<vmem_shared>>
          %dma_wait3A_59 = arith.constant 9984 : i32
          %dma_wait3A_60 = arith.constant 0 : i32
          %dma_wait3A_61 = tpu.memref_slice %arg3[%dma_wait3A_59, %dma_wait3A_60] : memref<10000x64xf32, #tpu.memory_space<hbm>> -> memref<16x64xf32, #tpu.memory_space<hbm>>
          tpu.wait_dma2 semaphore(%run_scoped3A : memref<!tpu.dma_semaphore, #tpu.memory_space<semaphore_mem>>) src(%dma_wait3A_61 : memref<16x64xf32, #tpu.memory_space<hbm>>) dst(%dma_wait3A_58 : memref<16x64xf32, #tpu.memory_space<vmem_shared>>)
          tpu.yield
        }) : () -> ()
      } else {
      }
      %barrier3A = arith.constant 0 : index
      tpu.barrier barrier_id(%barrier3A)
      %dma_start3A_33 = arith.constant 0 : i32
      %dma_start3A_34 = tpu.memref_slice %arg8[%dma_start3A_33] : memref<20000xi32, #tpu.memory_space<vmem>> -> memref<80xi32, #tpu.memory_space<vmem>>
      %dma_start3A_35 = arith.constant 0 : i32
      %dma_start3A_36 = arith.constant 0 : i32
      %dma_start3A_37 = tpu.memref_slice %arg3[%dma_start3A_35, %dma_start3A_36] : memref<10000x64xf32, #tpu.memory_space<hbm>> -> memref<10000x64xf32, #tpu.memory_space<hbm>>
      tpu.enqueue_indirect_dma source(%dma_start3A_37 : memref<10000x64xf32, #tpu.memory_space<hbm>>) target(%arg10 : memref<80x64xf32, #tpu.memory_space<vmem>>) offsets(%dma_start3A_34 : memref<80xi32, #tpu.memory_space<vmem>>) semaphore(%arg13 : memref<!tpu.dma_semaphore, #tpu.memory_space<semaphore_mem>>)
      %scan3A = arith.constant 0 : i32
      %scan3A_38 = arith.constant 0 : i32
      %scan3A_39 = arith.constant 125 : i32
      %scan3A_40 = arith.addi %scan3A_38, %scan3A_39 : i32
      %scan3A_41 = arith.constant 1 : i32
      %scan3A_42 = scf.for %scan3A_50 = %scan3A_38 to %scan3A_40 step %scan3A_41 iter_args(%scan3A_51 = %scan3A) -> (i32)  : i32 {
        %mul3A_52 = arith.constant 2 : i32
        %mul3A_53 = arith.muli %mul3A_52, %scan3A_50 : i32
        %add3A = arith.constant 1 : i32
        %add3A_54 = arith.addi %mul3A_53, %add3A : i32
        %mul3A_55 = arith.constant 80 : i32
        %mul3A_56 = arith.muli %add3A_54, %mul3A_55 : i32
        %dma_start3A_57 = tpu.memref_slice %arg8[%mul3A_56] : memref<20000xi32, #tpu.memory_space<vmem>> -> memref<80xi32, #tpu.memory_space<vmem>>
        %dma_start3A_58 = arith.constant 0 : i32
        %dma_start3A_59 = arith.constant 0 : i32
        %dma_start3A_60 = tpu.memref_slice %arg3[%dma_start3A_58, %dma_start3A_59] : memref<10000x64xf32, #tpu.memory_space<hbm>> -> memref<10000x64xf32, #tpu.memory_space<hbm>>
        tpu.enqueue_indirect_dma source(%dma_start3A_60 : memref<10000x64xf32, #tpu.memory_space<hbm>>) target(%arg11 : memref<80x64xf32, #tpu.memory_space<vmem>>) offsets(%dma_start3A_57 : memref<80xi32, #tpu.memory_space<vmem>>) semaphore(%arg14 : memref<!tpu.dma_semaphore, #tpu.memory_space<semaphore_mem>>)
        %mul3A_61 = arith.constant 80 : i32
        %mul3A_62 = arith.muli %mul3A_53, %mul3A_61 : i32
        %dma_wait3A_63 = tpu.memref_slice %arg8[%mul3A_62] : memref<20000xi32, #tpu.memory_space<vmem>> -> memref<80xi32, #tpu.memory_space<vmem>>
        %dma_wait3A_64 = arith.constant 0 : i32
        %dma_wait3A_65 = arith.constant 0 : i32
        %dma_wait3A_66 = tpu.memref_slice %arg3[%dma_wait3A_64, %dma_wait3A_65] : memref<10000x64xf32, #tpu.memory_space<hbm>> -> memref<10000x64xf32, #tpu.memory_space<hbm>>
        tpu.wait_indirect_dma semaphore(%arg13 : memref<!tpu.dma_semaphore, #tpu.memory_space<semaphore_mem>>) src(%dma_wait3A_66 : memref<10000x64xf32, #tpu.memory_space<hbm>>) dst(%arg10 : memref<80x64xf32, #tpu.memory_space<vmem>>)
        "tpu.region"() ({
          %run_scoped3A = tpu.sem_alloc : memref<!tpu.dma_semaphore, #tpu.memory_space<semaphore_mem>>
          %dma_start3A_84 = arith.constant 0 : i32
          %dma_start3A_85 = tpu.memref_slice %arg9[%mul3A_53, %dma_start3A_84] : memref<250x80xi32, #tpu.memory_space<vmem>> -> memref<1x80xi32, #tpu.memory_space<vmem>>
          %dma_start3A_86 = tpu.memref_squeeze %dma_start3A_85 : memref<1x80xi32, #tpu.memory_space<vmem>> -> memref<80xi32, #tpu.memory_space<vmem>>
          %dma_start3A_87 = arith.constant 0 : i32
          %dma_start3A_88 = arith.constant 0 : i32
          %dma_start3A_89 = tpu.memref_slice %arg12[%dma_start3A_87, %dma_start3A_88] : memref<10000x64xf32, #tpu.memory_space<vmem_shared>> -> memref<10000x64xf32, #tpu.memory_space<vmem_shared>>
          tpu.enqueue_indirect_dma source(%arg10 : memref<80x64xf32, #tpu.memory_space<vmem>>) target(%dma_start3A_89 : memref<10000x64xf32, #tpu.memory_space<vmem_shared>>) offsets(%dma_start3A_86 : memref<80xi32, #tpu.memory_space<vmem>>) semaphore(%run_scoped3A : memref<!tpu.dma_semaphore, #tpu.memory_space<semaphore_mem>>) {add = true}
          %dma_wait3A_90 = arith.constant 0 : i32
          %dma_wait3A_91 = tpu.memref_slice %arg9[%mul3A_53, %dma_wait3A_90] : memref<250x80xi32, #tpu.memory_space<vmem>> -> memref<1x80xi32, #tpu.memory_space<vmem>>
          %dma_wait3A_92 = tpu.memref_squeeze %dma_wait3A_91 : memref<1x80xi32, #tpu.memory_space<vmem>> -> memref<80xi32, #tpu.memory_space<vmem>>
          %dma_wait3A_93 = arith.constant 0 : i32
          %dma_wait3A_94 = arith.constant 0 : i32
          %dma_wait3A_95 = tpu.memref_slice %arg12[%dma_wait3A_93, %dma_wait3A_94] : memref<10000x64xf32, #tpu.memory_space<vmem_shared>> -> memref<10000x64xf32, #tpu.memory_space<vmem_shared>>
          tpu.wait_indirect_dma semaphore(%run_scoped3A : memref<!tpu.dma_semaphore, #tpu.memory_space<semaphore_mem>>) src(%arg10 : memref<80x64xf32, #tpu.memory_space<vmem>>) dst(%dma_wait3A_95 : memref<10000x64xf32, #tpu.memory_space<vmem_shared>>)
          tpu.yield
        }) : () -> ()
        %add3A_67 = arith.constant 1 : i32
        %add3A_68 = arith.addi %scan3A_50, %add3A_67 : i32
        %lt3A = arith.constant 125 : i32
        %lt3A_69 = arith.cmpi slt, %add3A_68, %lt3A : i32
        %convert_element_type3A_70 = arith.extui %lt3A_69 : i1 to i32
        %cond3A_71 = arith.constant 0 : i32
        %cond3A_72 = arith.cmpi ne, %convert_element_type3A_70, %cond3A_71 : i32
        scf.if %cond3A_72 {
          %add3A_84 = arith.constant 2 : i32
          %add3A_85 = arith.addi %mul3A_53, %add3A_84 : i32
          %mul3A_86 = arith.constant 80 : i32
          %mul3A_87 = arith.muli %add3A_85, %mul3A_86 : i32
          %dma_start3A_88 = tpu.memref_slice %arg8[%mul3A_87] : memref<20000xi32, #tpu.memory_space<vmem>> -> memref<80xi32, #tpu.memory_space<vmem>>
          %dma_start3A_89 = arith.constant 0 : i32
          %dma_start3A_90 = arith.constant 0 : i32
          %dma_start3A_91 = tpu.memref_slice %arg3[%dma_start3A_89, %dma_start3A_90] : memref<10000x64xf32, #tpu.memory_space<hbm>> -> memref<10000x64xf32, #tpu.memory_space<hbm>>
          tpu.enqueue_indirect_dma source(%dma_start3A_91 : memref<10000x64xf32, #tpu.memory_space<hbm>>) target(%arg10 : memref<80x64xf32, #tpu.memory_space<vmem>>) offsets(%dma_start3A_88 : memref<80xi32, #tpu.memory_space<vmem>>) semaphore(%arg13 : memref<!tpu.dma_semaphore, #tpu.memory_space<semaphore_mem>>)
        } else {
        }
        %add3A_73 = arith.constant 1 : i32
        %add3A_74 = arith.addi %mul3A_53, %add3A_73 : i32
        %mul3A_75 = arith.constant 80 : i32
        %mul3A_76 = arith.muli %add3A_74, %mul3A_75 : i32
        %dma_wait3A_77 = tpu.memref_slice %arg8[%mul3A_76] : memref<20000xi32, #tpu.memory_space<vmem>> -> memref<80xi32, #tpu.memory_space<vmem>>
        %dma_wait3A_78 = arith.constant 0 : i32
        %dma_wait3A_79 = arith.constant 0 : i32
        %dma_wait3A_80 = tpu.memref_slice %arg3[%dma_wait3A_78, %dma_wait3A_79] : memref<10000x64xf32, #tpu.memory_space<hbm>> -> memref<10000x64xf32, #tpu.memory_space<hbm>>
        tpu.wait_indirect_dma semaphore(%arg14 : memref<!tpu.dma_semaphore, #tpu.memory_space<semaphore_mem>>) src(%dma_wait3A_80 : memref<10000x64xf32, #tpu.memory_space<hbm>>) dst(%arg11 : memref<80x64xf32, #tpu.memory_space<vmem>>)
        %add3A_81 = arith.constant 1 : i32
        %add3A_82 = arith.addi %mul3A_53, %add3A_81 : i32
        "tpu.region"() ({
          %run_scoped3A = tpu.sem_alloc : memref<!tpu.dma_semaphore, #tpu.memory_space<semaphore_mem>>
          %dma_start3A_84 = arith.constant 0 : i32
          %dma_start3A_85 = tpu.memref_slice %arg9[%add3A_82, %dma_start3A_84] : memref<250x80xi32, #tpu.memory_space<vmem>> -> memref<1x80xi32, #tpu.memory_space<vmem>>
          %dma_start3A_86 = tpu.memref_squeeze %dma_start3A_85 : memref<1x80xi32, #tpu.memory_space<vmem>> -> memref<80xi32, #tpu.memory_space<vmem>>
          %dma_start3A_87 = arith.constant 0 : i32
          %dma_start3A_88 = arith.constant 0 : i32
          %dma_start3A_89 = tpu.memref_slice %arg12[%dma_start3A_87, %dma_start3A_88] : memref<10000x64xf32, #tpu.memory_space<vmem_shared>> -> memref<10000x64xf32, #tpu.memory_space<vmem_shared>>
          tpu.enqueue_indirect_dma source(%arg11 : memref<80x64xf32, #tpu.memory_space<vmem>>) target(%dma_start3A_89 : memref<10000x64xf32, #tpu.memory_space<vmem_shared>>) offsets(%dma_start3A_86 : memref<80xi32, #tpu.memory_space<vmem>>) semaphore(%run_scoped3A : memref<!tpu.dma_semaphore, #tpu.memory_space<semaphore_mem>>) {add = true}
          %dma_wait3A_90 = arith.constant 0 : i32
          %dma_wait3A_91 = tpu.memref_slice %arg9[%add3A_82, %dma_wait3A_90] : memref<250x80xi32, #tpu.memory_space<vmem>> -> memref<1x80xi32, #tpu.memory_space<vmem>>
          %dma_wait3A_92 = tpu.memref_squeeze %dma_wait3A_91 : memref<1x80xi32, #tpu.memory_space<vmem>> -> memref<80xi32, #tpu.memory_space<vmem>>
          %dma_wait3A_93 = arith.constant 0 : i32
          %dma_wait3A_94 = arith.constant 0 : i32
          %dma_wait3A_95 = tpu.memref_slice %arg12[%dma_wait3A_93, %dma_wait3A_94] : memref<10000x64xf32, #tpu.memory_space<vmem_shared>> -> memref<10000x64xf32, #tpu.memory_space<vmem_shared>>
          tpu.wait_indirect_dma semaphore(%run_scoped3A : memref<!tpu.dma_semaphore, #tpu.memory_space<semaphore_mem>>) src(%arg11 : memref<80x64xf32, #tpu.memory_space<vmem>>) dst(%dma_wait3A_95 : memref<10000x64xf32, #tpu.memory_space<vmem_shared>>)
          tpu.yield
        }) : () -> ()
        %scan3A_83 = arith.constant 0 : i32
        scf.yield %scan3A_83 : i32
      }
      %scan3A_43 = arith.constant 125 : i32
      %barrier3A_44 = arith.constant 0 : index
      tpu.barrier barrier_id(%barrier3A_44)
      "tpu.region"() ({
        %run_scoped3A = tpu.sem_alloc : memref<!tpu.dma_semaphore, #tpu.memory_space<semaphore_mem>>
        %dma_start3A_50 = arith.constant 0 : i32
        %dma_start3A_51 = tpu.memref_slice %arg7[%mul3A_2, %dma_start3A_50] : memref<10000x64xf32, #tpu.memory_space<hbm>> -> memref<624x64xf32, #tpu.memory_space<hbm>>
        %dma_start3A_52 = arith.constant 0 : i32
        %dma_start3A_53 = tpu.memref_slice %arg12[%mul3A_2, %dma_start3A_52] : memref<10000x64xf32, #tpu.memory_space<vmem_shared>> -> memref<624x64xf32, #tpu.memory_space<vmem_shared>>
        tpu.enqueue_dma source(%dma_start3A_53 : memref<624x64xf32, #tpu.memory_space<vmem_shared>>) target(%dma_start3A_51 : memref<624x64xf32, #tpu.memory_space<hbm>>) target_semaphore(%run_scoped3A : memref<!tpu.dma_semaphore, #tpu.memory_space<semaphore_mem>>)
        %dma_wait3A_54 = arith.constant 0 : i32
        %dma_wait3A_55 = tpu.memref_slice %arg7[%mul3A_2, %dma_wait3A_54] : memref<10000x64xf32, #tpu.memory_space<hbm>> -> memref<624x64xf32, #tpu.memory_space<hbm>>
        %dma_wait3A_56 = arith.constant 0 : i32
        %dma_wait3A_57 = tpu.memref_slice %arg12[%mul3A_2, %dma_wait3A_56] : memref<10000x64xf32, #tpu.memory_space<vmem_shared>> -> memref<624x64xf32, #tpu.memory_space<vmem_shared>>
        tpu.wait_dma2 semaphore(%run_scoped3A : memref<!tpu.dma_semaphore, #tpu.memory_space<semaphore_mem>>) src(%dma_wait3A_57 : memref<624x64xf32, #tpu.memory_space<vmem_shared>>) dst(%dma_wait3A_55 : memref<624x64xf32, #tpu.memory_space<hbm>>)
        tpu.yield
      }) : () -> ()
      %eq3A_45 = arith.constant 0 : i32
      %eq3A_46 = arith.cmpi eq, %arg1, %eq3A_45 : i32
      %convert_element_type3A_47 = arith.extui %eq3A_46 : i1 to i32
      %cond3A_48 = arith.constant 0 : i32
      %cond3A_49 = arith.cmpi ne, %convert_element_type3A_47, %cond3A_48 : i32
      scf.if %cond3A_49 {
        "tpu.region"() ({
          %run_scoped3A = tpu.sem_alloc : memref<!tpu.dma_semaphore, #tpu.memory_space<semaphore_mem>>
          %dma_start3A_50 = arith.constant 9984 : i32
          %dma_start3A_51 = arith.constant 0 : i32
          %dma_start3A_52 = tpu.memref_slice %arg7[%dma_start3A_50, %dma_start3A_51] : memref<10000x64xf32, #tpu.memory_space<hbm>> -> memref<16x64xf32, #tpu.memory_space<hbm>>
          %dma_start3A_53 = arith.constant 9984 : i32
          %dma_start3A_54 = arith.constant 0 : i32
          %dma_start3A_55 = tpu.memref_slice %arg12[%dma_start3A_53, %dma_start3A_54] : memref<10000x64xf32, #tpu.memory_space<vmem_shared>> -> memref<16x64xf32, #tpu.memory_space<vmem_shared>>
          tpu.enqueue_dma source(%dma_start3A_55 : memref<16x64xf32, #tpu.memory_space<vmem_shared>>) target(%dma_start3A_52 : memref<16x64xf32, #tpu.memory_space<hbm>>) target_semaphore(%run_scoped3A : memref<!tpu.dma_semaphore, #tpu.memory_space<semaphore_mem>>)
          %dma_wait3A_56 = arith.constant 9984 : i32
          %dma_wait3A_57 = arith.constant 0 : i32
          %dma_wait3A_58 = tpu.memref_slice %arg7[%dma_wait3A_56, %dma_wait3A_57] : memref<10000x64xf32, #tpu.memory_space<hbm>> -> memref<16x64xf32, #tpu.memory_space<hbm>>
          %dma_wait3A_59 = arith.constant 9984 : i32
          %dma_wait3A_60 = arith.constant 0 : i32
          %dma_wait3A_61 = tpu.memref_slice %arg12[%dma_wait3A_59, %dma_wait3A_60] : memref<10000x64xf32, #tpu.memory_space<vmem_shared>> -> memref<16x64xf32, #tpu.memory_space<vmem_shared>>
          tpu.wait_dma2 semaphore(%run_scoped3A : memref<!tpu.dma_semaphore, #tpu.memory_space<semaphore_mem>>) src(%dma_wait3A_61 : memref<16x64xf32, #tpu.memory_space<vmem_shared>>) dst(%dma_wait3A_58 : memref<16x64xf32, #tpu.memory_space<hbm>>)
          tpu.yield
        }) : () -> ()
      } else {
      }
    } else {
    }
    return
  }
}

module attributes {stable_mosaic.version = 14 : i64} {
  func.func @_tca_body(%arg0: i32, %arg1: memref<1000x128xf32, #tpu.memory_space<vmem>>, %arg2: memref<256x128xf32, #tpu.memory_space<vmem>>, %arg3: memref<1000x1xf32, #tpu.memory_space<vmem>>, %arg4: memref<1000x64xf32, #tpu.memory_space<vmem>>, %arg5: memref<1000x64xf32, #tpu.memory_space<vmem>>, %arg6: memref<1000x64xf32, #tpu.memory_space<vmem>>, %arg7: memref<1000x64xf32, #tpu.memory_space<vmem>>) attributes {dimension_semantics = [#tpu.dimension_semantics<arbitrary>], iteration_bounds = array<i64: 10>, scalar_prefetch = 0 : i64, scratch_operands = 0 : i64, tpu.core_type = #tpu.core_type<tc>, window_params = [{transform_indices = @transform_0, window_bounds = array<i64: 1000, 128>}, {pipeline_mode = #tpu.pipeline_mode<synchronous>, transform_indices = @transform_1, window_bounds = array<i64: 256, 128>}, {transform_indices = @transform_2, window_bounds = array<i64: 1000, 1>}, {transform_indices = @transform_3, window_bounds = array<i64: 1000, 64>}, {transform_indices = @transform_4, window_bounds = array<i64: 1000, 64>}, {transform_indices = @transform_5, window_bounds = array<i64: 1000, 64>}, {transform_indices = @transform_6, window_bounds = array<i64: 1000, 64>}]} {
    %get3A = arith.constant 0 : index
    %get3A_0 = arith.constant 0 : index
    %get3A_1 = vector.load %arg1[%get3A, %get3A_0] : memref<1000x128xf32, #tpu.memory_space<vmem>>, vector<1000x128xf32>
    %get3A_2 = arith.constant 0 : index
    %get3A_3 = arith.constant 0 : index
    %get3A_4 = vector.load %arg2[%get3A_2, %get3A_3] : memref<256x128xf32, #tpu.memory_space<vmem>>, vector<256x128xf32>
    %dot_general3A = arith.constant dense<0.000000e+00> : vector<1000x256xf32>
    %dot_general3A_5 = tpu.matmul %get3A_1, %get3A_4, %dot_general3A {dimension_numbers = #tpu.dot_dimension_numbers<[1], [1], [0], [0], [0, 0, 1, 0], [], []>, transpose_lhs_hint = false} : vector<1000x128xf32>, vector<256x128xf32>, vector<1000x256xf32> -> vector<1000x256xf32>
    %get3A_6 = arith.constant 0 : index
    %get3A_7 = arith.constant 0 : index
    %get3A_8 = vector.load %arg3[%get3A_6, %get3A_7] : memref<1000x1xf32, #tpu.memory_space<vmem>>, vector<1000x1xf32>
    %slice3A = vector.extract_strided_slice %dot_general3A_5 {offsets = [0, 0], sizes = [1000, 64], strides = [1, 1]} : vector<1000x256xf32> to vector<1000x64xf32>
    %mul3A = vector.broadcast %get3A_8 : vector<1000x1xf32> to vector<1000x64xf32>
    %mul3A_9 = arith.mulf %slice3A, %mul3A : vector<1000x64xf32>
    %swap3A = arith.constant 0 : index
    %swap3A_10 = arith.constant 0 : index
    %swap3A_11 = vector.load %arg4[%swap3A, %swap3A_10] : memref<1000x64xf32, #tpu.memory_space<vmem>>, vector<1000x64xf32>
    tpu.vector_store %arg4[%swap3A, %swap3A_10], %mul3A_9 {strides = array<i32>} : memref<1000x64xf32, #tpu.memory_space<vmem>>, vector<1000x64xf32>,
    %slice3A_12 = vector.extract_strided_slice %dot_general3A_5 {offsets = [0, 64], sizes = [1000, 64], strides = [1, 1]} : vector<1000x256xf32> to vector<1000x64xf32>
    %mul3A_13 = vector.broadcast %get3A_8 : vector<1000x1xf32> to vector<1000x64xf32>
    %mul3A_14 = arith.mulf %slice3A_12, %mul3A_13 : vector<1000x64xf32>
    %swap3A_15 = arith.constant 0 : index
    %swap3A_16 = arith.constant 0 : index
    %swap3A_17 = vector.load %arg5[%swap3A_15, %swap3A_16] : memref<1000x64xf32, #tpu.memory_space<vmem>>, vector<1000x64xf32>
    tpu.vector_store %arg5[%swap3A_15, %swap3A_16], %mul3A_14 {strides = array<i32>} : memref<1000x64xf32, #tpu.memory_space<vmem>>, vector<1000x64xf32>,
    %slice3A_18 = vector.extract_strided_slice %dot_general3A_5 {offsets = [0, 128], sizes = [1000, 64], strides = [1, 1]} : vector<1000x256xf32> to vector<1000x64xf32>
    %mul3A_19 = vector.broadcast %get3A_8 : vector<1000x1xf32> to vector<1000x64xf32>
    %mul3A_20 = arith.mulf %slice3A_18, %mul3A_19 : vector<1000x64xf32>
    %swap3A_21 = arith.constant 0 : index
    %swap3A_22 = arith.constant 0 : index
    %swap3A_23 = vector.load %arg6[%swap3A_21, %swap3A_22] : memref<1000x64xf32, #tpu.memory_space<vmem>>, vector<1000x64xf32>
    tpu.vector_store %arg6[%swap3A_21, %swap3A_22], %mul3A_20 {strides = array<i32>} : memref<1000x64xf32, #tpu.memory_space<vmem>>, vector<1000x64xf32>,
    %slice3A_24 = vector.extract_strided_slice %dot_general3A_5 {offsets = [0, 192], sizes = [1000, 64], strides = [1, 1]} : vector<1000x256xf32> to vector<1000x64xf32>
    %mul3A_25 = vector.broadcast %get3A_8 : vector<1000x1xf32> to vector<1000x64xf32>
    %mul3A_26 = arith.mulf %slice3A_24, %mul3A_25 : vector<1000x64xf32>
    %swap3A_27 = arith.constant 0 : index
    %swap3A_28 = arith.constant 0 : index
    %swap3A_29 = vector.load %arg7[%swap3A_27, %swap3A_28] : memref<1000x64xf32, #tpu.memory_space<vmem>>, vector<1000x64xf32>
    tpu.vector_store %arg7[%swap3A_27, %swap3A_28], %mul3A_26 {strides = array<i32>} : memref<1000x64xf32, #tpu.memory_space<vmem>>, vector<1000x64xf32>,
    return
  }
  func.func @transform_0(%arg0: i32) -> (i32, i32) {
    %c0_i32 = arith.constant 0 : i32
    %c0_i32_0 = arith.constant 0 : i32
    return %arg0, %c0_i32 : i32, i32
  }
  func.func @transform_1(%arg0: i32) -> (i32, i32) {
    %c0_i32 = arith.constant 0 : i32
    %c0_i32_0 = arith.constant 0 : i32
    %c0_i32_1 = arith.constant 0 : i32
    return %c0_i32, %c0_i32_0 : i32, i32
  }
  func.func @transform_2(%arg0: i32) -> (i32, i32) {
    %c0_i32 = arith.constant 0 : i32
    %c0_i32_0 = arith.constant 0 : i32
    return %arg0, %c0_i32 : i32, i32
  }
  func.func @transform_3(%arg0: i32) -> (i32, i32) {
    %c0_i32 = arith.constant 0 : i32
    %c0_i32_0 = arith.constant 0 : i32
    return %arg0, %c0_i32 : i32, i32
  }
  func.func @transform_4(%arg0: i32) -> (i32, i32) {
    %c0_i32 = arith.constant 0 : i32
    %c0_i32_0 = arith.constant 0 : i32
    return %arg0, %c0_i32 : i32, i32
  }
  func.func @transform_5(%arg0: i32) -> (i32, i32) {
    %c0_i32 = arith.constant 0 : i32
    %c0_i32_0 = arith.constant 0 : i32
    return %arg0, %c0_i32 : i32, i32
  }
  func.func @transform_6(%arg0: i32) -> (i32, i32) {
    %c0_i32 = arith.constant 0 : i32
    %c0_i32_0 = arith.constant 0 : i32
    return %arg0, %c0_i32 : i32, i32
  }
}

module attributes {stable_mosaic.version = 14 : i64} {
  func.func @_dinv_body(%arg0: memref<32x10000xf32, #tpu.memory_space<vmem>>, %arg1: memref<10000x1xf32, #tpu.memory_space<vmem>>) attributes {dimension_semantics = [], scalar_prefetch = 0 : i64, scratch_operands = 0 : i64, tpu.core_type = #tpu.core_type<tc>} {
    %get3A = arith.constant 0 : index
    %get3A_0 = arith.constant 0 : index
    %get3A_1 = vector.load %arg0[%get3A, %get3A_0] : memref<32x10000xf32, #tpu.memory_space<vmem>>, vector<32x10000xf32>
    %reduce_sum3A = arith.constant dense<0.000000e+00> : vector<10000xf32>
    %reduce_sum3A_2 = vector.multi_reduction <add>, %get3A_1, %reduce_sum3A [0] : vector<32x10000xf32> to vector<10000xf32>
    %add3A = arith.constant 1.000000e+00 : f32
    %add3A_3 = vector.broadcast %add3A : f32 to vector<10000xf32>
    %add3A_4 = arith.addf %reduce_sum3A_2, %add3A_3 : vector<10000xf32>
    %rsqrt3A = math.rsqrt %add3A_4 : vector<10000xf32>
    %broadcast_in_dim3A = vector.shape_cast %rsqrt3A : vector<10000xf32> to vector<10000x1xf32>
    %swap3A = arith.constant 0 : index
    %swap3A_5 = arith.constant 0 : index
    %swap3A_6 = vector.load %arg1[%swap3A, %swap3A_5] : memref<10000x1xf32, #tpu.memory_space<vmem>>, vector<10000x1xf32>
    tpu.vector_store %arg1[%swap3A, %swap3A_5], %broadcast_in_dim3A {strides = array<i32>} : memref<10000x1xf32, #tpu.memory_space<vmem>>, vector<10000x1xf32>,
    return
  }
}

module attributes {stable_mosaic.version = 14 : i64} {
  func.func @_tcb_body(%arg0: i32, %arg1: memref<1000x64xf32, #tpu.memory_space<vmem>>, %arg2: memref<1000x64xf32, #tpu.memory_space<vmem>>, %arg3: memref<1000x64xf32, #tpu.memory_space<vmem>>, %arg4: memref<1000x64xf32, #tpu.memory_space<vmem>>, %arg5: memref<1000x1xf32, #tpu.memory_space<vmem>>, %arg6: memref<1x256xf32, #tpu.memory_space<vmem>>, %arg7: memref<1x256xf32, #tpu.memory_space<vmem>>, %arg8: memref<1x256xf32, #tpu.memory_space<vmem>>, %arg9: memref<128x256xf32, #tpu.memory_space<vmem>>, %arg10: memref<1000x64xf32, #tpu.memory_space<vmem>>, %arg11: memref<1000x64xf32, #tpu.memory_space<vmem>>) attributes {dimension_semantics = [#tpu.dimension_semantics<arbitrary>], iteration_bounds = array<i64: 10>, scalar_prefetch = 0 : i64, scratch_operands = 0 : i64, tpu.core_type = #tpu.core_type<tc>, window_params = [{transform_indices = @transform_0, window_bounds = array<i64: 1000, 64>}, {transform_indices = @transform_1, window_bounds = array<i64: 1000, 64>}, {transform_indices = @transform_2, window_bounds = array<i64: 1000, 64>}, {transform_indices = @transform_3, window_bounds = array<i64: 1000, 64>}, {transform_indices = @transform_4, window_bounds = array<i64: 1000, 1>}, {pipeline_mode = #tpu.pipeline_mode<synchronous>, transform_indices = @transform_5, window_bounds = array<i64: 1, 256>}, {pipeline_mode = #tpu.pipeline_mode<synchronous>, transform_indices = @transform_6, window_bounds = array<i64: 1, 256>}, {pipeline_mode = #tpu.pipeline_mode<synchronous>, transform_indices = @transform_7, window_bounds = array<i64: 1, 256>}, {pipeline_mode = #tpu.pipeline_mode<synchronous>, transform_indices = @transform_8, window_bounds = array<i64: 128, 256>}, {transform_indices = @transform_9, window_bounds = array<i64: 1000, 64>}, {transform_indices = @transform_10, window_bounds = array<i64: 1000, 64>}]} {
    %get3A = arith.constant 0 : index
    %get3A_0 = arith.constant 0 : index
    %get3A_1 = vector.load %arg5[%get3A, %get3A_0] : memref<1000x1xf32, #tpu.memory_space<vmem>>, vector<1000x1xf32>
    %get3A_2 = arith.constant 0 : index
    %get3A_3 = arith.constant 0 : index
    %get3A_4 = vector.load %arg1[%get3A_2, %get3A_3] : memref<1000x64xf32, #tpu.memory_space<vmem>>, vector<1000x64xf32>
    %get3A_5 = arith.constant 0 : index
    %get3A_6 = arith.constant 0 : index
    %get3A_7 = vector.load %arg2[%get3A_5, %get3A_6] : memref<1000x64xf32, #tpu.memory_space<vmem>>, vector<1000x64xf32>
    %get3A_8 = arith.constant 0 : index
    %get3A_9 = arith.constant 0 : index
    %get3A_10 = vector.load %arg3[%get3A_8, %get3A_9] : memref<1000x64xf32, #tpu.memory_space<vmem>>, vector<1000x64xf32>
    %get3A_11 = arith.constant 0 : index
    %get3A_12 = arith.constant 0 : index
    %get3A_13 = vector.load %arg4[%get3A_11, %get3A_12] : memref<1000x64xf32, #tpu.memory_space<vmem>>, vector<1000x64xf32>
    %concatenate3A = tpu.concatenate %get3A_4, %get3A_7, %get3A_10, %get3A_13 in 1 : vector<1000x64xf32>, vector<1000x64xf32>, vector<1000x64xf32>, vector<1000x64xf32> -> vector<1000x256xf32>
    %mul3A = vector.broadcast %get3A_1 : vector<1000x1xf32> to vector<1000x256xf32>
    %mul3A_14 = arith.mulf %concatenate3A, %mul3A : vector<1000x256xf32>
    %get3A_15 = arith.constant 0 : index
    %get3A_16 = arith.constant 0 : index
    %get3A_17 = vector.load %arg6[%get3A_15, %get3A_16] : memref<1x256xf32, #tpu.memory_space<vmem>>, vector<1x256xf32>
    %add3A = vector.broadcast %get3A_17 : vector<1x256xf32> to vector<1000x256xf32>
    %add3A_18 = arith.addf %mul3A_14, %add3A : vector<1000x256xf32>
    %reduce_sum3A = arith.constant dense<0.000000e+00> : vector<1000xf32>
    %reduce_sum3A_19 = vector.multi_reduction <add>, %add3A_18, %reduce_sum3A [1] : vector<1000x256xf32> to vector<1000xf32>
    %broadcast_in_dim3A = vector.shape_cast %reduce_sum3A_19 : vector<1000xf32> to vector<1000x1xf32>
    %div3A = arith.constant 2.560000e+02 : f32
    %div3A_20 = vector.broadcast %div3A : f32 to vector<1000x1xf32>
    %div3A_21 = arith.divf %broadcast_in_dim3A, %div3A_20 : vector<1000x1xf32>
    %sub3A = vector.broadcast %div3A_21 : vector<1000x1xf32> to vector<1000x256xf32>
    %sub3A_22 = arith.subf %add3A_18, %sub3A : vector<1000x256xf32>
    %mul3A_23 = arith.mulf %sub3A_22, %sub3A_22 : vector<1000x256xf32>
    %reduce_sum3A_24 = arith.constant dense<0.000000e+00> : vector<1000xf32>
    %reduce_sum3A_25 = vector.multi_reduction <add>, %mul3A_23, %reduce_sum3A_24 [1] : vector<1000x256xf32> to vector<1000xf32>
    %broadcast_in_dim3A_26 = vector.shape_cast %reduce_sum3A_25 : vector<1000xf32> to vector<1000x1xf32>
    %div3A_27 = arith.constant 2.560000e+02 : f32
    %div3A_28 = vector.broadcast %div3A_27 : f32 to vector<1000x1xf32>
    %div3A_29 = arith.divf %broadcast_in_dim3A_26, %div3A_28 : vector<1000x1xf32>
    %add3A_30 = arith.constant 9.99999974E-6 : f32
    %add3A_31 = vector.broadcast %add3A_30 : f32 to vector<1000x1xf32>
    %add3A_32 = arith.addf %div3A_29, %add3A_31 : vector<1000x1xf32>
    %rsqrt3A = math.rsqrt %add3A_32 : vector<1000x1xf32>
    %mul3A_33 = vector.broadcast %rsqrt3A : vector<1000x1xf32> to vector<1000x256xf32>
    %mul3A_34 = arith.mulf %sub3A_22, %mul3A_33 : vector<1000x256xf32>
    %get3A_35 = arith.constant 0 : index
    %get3A_36 = arith.constant 0 : index
    %get3A_37 = vector.load %arg7[%get3A_35, %get3A_36] : memref<1x256xf32, #tpu.memory_space<vmem>>, vector<1x256xf32>
    %mul3A_38 = vector.broadcast %get3A_37 : vector<1x256xf32> to vector<1000x256xf32>
    %mul3A_39 = arith.mulf %mul3A_34, %mul3A_38 : vector<1000x256xf32>
    %get3A_40 = arith.constant 0 : index
    %get3A_41 = arith.constant 0 : index
    %get3A_42 = vector.load %arg8[%get3A_40, %get3A_41] : memref<1x256xf32, #tpu.memory_space<vmem>>, vector<1x256xf32>
    %add3A_43 = vector.broadcast %get3A_42 : vector<1x256xf32> to vector<1000x256xf32>
    %add3A_44 = arith.addf %mul3A_39, %add3A_43 : vector<1000x256xf32>
    %mul3A_45 = arith.constant 5.000000e-01 : f32
    %mul3A_46 = vector.broadcast %mul3A_45 : f32 to vector<1000x256xf32>
    %mul3A_47 = arith.mulf %mul3A_46, %add3A_44 : vector<1000x256xf32>
    %mul3A_48 = arith.constant 0.707106769 : f32
    %mul3A_49 = vector.broadcast %mul3A_48 : f32 to vector<1000x256xf32>
    %mul3A_50 = arith.mulf %add3A_44, %mul3A_49 : vector<1000x256xf32>
    %erf3A = math.erf %mul3A_50 : vector<1000x256xf32>
    %add3A_51 = arith.constant 1.000000e+00 : f32
    %add3A_52 = vector.broadcast %add3A_51 : f32 to vector<1000x256xf32>
    %add3A_53 = arith.addf %add3A_52, %erf3A : vector<1000x256xf32>
    %mul3A_54 = arith.mulf %mul3A_47, %add3A_53 : vector<1000x256xf32>
    %get3A_55 = arith.constant 0 : index
    %get3A_56 = arith.constant 0 : index
    %get3A_57 = vector.load %arg9[%get3A_55, %get3A_56] : memref<128x256xf32, #tpu.memory_space<vmem>>, vector<128x256xf32>
    %dot_general3A = arith.constant dense<0.000000e+00> : vector<1000x128xf32>
    %dot_general3A_58 = tpu.matmul %mul3A_54, %get3A_57, %dot_general3A {dimension_numbers = #tpu.dot_dimension_numbers<[1], [1], [0], [0], [0, 0, 1, 0], [], []>, transpose_lhs_hint = false} : vector<1000x256xf32>, vector<128x256xf32>, vector<1000x128xf32> -> vector<1000x128xf32>
    %mul3A_59 = vector.broadcast %get3A_1 : vector<1000x1xf32> to vector<1000x128xf32>
    %mul3A_60 = arith.mulf %dot_general3A_58, %mul3A_59 : vector<1000x128xf32>
    %slice3A = vector.extract_strided_slice %mul3A_60 {offsets = [0, 0], sizes = [1000, 64], strides = [1, 1]} : vector<1000x128xf32> to vector<1000x64xf32>
    %swap3A = arith.constant 0 : index
    %swap3A_61 = arith.constant 0 : index
    %swap3A_62 = vector.load %arg10[%swap3A, %swap3A_61] : memref<1000x64xf32, #tpu.memory_space<vmem>>, vector<1000x64xf32>
    tpu.vector_store %arg10[%swap3A, %swap3A_61], %slice3A {strides = array<i32>} : memref<1000x64xf32, #tpu.memory_space<vmem>>, vector<1000x64xf32>,
    %slice3A_63 = vector.extract_strided_slice %mul3A_60 {offsets = [0, 64], sizes = [1000, 64], strides = [1, 1]} : vector<1000x128xf32> to vector<1000x64xf32>
    %swap3A_64 = arith.constant 0 : index
    %swap3A_65 = arith.constant 0 : index
    %swap3A_66 = vector.load %arg11[%swap3A_64, %swap3A_65] : memref<1000x64xf32, #tpu.memory_space<vmem>>, vector<1000x64xf32>
    tpu.vector_store %arg11[%swap3A_64, %swap3A_65], %slice3A_63 {strides = array<i32>} : memref<1000x64xf32, #tpu.memory_space<vmem>>, vector<1000x64xf32>,
    return
  }
  func.func @transform_0(%arg0: i32) -> (i32, i32) {
    %c0_i32 = arith.constant 0 : i32
    %c0_i32_0 = arith.constant 0 : i32
    return %arg0, %c0_i32 : i32, i32
  }
  func.func @transform_1(%arg0: i32) -> (i32, i32) {
    %c0_i32 = arith.constant 0 : i32
    %c0_i32_0 = arith.constant 0 : i32
    return %arg0, %c0_i32 : i32, i32
  }
  func.func @transform_2(%arg0: i32) -> (i32, i32) {
    %c0_i32 = arith.constant 0 : i32
    %c0_i32_0 = arith.constant 0 : i32
    return %arg0, %c0_i32 : i32, i32
  }
  func.func @transform_3(%arg0: i32) -> (i32, i32) {
    %c0_i32 = arith.constant 0 : i32
    %c0_i32_0 = arith.constant 0 : i32
    return %arg0, %c0_i32 : i32, i32
  }
  func.func @transform_4(%arg0: i32) -> (i32, i32) {
    %c0_i32 = arith.constant 0 : i32
    %c0_i32_0 = arith.constant 0 : i32
    return %arg0, %c0_i32 : i32, i32
  }
  func.func @transform_5(%arg0: i32) -> (i32, i32) {
    %c0_i32 = arith.constant 0 : i32
    %c0_i32_0 = arith.constant 0 : i32
    %c0_i32_1 = arith.constant 0 : i32
    return %c0_i32, %c0_i32_0 : i32, i32
  }
  func.func @transform_6(%arg0: i32) -> (i32, i32) {
    %c0_i32 = arith.constant 0 : i32
    %c0_i32_0 = arith.constant 0 : i32
    %c0_i32_1 = arith.constant 0 : i32
    return %c0_i32, %c0_i32_0 : i32, i32
  }
  func.func @transform_7(%arg0: i32) -> (i32, i32) {
    %c0_i32 = arith.constant 0 : i32
    %c0_i32_0 = arith.constant 0 : i32
    %c0_i32_1 = arith.constant 0 : i32
    return %c0_i32, %c0_i32_0 : i32, i32
  }
  func.func @transform_8(%arg0: i32) -> (i32, i32) {
    %c0_i32 = arith.constant 0 : i32
    %c0_i32_0 = arith.constant 0 : i32
    %c0_i32_1 = arith.constant 0 : i32
    return %c0_i32, %c0_i32_0 : i32, i32
  }
  func.func @transform_9(%arg0: i32) -> (i32, i32) {
    %c0_i32 = arith.constant 0 : i32
    %c0_i32_0 = arith.constant 0 : i32
    return %arg0, %c0_i32 : i32, i32
  }
  func.func @transform_10(%arg0: i32) -> (i32, i32) {
    %c0_i32 = arith.constant 0 : i32
    %c0_i32_0 = arith.constant 0 : i32
    return %arg0, %c0_i32 : i32, i32
  }
}

module attributes {stable_mosaic.version = 14 : i64} {
  func.func @_tcc_body(%arg0: i32, %arg1: memref<1000x64xf32, #tpu.memory_space<vmem>>, %arg2: memref<1000x64xf32, #tpu.memory_space<vmem>>, %arg3: memref<1000x1xf32, #tpu.memory_space<vmem>>, %arg4: memref<1x128xf32, #tpu.memory_space<vmem>>, %arg5: memref<1x128xf32, #tpu.memory_space<vmem>>, %arg6: memref<1x128xf32, #tpu.memory_space<vmem>>, %arg7: memref<1000x128xf32, #tpu.memory_space<vmem>>) attributes {dimension_semantics = [#tpu.dimension_semantics<arbitrary>], iteration_bounds = array<i64: 10>, scalar_prefetch = 0 : i64, scratch_operands = 0 : i64, tpu.core_type = #tpu.core_type<tc>, window_params = [{transform_indices = @transform_0, window_bounds = array<i64: 1000, 64>}, {transform_indices = @transform_1, window_bounds = array<i64: 1000, 64>}, {transform_indices = @transform_2, window_bounds = array<i64: 1000, 1>}, {pipeline_mode = #tpu.pipeline_mode<synchronous>, transform_indices = @transform_3, window_bounds = array<i64: 1, 128>}, {pipeline_mode = #tpu.pipeline_mode<synchronous>, transform_indices = @transform_4, window_bounds = array<i64: 1, 128>}, {pipeline_mode = #tpu.pipeline_mode<synchronous>, transform_indices = @transform_5, window_bounds = array<i64: 1, 128>}, {transform_indices = @transform_6, window_bounds = array<i64: 1000, 128>}]} {
    %get3A = arith.constant 0 : index
    %get3A_0 = arith.constant 0 : index
    %get3A_1 = vector.load %arg3[%get3A, %get3A_0] : memref<1000x1xf32, #tpu.memory_space<vmem>>, vector<1000x1xf32>
    %get3A_2 = arith.constant 0 : index
    %get3A_3 = arith.constant 0 : index
    %get3A_4 = vector.load %arg1[%get3A_2, %get3A_3] : memref<1000x64xf32, #tpu.memory_space<vmem>>, vector<1000x64xf32>
    %get3A_5 = arith.constant 0 : index
    %get3A_6 = arith.constant 0 : index
    %get3A_7 = vector.load %arg2[%get3A_5, %get3A_6] : memref<1000x64xf32, #tpu.memory_space<vmem>>, vector<1000x64xf32>
    %concatenate3A = tpu.concatenate %get3A_4, %get3A_7 in 1 : vector<1000x64xf32>, vector<1000x64xf32> -> vector<1000x128xf32>
    %mul3A = vector.broadcast %get3A_1 : vector<1000x1xf32> to vector<1000x128xf32>
    %mul3A_8 = arith.mulf %concatenate3A, %mul3A : vector<1000x128xf32>
    %get3A_9 = arith.constant 0 : index
    %get3A_10 = arith.constant 0 : index
    %get3A_11 = vector.load %arg4[%get3A_9, %get3A_10] : memref<1x128xf32, #tpu.memory_space<vmem>>, vector<1x128xf32>
    %add3A = vector.broadcast %get3A_11 : vector<1x128xf32> to vector<1000x128xf32>
    %add3A_12 = arith.addf %mul3A_8, %add3A : vector<1000x128xf32>
    %reduce_sum3A = arith.constant dense<0.000000e+00> : vector<1000xf32>
    %reduce_sum3A_13 = vector.multi_reduction <add>, %add3A_12, %reduce_sum3A [1] : vector<1000x128xf32> to vector<1000xf32>
    %broadcast_in_dim3A = vector.shape_cast %reduce_sum3A_13 : vector<1000xf32> to vector<1000x1xf32>
    %div3A = arith.constant 1.280000e+02 : f32
    %div3A_14 = vector.broadcast %div3A : f32 to vector<1000x1xf32>
    %div3A_15 = arith.divf %broadcast_in_dim3A, %div3A_14 : vector<1000x1xf32>
    %sub3A = vector.broadcast %div3A_15 : vector<1000x1xf32> to vector<1000x128xf32>
    %sub3A_16 = arith.subf %add3A_12, %sub3A : vector<1000x128xf32>
    %mul3A_17 = arith.mulf %sub3A_16, %sub3A_16 : vector<1000x128xf32>
    %reduce_sum3A_18 = arith.constant dense<0.000000e+00> : vector<1000xf32>
    %reduce_sum3A_19 = vector.multi_reduction <add>, %mul3A_17, %reduce_sum3A_18 [1] : vector<1000x128xf32> to vector<1000xf32>
    %broadcast_in_dim3A_20 = vector.shape_cast %reduce_sum3A_19 : vector<1000xf32> to vector<1000x1xf32>
    %div3A_21 = arith.constant 1.280000e+02 : f32
    %div3A_22 = vector.broadcast %div3A_21 : f32 to vector<1000x1xf32>
    %div3A_23 = arith.divf %broadcast_in_dim3A_20, %div3A_22 : vector<1000x1xf32>
    %add3A_24 = arith.constant 9.99999974E-6 : f32
    %add3A_25 = vector.broadcast %add3A_24 : f32 to vector<1000x1xf32>
    %add3A_26 = arith.addf %div3A_23, %add3A_25 : vector<1000x1xf32>
    %rsqrt3A = math.rsqrt %add3A_26 : vector<1000x1xf32>
    %mul3A_27 = vector.broadcast %rsqrt3A : vector<1000x1xf32> to vector<1000x128xf32>
    %mul3A_28 = arith.mulf %sub3A_16, %mul3A_27 : vector<1000x128xf32>
    %get3A_29 = arith.constant 0 : index
    %get3A_30 = arith.constant 0 : index
    %get3A_31 = vector.load %arg5[%get3A_29, %get3A_30] : memref<1x128xf32, #tpu.memory_space<vmem>>, vector<1x128xf32>
    %mul3A_32 = vector.broadcast %get3A_31 : vector<1x128xf32> to vector<1000x128xf32>
    %mul3A_33 = arith.mulf %mul3A_28, %mul3A_32 : vector<1000x128xf32>
    %get3A_34 = arith.constant 0 : index
    %get3A_35 = arith.constant 0 : index
    %get3A_36 = vector.load %arg6[%get3A_34, %get3A_35] : memref<1x128xf32, #tpu.memory_space<vmem>>, vector<1x128xf32>
    %add3A_37 = vector.broadcast %get3A_36 : vector<1x128xf32> to vector<1000x128xf32>
    %add3A_38 = arith.addf %mul3A_33, %add3A_37 : vector<1000x128xf32>
    %swap3A = arith.constant 0 : index
    %swap3A_39 = arith.constant 0 : index
    %swap3A_40 = vector.load %arg7[%swap3A, %swap3A_39] : memref<1000x128xf32, #tpu.memory_space<vmem>>, vector<1000x128xf32>
    tpu.vector_store %arg7[%swap3A, %swap3A_39], %add3A_38 {strides = array<i32>} : memref<1000x128xf32, #tpu.memory_space<vmem>>, vector<1000x128xf32>,
    return
  }
  func.func @transform_0(%arg0: i32) -> (i32, i32) {
    %c0_i32 = arith.constant 0 : i32
    %c0_i32_0 = arith.constant 0 : i32
    return %arg0, %c0_i32 : i32, i32
  }
  func.func @transform_1(%arg0: i32) -> (i32, i32) {
    %c0_i32 = arith.constant 0 : i32
    %c0_i32_0 = arith.constant 0 : i32
    return %arg0, %c0_i32 : i32, i32
  }
  func.func @transform_2(%arg0: i32) -> (i32, i32) {
    %c0_i32 = arith.constant 0 : i32
    %c0_i32_0 = arith.constant 0 : i32
    return %arg0, %c0_i32 : i32, i32
  }
  func.func @transform_3(%arg0: i32) -> (i32, i32) {
    %c0_i32 = arith.constant 0 : i32
    %c0_i32_0 = arith.constant 0 : i32
    %c0_i32_1 = arith.constant 0 : i32
    return %c0_i32, %c0_i32_0 : i32, i32
  }
  func.func @transform_4(%arg0: i32) -> (i32, i32) {
    %c0_i32 = arith.constant 0 : i32
    %c0_i32_0 = arith.constant 0 : i32
    %c0_i32_1 = arith.constant 0 : i32
    return %c0_i32, %c0_i32_0 : i32, i32
  }
  func.func @transform_5(%arg0: i32) -> (i32, i32) {
    %c0_i32 = arith.constant 0 : i32
    %c0_i32_0 = arith.constant 0 : i32
    %c0_i32_1 = arith.constant 0 : i32
    return %c0_i32, %c0_i32_0 : i32, i32
  }
  func.func @transform_6(%arg0: i32) -> (i32, i32) {
    %c0_i32 = arith.constant 0 : i32
    %c0_i32_0 = arith.constant 0 : i32
    return %arg0, %c0_i32 : i32, i32
  }
}

</mosaic_0001>

<sc_bundles>
// kernel: kernel.10.cloned.1.call-start
scs
__scs_entry_jumppad:
0x0: {  	(pc) =	sbr.rel $0x88, $3  }
0x1: {  	(tag) =	ssettag $0x0;
	lr =	simm.s32 $0x1  }
0x2: {  	[smem:$0x3F97] =	sst lr;
	_ =	strace $0xD0000000  }
0x3: {  	_ = 	snop  }
0x4: {  	_ = 	snop  }
0x5: {  	_ = 	snop  }
0x6: {  	_ = 	snop  }
0x7: {  	_ = 	snop  }
__scs_overlays_trampoline_lowered:
0x8: {  	[smem:$0x3FA6] =	sst s0  }
0x9: {  	[smem:$0x3FA7] =	sst s1  }
0xa: {  	[smem:$0x3FA8] =	sst s2  }
0xb: {  	[smem:$0x3FA9] =	sst s3  }
0xc: {  	[smem:$0x3FAA] =	sst s4  }
0xd: {  	[smem:$0x3FAB] =	sst s5  }
0xe: {  	[smem:$0x3FAC] =	sst s6  }
0xf: {  	[smem:$0x3FAD] =	sst s7  }
0x10: {  	[smem:$0x3FAE] =	sst s8  }
0x11: {  	[smem:$0x3FAF] =	sst s9;
	s0 =	simm.s32 @!p0 $0x0  }
0x12: {  	s1 =	sld [smem:$0x3F95];
	s0 =	simm.s32 @p0 $0x1  }
0x13: {  	[smem:$0x3FB0] =	sst s0;
	s0 =	simm.s32 @!p1 $0x0  }
0x14: {  	s2 =	sld [smem:$0x3F94];
	s0 =	simm.s32 @p1 $0x1  }
0x15: {  	[smem:$0x3FB1] =	sst s0;
	s0 =	simm.s32 @!p2 $0x0  }
0x16: {  	s3 =	sld [smem:$0x3FDB];
	s0 =	simm.s32 @p2 $0x1  }
0x17: {  	s4 =	simm.s32 $0x1BF5;
	[smem:$0x3FB3] =	sst s0  }
0x18: {  	s0 =	sld [smem:$0x3F96];
	_ =	swait.ge [sflag:s4], $0x0  }
0x19: {  	s7 =	sld [smem:$0x3F97]  }
0x1a: {  	s8 =	sadd.s32 $0xFFFFE003, lr  }
0x1b: {  	s9 =	sadd.s32 $0xFFFFFEF7, lr;
	s5 =	simm.s32 $0xFFFFFFFF;
	p2 =	slt.u32 s8, $0xFFFFF086  }
0x1c: {  	p1 =	slt.u32 s9, $0xF7A;
	s5 =	simm.s32 @!p2 $0x0  }
0x1d: {  	s5 =	simm.s32 @p1 $0x1;
	p0 =	seq.s32 s7, s2  }
0x1e: {  	s7 =	smul.u32 @!p0 $0xF7A, s2;
	p2 =	seq.s32 @!p0 s5, $0x0  }
0x1f: {  	s9 =	smul.u32 $0xF7A, s1;
	s8 =	simm.s32 @!p0 $0x1BF5;
	p2 =	por !p2, p0  }
0x20: {  	[sflag:s8] =	ssyncset.s32 @!p0 $0xFFFFF086;
	s6 =	sadd.s32 @!p0 s3, s7;
	s7 =	simm.s32 @!p0 $0x108  }
0x21: {  	s3 =	sadd.s32 s3, s9;
	s6 =	sadd.s32 @!p0 $0x88, s6;
	s7 =	simm.s32 @p2 $0x1082  }
0x22: {  	[simem:s7], [sflag:s8] =	dma.local @!p0 [hbm:s6], $0xF7A  }
0x23: {  	s9 =	sor.u32 $0xD0000000, s2;
	s6 =	simm.s32 $0x108;
	_ =	swait.ge @!p0 [sflag:s8], $0x0  }
0x24: {  	s3 =	sadd.s32 $0x88, s3;
	s6 =	simm.s32 @!p1 $0x1082;
	[sflag:s4] =	ssyncset.s32 $0xFFFFF086  }
0x25: {  	[simem:s6], [sflag:s4] =	dma.local [hbm:s3], $0xF7A  }
0x26: {  	[smem:$0x3F97] =	sst s1;
	(tag) =	ssettag s2;
	_ =	strace s9  }
0x27: {  	s1 =	sld [smem:$0x3FA7]  }
0x28: {  	s2 =	sld [smem:$0x3FA8]  }
0x29: {  	s4 =	sld [smem:$0x3FAA]  }
0x2a: {  	p0 =	seq.s32 s5, $0x0;
	s5 =	sld [smem:$0x3FAB]  }
0x2b: {  	s6 =	sld [smem:$0x3FAC]  }
0x2c: {  	s7 =	sld [smem:$0x3FAD]  }
0x2d: {  	s3 =	simm.s32 $0x108;
	s8 =	sld [smem:$0x3FAE]  }
0x2e: {  	s3 =	simm.s32 @!p0 $0x1082;
	s9 =	sld [smem:$0x3FAF]  }
0x2f: {  	lr =	sadd.s32 s0, s3;
	s0 =	sld [smem:$0x3FA6]  }
0x30: {  	s3 =	sld [smem:$0x3FA9]  }
0x31: {  	[smem:$0x3FB2] =	sst s10  }
0x32: {  	s10 =	sld [smem:$0x3FB0];
	_ =	sdelay $0x3  }
0x33: {  	p0 =	seq.s32 s10, $0x1;
	s10 =	sld [smem:$0x3FB2];
	_ =	sdelay $0x3  }
0x34: {  	[smem:$0x3FB2] =	sst s10  }
0x35: {  	s10 =	sld [smem:$0x3FB1];
	_ =	sdelay $0x3  }
0x36: {  	p1 =	seq.s32 s10, $0x1;
	s10 =	sld [smem:$0x3FB2];
	_ =	sdelay $0x3  }
0x37: {  	[smem:$0x3FB2] =	sst s10  }
0x38: {  	s10 =	sld [smem:$0x3FB3]  }
0x39: {  	_ = 	snop;
	(pc) =	sbr.ind lr, $3  }
0x3a: {  	_ = 	snop  }
0x3b: {  	_ = 	snop  }
0x3c: {  	p2 =	seq.s32 s10, $0x1;
	s10 =	sld [smem:$0x3FB2]  }
0x3d: {  	_ =	shalt  }
0x3e: {  	_ =	shalt  }
0x3f: {  	_ =	shalt  }
0x40: {  	_ =	shalt  }
0x41: {  	_ =	shalt  }
0x42: {  	_ =	shalt  }
0x43: {  	_ =	shalt  }
0x44: {  	_ =	shalt  }
0x45: {  	_ =	shalt  }
0x46: {  	_ =	shalt  }
0x47: {  	_ =	shalt  }
0x48: {  	_ =	shalt  }
0x49: {  	_ =	shalt  }
0x4a: {  	_ =	shalt  }
0x4b: {  	_ =	shalt  }
0x4c: {  	_ =	shalt  }
0x4d: {  	_ =	shalt  }
0x4e: {  	_ =	shalt  }
0x4f: {  	_ =	shalt  }
0x50: {  	_ =	shalt  }
0x51: {  	_ =	shalt  }
0x52: {  	_ =	shalt  }
0x53: {  	_ =	shalt  }
0x54: {  	_ =	shalt  }
0x55: {  	_ =	shalt  }
0x56: {  	_ =	shalt  }
0x57: {  	_ =	shalt  }
0x58: {  	_ =	shalt  }
0x59: {  	_ =	shalt  }
0x5a: {  	_ =	shalt  }
0x5b: {  	_ =	shalt  }
0x5c: {  	_ =	shalt  }
0x5d: {  	_ =	shalt  }
0x5e: {  	_ =	shalt  }
0x5f: {  	_ =	shalt  }
0x60: {  	_ =	shalt  }
0x61: {  	_ =	shalt  }
0x62: {  	_ =	shalt  }
0x63: {  	_ =	shalt  }
0x64: {  	_ =	shalt  }
0x65: {  	_ =	shalt  }
0x66: {  	_ =	shalt  }
0x67: {  	_ =	shalt  }
0x68: {  	_ =	shalt  }
0x69: {  	_ =	shalt  }
0x6a: {  	_ =	shalt  }
0x6b: {  	_ =	shalt  }
0x6c: {  	_ =	shalt  }
0x6d: {  	_ =	shalt  }
0x6e: {  	_ =	shalt  }
0x6f: {  	_ =	shalt  }
0x70: {  	_ =	shalt  }
0x71: {  	_ =	shalt  }
0x72: {  	_ =	shalt  }
0x73: {  	_ =	shalt  }
0x74: {  	_ =	shalt  }
0x75: {  	_ =	shalt  }
0x76: {  	_ =	shalt  }
0x77: {  	_ =	shalt  }
0x78: {  	_ =	shalt  }
0x79: {  	_ =	shalt  }
0x7a: {  	_ =	shalt  }
0x7b: {  	_ =	shalt  }
0x7c: {  	_ =	shalt  }
0x7d: {  	_ =	shalt  }
0x7e: {  	_ =	shalt  }
0x7f: {  	_ =	shalt  }
0x80: {  	_ =	shalt  }
0x81: {  	_ =	shalt  }
0x82: {  	_ =	shalt  }
0x83: {  	_ =	shalt  }
0x84: {  	_ =	shalt  }
0x85: {  	_ =	shalt  }
0x86: {  	_ =	shalt  }
0x87: {  	_ =	shalt  }
.Lfunc_end0:
.L_simem_size_0:
called_computation_lowered:
.L_overlay_start_0:
0x88: {  	s2 =	sld [smem:$0x3FD9]  }
0x89: {  	s3 =	sld [smem:$0x3FFE];
	_ =	sdelay $0x1  }
0x8a: {  	s1 =	srdreg.scid  }
0x8b: {  	s0 =	sand.u32 $0x1, s1  }
0x8c: {  	s17 =	sshll.u32 s0, $0xA;
	s2 =	sadd.s32 s3, s2  }
0x8d: {  	s2 =	sadd.s32 s2, s17  }
0x8e: {  	[smem:$0x3FBE] =	sst s2  }
0x8f: {  	_ = 	snop  }
0x90: {  	s2 =	sld [smem:$0x3FD0];
	(tm) =	ssettm $0x1  }
0x91: {  	s18 =	sld [smem:$0x3FFB];
	_ =	sdelay $0x3  }
0x92: {  	_ =	strace s18  }
0x93: {  	s3 =	sld [smem:$0x3FFC];
	_ =	sdelay $0x3  }
0x94: {  	_ =	strace s3  }
0x95: {  	s3 =	sld [smem:$0x3FFD];
	_ =	sdelay $0x3  }
0x96: {  	_ =	strace s3  }
0x97: {  	_ =	strace $0x8FFFFFFF  }
0x98: {  	s19 =	sld [smem:$0x3FDB];
	_ =	sdelay $0x1  }
0x99: {  	s4 =	simm.s32 $_scs_section_size  }
0x9a: {  	s5 =	simm.s32 $_size__tile_overlayer_lowered;
	s6 =	simm.s32 $_tile_overlayer_lowered  }
0x9b: {  	s22 =	simm.s32 $0x1BFF;
	s21 =	sshll.u32 s6, $0x1;
	s3 =	sadd.s32 s4, s19  }
0x9c: {  	s7 =	simm.s32 $0x0;
	s20 =	sshll.u32 s5, $0x1;
	s5 =	sadd.s32 s21, s3  }
0x9d: {  	[timem:s7], [sflag:s22] =	dma.local [hbm:s5], s20  }
0x9e: {  	_ =	swait.ge [sflag:s22], s20  }
0x9f: {  	s4 =	ssub.s32 $0x0, s20;
	[sflag:s22] =	ssyncset.done $0x0  }
0xa0: {  	[sflag:s22] =	ssyncadd.s32 s4;
	_ =	sdelay $0x1  }
0xa1: {  	s23 =	simm.s32 $0x1B8B  }
0xa2: {  	_ =	swait.ge [sflag:s23], $0x1  }
0xa3: {  	[sflag:s23] =	ssyncset.done $0x0  }
0xa4: {  	s25 =	simm.s32 $0x1B8E;
	s24 =	sld [smem:$0x3FFE];
	[sflag:s23] =	ssyncadd.s32 $0xFFFFFFFF  }
0xa5: {  	s26 =	simm.s32 $execute0_lowered;
	[smem:$0x3FD2] =	sst s25  }
0xa6: {  	s5 =	sshll.u32 s26, $0x1;
	_ =	strace $0x80000046;
	[dreg:$0x1] =	wrdreg $0xFFFFFFFF  }
0xa7: {  	s28 =	simm.s32 $_size_execute0_lowered;
	s3 =	sadd.s32 s3, s5;
	[dreg:$0x0] =	wrdreg $0x0  }
0xa8: {  	s5 =	sshll.u32 s28, $0x1;
	[dreg:$0x2] =	wrdreg s3  }
0xa9: {  	[dreg:$0x3] =	wrdreg s5  }
0xaa: {  	[dreg:$0x4] =	wrdreg $0xC0  }
0xab: {  	_ =	task [dreg:s7], $0x5FFFF  }
0xac: {  	[dreg:$0x1] =	wrdreg $0xFFFFFFFF  }
0xad: {  	[dreg:$0x0] =	wrdreg $0x60  }
0xae: {  	[dreg:$0x2] =	wrdreg s24  }
0xaf: {  	[dreg:$0x3] =	wrdreg s2  }
0xb0: {  	[dreg:$0x4] =	wrdreg $0x9  }
0xb1: {  	_ =	task.clear_ibuf [dreg:s7], $0x5FFFF;
	_ =	strace $0x90000046  }
0xb2: {  	s29 =	simm.s32 $0x9;
	_ =	strace $0x80000048  }
0xb3: {  	_ =	swait.ge [sflag:s29], $0x1  }
0xb4: {  	[sflag:s29] =	ssyncadd.s32 $0xFFFFFFFF  }
0xb5: {  	_ =	strace $0x90000048  }
0xb6: {  	_ =	sfence  }
0xb7: {  	s30 =	sld [smem:$0x0];
	_ =	sdelay $0x2  }
0xb8: {  	s31 =	sshll.u32 s1, $0xD;
	s1 =	sshrl.u32 s1, $0x2  }
0xb9: {  	s3 =	sand.u32 $0x4000, s31;
	s1 =	sadd.s32 s1, s30  }
0xba: {  	s0 =	sor.u32 s3, s0;
	s1 =	sshll.u32 s1, $0x11  }
0xbb: {  	s0 =	sor.u32 s1, s0  }
0xbc: {  	s0 =	sadd.s32 $0x8F2B, s0  }
0xbd: {  	[sflag:s0] =	ssyncadd.remote.s32 $0x1  }
0xbe: {  	_ =	sfence.sel $0xFFFF  }
0xbf: {  	[dreg:$0x0] =	wrdreg $0xFFFFFFFF;
	(pc) =	sbr.abs _section_cstart, $3  }
0xc0: {  	[dreg:$0x1] =	wrdreg $0xFFFFFFFF  }
0xc1: {  	_ =	task.clear_ibuf [dreg:s7], $0x2FFFF;
	_ =	strace $0x9FFFFFFF  }
0xc2: {  	(tm) =	ssettm $0x7FFFFFFF  }
0xc3: {  	_ =	shalt  }
tec
execute0_lowered:
.L_overlay_start_1:
0x0: {  	(tag) =	ssettag $0x1  }
0x1: {  	s0 =	srdreg.scid;
	s3 =	rddreg [dreg:$0x0]  }
0x2: {  	s5 =	rddreg [dreg:$0x1];
	s4 =	sand.u32 $0x1, s0  }
0x3: {  	s1 =	stileid.u32;
	s8 =	simm.s32 $0x0;
	s2 =	sshll.u32 s4, $0x4  }
0x4: {  	s4 =	ssub.s32 $0x2, s4;
	s6 =	sor.u32 s1, s2;
	s2 =	simm.s32 $0x0  }
0x5: {  	s7 =	sshrl.u32 s4, $0x1;
	s6 =	smul.u32 $0x4E2, s6;
	[smem:$0x7FF] =	sst s2  }
0x6: {  	s0 =	rddreg [dreg:$0x2];
	s7 =	ssub.s32 s4, s7;
	_ =	strace $0x80000047  }
0x7: {  	s3 =	sadd.s32 s6, s3;
	s4 =	sadd.s32 s5, s6;
	s5 =	smax.u32 s7, $0x1  }
0x8: {  	v0 =	vimm.f32 $0.0e+00;
	v1 =	vimm.f32 $1.000000000e+00;
	s6 =	simm.s32 $0x1;
	s7 =	simm.s32 $0x2780;
	s3 =	sadd.s32 $0xD600, s3  }
.LBB2_1:
0x9: {  	s9 =	simm.s32 $0x27A0  }
0xa: {  	[tilespmem:s9+$0xFFFFFFE0] =	vst v0  }
0xb: {  	[tilespmem:s9+$0x10] =	vst v0  }
0xc: {  	s10 =	simm.s32 $0x0;
	[tilespmem:s9+$0x0] =	vst v0  }
.LBB2_2:
0xd: {  	s10 =	sadd.s32 $0x4, s10  }
0xe: {  	[tilespmem:s9+$0xFFFFFFF0] =	vst v0;
	s9 =	sadd.s32 $0x40, s9;
	p0 =	slt.u32 s10, $0x26C  }
.Ltmp0:
0xf: {  	[tilespmem:s9+$0xFFFFFFE0] =	vst v0;
	(pc) =	sbr.rel @p0 .LBB2_2-.Ltmp0, $3  }
0x10: {  	_ =	sdelay $0x1  }
0x11: {  	[tilespmem:s9+$0x10] =	vst v0  }
0x12: {  	[tilespmem:s9+$0x0] =	vst v0  }
0x13: {  	[tilespmem:s9+$0xFFFFFFF0] =	vst v0  }
0x14: {  	[tilespmem:$0x4E80] =	vst v0  }
0x15: {  	[tilespmem:s2], [sflag:$0x1] =	stream.linear.gather [hbm4b:s3+s2], $0x2710, $0x38;
	[tilespmem:$0x4F00] =	vst v63  }
0x16: {  	_ =	swait.ge [sflag:s6], $0x2710  }
0x17: {  	[sflag:s6] =	ssyncset.done $0x0  }
0x18: {  	s9 =	simm.s32 $0xFFFFFFFC;
	s10 =	simm.s32 $0x20;
	[sflag:s6] =	ssyncadd.s32 $0xFFFFD8F0  }
.LBB2_4:
0x19: {  	v2 =	vld [tilespmem:s10+$0xFFFFFFE0];
	_ =	sdelay $0x7  }
0x1a: {  	[tilespmem:v2+s7+$0x0] =	vst.idx.add.f32.msk $0xffff, v1  }
0x1b: {  	v2 =	vld [tilespmem:s10+$0xFFFFFFF0];
	_ =	sdelay $0x7  }
0x1c: {  	[tilespmem:v2+s7+$0x0] =	vst.idx.add.f32.msk $0xffff, v1  }
0x1d: {  	v2 =	vld [tilespmem:s10+$0x0];
	_ =	sdelay $0x7  }
0x1e: {  	[tilespmem:v2+s7+$0x0] =	vst.idx.add.f32.msk $0xffff, v1  }
0x1f: {  	v2 =	vld [tilespmem:s10+$0x10];
	_ =	sdelay $0x1  }
0x20: {  	s9 =	sadd.s32 $0x4, s9  }
0x21: {  	p0 =	slt.u32 s9, $0x26C  }
.Ltmp1:
0x22: {  	_ = 	snop;
	(pc) =	sbr.rel @p0 .LBB2_4-.Ltmp1, $2  }
0x23: {  	_ =	sdelay $0x2  }
0x24: {  	s10 =	sadd.s32 $0x40, s10;
	[tilespmem:v2+s7+$0x0] =	vst.idx.add.f32.msk $0xffff, v1  }
0x25: {  	v2 =	vld [tilespmem:$0x2700];
	_ =	sdelay $0x5  }
0x26: {  	s8 =	sadd.s32 $0x1, s8  }
0x27: {  	p0 =	sne.s32 s8, s5  }
.Ltmp2:
0x28: {  	[tilespmem:v2+s7+$0x0] =	vst.idx.add.f32.msk $0xffff, v1;
	(pc) =	sbr.rel @p0 .LBB2_1-.Ltmp2, $4  }
0x29: {  	[hbm4b:s4+s2] =	stream.linear.scatter [tilespmem:s7], [sflag:$0x1], $0x2710, $0x38;
	[tilespmem:$0x4F00] =	vst v63  }
0x2a: {  	_ =	swait.ge [sflag:s6], $0x2710  }
0x2b: {  	[sflag:s6] =	ssyncset.done $0x0  }
0x2c: {  	[sflag:s6] =	ssyncadd.s32 $0xFFFFD8F0  }
0x2d: {  	_ =	sfence.sel $0x180000  }
0x2e: {  	[bflag:$0x0] =	sbarrier.arrive $0xFFFF  }
0x2f: {  	p0 =	sne.s32 s1, $0x0;
	_ =	strace $0x90000047  }
0x30: {  	s0 =	sadd.s32 @!p0 $0x100000, s0;
	[bflag:$0x2] =	sbarrier.arrive $0xFFFF  }
0x31: {  	[sflag:s0] =	ssyncadd.tile.s32 @!p0 $0x1;
	_ =	shalt  }
.Lfunc_end2:
_tile_overlayer_lowered:
.L_overlay_start_2:
0x32: {  	(tag) =	ssettag $0x2  }
0x33: {  	s0 =	rddreg [dreg:$0x0];
	s2 =	stileid.u32  }
0x34: {  	s1 =	rddreg [dreg:$0x1];
	p0 =	sne.s32 s2, $0x0  }
0x35: {  	s3 =	rddreg [dreg:$0x2];
	[bflag:$0x3] =	sbarrier.arrive $0xFFFF;
	s2 =	simm.s32 @!p0 $0x1C02  }
0x36: {  	[timem:s3], [sflag:s2] =	dma.local @!p0 [hbm:s0], s1  }
0x37: {  	s0 =	simm.s32 @!p0 $0x2  }
0x38: {  	_ =	swait.ge @!p0 [sflag:s0], s1  }
0x39: {  	s1 =	ssub.s32 @!p0 $0x0, s1;
	[sflag:s0] =	ssyncset.done @!p0 $0x0  }
0x3a: {  	[sflag:s0] =	ssyncadd.s32 @!p0 s1  }
0x3b: {  	[bflag:$0x3] =	sbarrier.arrive $0xFFFF  }
0x3c: {  	_ =	shalt  }

// kernel: kernel.13.cloned.1.call-start
scs
__scs_entry_jumppad:
0x0: {  	(pc) =	sbr.rel $0x88, $3  }
0x1: {  	(tag) =	ssettag $0x0;
	lr =	simm.s32 $0x1  }
0x2: {  	[smem:$0x3F97] =	sst lr;
	_ =	strace $0xD0000000  }
0x3: {  	_ = 	snop  }
0x4: {  	_ = 	snop  }
0x5: {  	_ = 	snop  }
0x6: {  	_ = 	snop  }
0x7: {  	_ = 	snop  }
__scs_overlays_trampoline_lowered:
0x8: {  	[smem:$0x3FA6] =	sst s0  }
0x9: {  	[smem:$0x3FA7] =	sst s1  }
0xa: {  	[smem:$0x3FA8] =	sst s2  }
0xb: {  	[smem:$0x3FA9] =	sst s3  }
0xc: {  	[smem:$0x3FAA] =	sst s4  }
0xd: {  	[smem:$0x3FAB] =	sst s5  }
0xe: {  	[smem:$0x3FAC] =	sst s6  }
0xf: {  	[smem:$0x3FAD] =	sst s7  }
0x10: {  	[smem:$0x3FAE] =	sst s8  }
0x11: {  	[smem:$0x3FAF] =	sst s9;
	s0 =	simm.s32 @!p0 $0x0  }
0x12: {  	s1 =	sld [smem:$0x3F95];
	s0 =	simm.s32 @p0 $0x1  }
0x13: {  	[smem:$0x3FB0] =	sst s0;
	s0 =	simm.s32 @!p1 $0x0  }
0x14: {  	s2 =	sld [smem:$0x3F94];
	s0 =	simm.s32 @p1 $0x1  }
0x15: {  	[smem:$0x3FB1] =	sst s0;
	s0 =	simm.s32 @!p2 $0x0  }
0x16: {  	s3 =	sld [smem:$0x3FDB];
	s0 =	simm.s32 @p2 $0x1  }
0x17: {  	s4 =	simm.s32 $0x1BF5;
	[smem:$0x3FB3] =	sst s0  }
0x18: {  	s0 =	sld [smem:$0x3F96];
	_ =	swait.ge [sflag:s4], $0x0  }
0x19: {  	s7 =	sld [smem:$0x3F97]  }
0x1a: {  	s8 =	sadd.s32 $0xFFFFE003, lr  }
0x1b: {  	s9 =	sadd.s32 $0xFFFFFEF7, lr;
	s5 =	simm.s32 $0xFFFFFFFF;
	p2 =	slt.u32 s8, $0xFFFFF086  }
0x1c: {  	p1 =	slt.u32 s9, $0xF7A;
	s5 =	simm.s32 @!p2 $0x0  }
0x1d: {  	s5 =	simm.s32 @p1 $0x1;
	p0 =	seq.s32 s7, s2  }
0x1e: {  	s7 =	smul.u32 @!p0 $0xF7A, s2;
	p2 =	seq.s32 @!p0 s5, $0x0  }
0x1f: {  	s9 =	smul.u32 $0xF7A, s1;
	s8 =	simm.s32 @!p0 $0x1BF5;
	p2 =	por !p2, p0  }
0x20: {  	[sflag:s8] =	ssyncset.s32 @!p0 $0xFFFFF086;
	s6 =	sadd.s32 @!p0 s3, s7;
	s7 =	simm.s32 @!p0 $0x108  }
0x21: {  	s3 =	sadd.s32 s3, s9;
	s6 =	sadd.s32 @!p0 $0x88, s6;
	s7 =	simm.s32 @p2 $0x1082  }
0x22: {  	[simem:s7], [sflag:s8] =	dma.local @!p0 [hbm:s6], $0xF7A  }
0x23: {  	s9 =	sor.u32 $0xD0000000, s2;
	s6 =	simm.s32 $0x108;
	_ =	swait.ge @!p0 [sflag:s8], $0x0  }
0x24: {  	s3 =	sadd.s32 $0x88, s3;
	s6 =	simm.s32 @!p1 $0x1082;
	[sflag:s4] =	ssyncset.s32 $0xFFFFF086  }
0x25: {  	[simem:s6], [sflag:s4] =	dma.local [hbm:s3], $0xF7A  }
0x26: {  	[smem:$0x3F97] =	sst s1;
	(tag) =	ssettag s2;
	_ =	strace s9  }
0x27: {  	s1 =	sld [smem:$0x3FA7]  }
0x28: {  	s2 =	sld [smem:$0x3FA8]  }
0x29: {  	s4 =	sld [smem:$0x3FAA]  }
0x2a: {  	p0 =	seq.s32 s5, $0x0;
	s5 =	sld [smem:$0x3FAB]  }
0x2b: {  	s6 =	sld [smem:$0x3FAC]  }
0x2c: {  	s7 =	sld [smem:$0x3FAD]  }
0x2d: {  	s3 =	simm.s32 $0x108;
	s8 =	sld [smem:$0x3FAE]  }
0x2e: {  	s3 =	simm.s32 @!p0 $0x1082;
	s9 =	sld [smem:$0x3FAF]  }
0x2f: {  	lr =	sadd.s32 s0, s3;
	s0 =	sld [smem:$0x3FA6]  }
0x30: {  	s3 =	sld [smem:$0x3FA9]  }
0x31: {  	[smem:$0x3FB2] =	sst s10  }
0x32: {  	s10 =	sld [smem:$0x3FB0];
	_ =	sdelay $0x3  }
0x33: {  	p0 =	seq.s32 s10, $0x1;
	s10 =	sld [smem:$0x3FB2];
	_ =	sdelay $0x3  }
0x34: {  	[smem:$0x3FB2] =	sst s10  }
0x35: {  	s10 =	sld [smem:$0x3FB1];
	_ =	sdelay $0x3  }
0x36: {  	p1 =	seq.s32 s10, $0x1;
	s10 =	sld [smem:$0x3FB2];
	_ =	sdelay $0x3  }
0x37: {  	[smem:$0x3FB2] =	sst s10  }
0x38: {  	s10 =	sld [smem:$0x3FB3]  }
0x39: {  	_ = 	snop;
	(pc) =	sbr.ind lr, $3  }
0x3a: {  	_ = 	snop  }
0x3b: {  	_ = 	snop  }
0x3c: {  	p2 =	seq.s32 s10, $0x1;
	s10 =	sld [smem:$0x3FB2]  }
0x3d: {  	_ =	shalt  }
0x3e: {  	_ =	shalt  }
0x3f: {  	_ =	shalt  }
0x40: {  	_ =	shalt  }
0x41: {  	_ =	shalt  }
0x42: {  	_ =	shalt  }
0x43: {  	_ =	shalt  }
0x44: {  	_ =	shalt  }
0x45: {  	_ =	shalt  }
0x46: {  	_ =	shalt  }
0x47: {  	_ =	shalt  }
0x48: {  	_ =	shalt  }
0x49: {  	_ =	shalt  }
0x4a: {  	_ =	shalt  }
0x4b: {  	_ =	shalt  }
0x4c: {  	_ =	shalt  }
0x4d: {  	_ =	shalt  }
0x4e: {  	_ =	shalt  }
0x4f: {  	_ =	shalt  }
0x50: {  	_ =	shalt  }
0x51: {  	_ =	shalt  }
0x52: {  	_ =	shalt  }
0x53: {  	_ =	shalt  }
0x54: {  	_ =	shalt  }
0x55: {  	_ =	shalt  }
0x56: {  	_ =	shalt  }
0x57: {  	_ =	shalt  }
0x58: {  	_ =	shalt  }
0x59: {  	_ =	shalt  }
0x5a: {  	_ =	shalt  }
0x5b: {  	_ =	shalt  }
0x5c: {  	_ =	shalt  }
0x5d: {  	_ =	shalt  }
0x5e: {  	_ =	shalt  }
0x5f: {  	_ =	shalt  }
0x60: {  	_ =	shalt  }
0x61: {  	_ =	shalt  }
0x62: {  	_ =	shalt  }
0x63: {  	_ =	shalt  }
0x64: {  	_ =	shalt  }
0x65: {  	_ =	shalt  }
0x66: {  	_ =	shalt  }
0x67: {  	_ =	shalt  }
0x68: {  	_ =	shalt  }
0x69: {  	_ =	shalt  }
0x6a: {  	_ =	shalt  }
0x6b: {  	_ =	shalt  }
0x6c: {  	_ =	shalt  }
0x6d: {  	_ =	shalt  }
0x6e: {  	_ =	shalt  }
0x6f: {  	_ =	shalt  }
0x70: {  	_ =	shalt  }
0x71: {  	_ =	shalt  }
0x72: {  	_ =	shalt  }
0x73: {  	_ =	shalt  }
0x74: {  	_ =	shalt  }
0x75: {  	_ =	shalt  }
0x76: {  	_ =	shalt  }
0x77: {  	_ =	shalt  }
0x78: {  	_ =	shalt  }
0x79: {  	_ =	shalt  }
0x7a: {  	_ =	shalt  }
0x7b: {  	_ =	shalt  }
0x7c: {  	_ =	shalt  }
0x7d: {  	_ =	shalt  }
0x7e: {  	_ =	shalt  }
0x7f: {  	_ =	shalt  }
0x80: {  	_ =	shalt  }
0x81: {  	_ =	shalt  }
0x82: {  	_ =	shalt  }
0x83: {  	_ =	shalt  }
0x84: {  	_ =	shalt  }
0x85: {  	_ =	shalt  }
0x86: {  	_ =	shalt  }
0x87: {  	_ =	shalt  }
.Lfunc_end0:
.L_simem_size_0:
called_computation.1_lowered:
.L_overlay_start_0:
0x88: {  	s2 =	sld [smem:$0x3FD9]  }
0x89: {  	s3 =	sld [smem:$0x3FFE];
	_ =	sdelay $0x1  }
0x8a: {  	s1 =	srdreg.scid  }
0x8b: {  	s0 =	sand.u32 $0x1, s1  }
0x8c: {  	s17 =	sshll.u32 s0, $0xA;
	s2 =	sadd.s32 s3, s2  }
0x8d: {  	s2 =	sadd.s32 s2, s17  }
0x8e: {  	[smem:$0x3FBE] =	sst s2  }
0x8f: {  	_ = 	snop  }
0x90: {  	(tm) =	ssettm $0x1  }
0x91: {  	s18 =	sld [smem:$0x3FFB];
	_ =	sdelay $0x3  }
0x92: {  	_ =	strace s18  }
0x93: {  	s2 =	sld [smem:$0x3FFC];
	_ =	sdelay $0x3  }
0x94: {  	_ =	strace s2  }
0x95: {  	s2 =	sld [smem:$0x3FFD];
	_ =	sdelay $0x3  }
0x96: {  	_ =	strace s2  }
0x97: {  	_ =	strace $0x8FFFFFFF  }
0x98: {  	s19 =	sld [smem:$0x3FDB];
	_ =	sdelay $0x1  }
0x99: {  	s20 =	simm.s32 $_scs_section_size  }
0x9a: {  	s4 =	simm.s32 $_size__tile_overlayer_lowered;
	s5 =	simm.s32 $_tile_overlayer_lowered  }
0x9b: {  	s6 =	simm.s32 $0x1BFF;
	s21 =	sshll.u32 s5, $0x1;
	s3 =	sadd.s32 s20, s19  }
0x9c: {  	s22 =	simm.s32 $0x0;
	s4 =	sshll.u32 s4, $0x1;
	s5 =	sadd.s32 s21, s3  }
0x9d: {  	[timem:s22], [sflag:s6] =	dma.local [hbm:s5], s4  }
0x9e: {  	_ =	swait.ge [sflag:s6], s4  }
0x9f: {  	s4 =	ssub.s32 $0x0, s4;
	[sflag:s6] =	ssyncset.done $0x0  }
0xa0: {  	[sflag:s6] =	ssyncadd.s32 s4;
	_ =	sdelay $0x1  }
0xa1: {  	s23 =	simm.s32 $0x1B8B  }
0xa2: {  	_ =	swait.ge [sflag:s23], $0x1  }
0xa3: {  	[sflag:s23] =	ssyncset.done $0x0  }
0xa4: {  	[sflag:s23] =	ssyncadd.s32 $0xFFFFFFFF  }
0xa5: {  	s4 =	sld [smem:$0x0]  }
0xa6: {  	s5 =	sand.u32 $0xFFFFFFFE, s1  }
0xa7: {  	p0 =	sne.s32 s1, s5  }
0xa8: {  	s5 =	sshll.u32 @p0 s5, $0xE  }
0xa9: {  	s5 =	sadd.s32 @p0 $0x11B8D, s5;
	s6 =	sshll.u32 @p0 s4, $0x11  }
0xaa: {  	s5 =	sor.u32 @p0 s6, s5  }
0xab: {  	[sflag:s5] =	ssyncadd.remote.s32 @p0 $0x1;
	_ =	sdelay $0x1  }
0xac: {  	s5 =	simm.s32 @p0 $0x1B8D  }
0xad: {  	_ =	swait.eq @p0 [sflag:s5], $0x1  }
0xae: {  	[sflag:s5] =	ssyncadd.s32 @p0 $0xFFFFFFFF  }
0xaf: {  	s6 =	sshll.u32 @!p0 s1, $0xE  }
0xb0: {  	s6 =	sor.u32 @!p0 $0x4000, s6;
	s5 =	simm.s32 @!p0 $0x1B8D  }
0xb1: {  	s4 =	sshll.u32 @!p0 s4, $0x11;
	s6 =	sadd.s32 @!p0 $0x11B8D, s6;
	_ =	swait.eq @!p0 [sflag:s5], $0x1  }
0xb2: {  	s4 =	sor.u32 @!p0 s4, s6;
	[sflag:s5] =	ssyncadd.s32 @!p0 $0xFFFFFFFF  }
0xb3: {  	s25 =	simm.s32 $0x1B8E;
	s24 =	sld [smem:$0x3FFE];
	[sflag:s4] =	ssyncadd.remote.s32 @!p0 $0x1  }
0xb4: {  	s26 =	simm.s32 $execute0_lowered;
	[smem:$0x3FD2] =	sst s25  }
0xb5: {  	s5 =	sshll.u32 s26, $0x1;
	_ =	strace $0x8000004C;
	[dreg:$0x1] =	wrdreg $0xFFFFFFFF  }
0xb6: {  	s28 =	simm.s32 $_size_execute0_lowered;
	s3 =	sadd.s32 s3, s5;
	[dreg:$0x0] =	wrdreg $0x0  }
0xb7: {  	s5 =	sshll.u32 s28, $0x1;
	[dreg:$0x2] =	wrdreg s3  }
0xb8: {  	[dreg:$0x3] =	wrdreg s5  }
0xb9: {  	[dreg:$0x4] =	wrdreg $0xC0  }
0xba: {  	_ =	task [dreg:s22], $0x5FFFF  }
0xbb: {  	[dreg:$0x1] =	wrdreg $0xFFFFFFFF  }
0xbc: {  	[dreg:$0x0] =	wrdreg $0x60  }
0xbd: {  	[dreg:$0x2] =	wrdreg s24  }
0xbe: {  	[dreg:$0x3] =	wrdreg $0xC4400  }
0xbf: {  	[dreg:$0x4] =	wrdreg $0x9  }
0xc0: {  	_ =	task.clear_ibuf [dreg:s22], $0x5FFFF;
	_ =	strace $0x9000004C  }
0xc1: {  	s29 =	simm.s32 $0x9;
	_ =	strace $0x8000004E  }
0xc2: {  	_ =	swait.ge [sflag:s29], $0x1  }
0xc3: {  	[sflag:s29] =	ssyncadd.s32 $0xFFFFFFFF  }
0xc4: {  	_ =	strace $0x9000004E  }
0xc5: {  	_ =	sfence  }
0xc6: {  	s30 =	sld [smem:$0x0];
	_ =	sdelay $0x2  }
0xc7: {  	s31 =	sshll.u32 s1, $0xD;
	s1 =	sshrl.u32 s1, $0x2  }
0xc8: {  	s4 =	sand.u32 $0x4000, s31;
	s1 =	sadd.s32 s1, s30  }
0xc9: {  	s0 =	sor.u32 s4, s0;
	s1 =	sshll.u32 s1, $0x11  }
0xca: {  	s0 =	sor.u32 s1, s0  }
0xcb: {  	s0 =	sadd.s32 $0x8F2B, s0  }
0xcc: {  	[sflag:s0] =	ssyncadd.remote.s32 $0x1  }
0xcd: {  	_ =	sfence.sel $0xFFFF  }
0xce: {  	[dreg:$0x0] =	wrdreg $0xFFFFFFFF;
	(pc) =	sbr.abs _section_cstart, $3  }
0xcf: {  	[dreg:$0x1] =	wrdreg $0xFFFFFFFF  }
0xd0: {  	_ =	task.clear_ibuf [dreg:s22], $0x2FFFF;
	_ =	strace $0x9FFFFFFF  }
0xd1: {  	(tm) =	ssettm $0x7FFFFFFF  }
tec
execute0_lowered:
.L_overlay_start_1:
0x0: {  	(tag) =	ssettag $0x1  }
0x1: {  	s0 =	rddreg [dreg:$0x0]  }
0x2: {  	s1 =	rddreg [dreg:$0x1]  }
0x3: {  	s2 =	simm.s32 $0x0;
	s9 =	stileid.u32;
	s3 =	srdreg.scid  }
0x4: {  	s17 =	simm.s32 $0x1;
	s22 =	simm.s32 $0x3;
	s28 =	simm.s32 $0x2  }
0x5: {  	s29 =	simm.s32 $0x4DD0;
	s30 =	simm.s32 $0x9BA0;
	s31 =	simm.s32 $0x9BF0  }
0x6: {  	[smem:$0x7FF] =	sst s2;
	s5 =	smul.u32 $0x9C4, s9;
	s10 =	sand.u32 $0x1, s3  }
0x7: {  	s3 =	sadd.s32 $0x65C00, s0;
	s4 =	sadd.s32 $0x79600, s0;
	s12 =	smul.u32 $0x9C00, s9  }
0x8: {  	s6 =	sadd.s32 $0x8D000, s0;
	s24 =	sadd.s32 $0x79400, s0;
	s14 =	sadd.s32 $0x8CE00, s0  }
0x9: {  	s18 =	sshll.u32 s9, $0x6;
	p1 =	sne.s32 s9, $0x0;
	p2 =	seq.s32 s9, $0x0  }
0xa: {  	_ =	strace $0x8000004D;
	s7 =	ssub.s32 $0x2, s10;
	p0 =	seq.s32 s10, $0x1  }
0xb: {  	[dreg:$0x5] =	wrdreg s24;
	s10 =	sor.u32 $0x1C03, s18;
	s24 =	simm.s32 $0x50  }
0xc: {  	s8 =	sadd.s32 s5, s0;
	s11 =	sshrl.u32 s7, $0x1;
	s5 =	sadd.s32 $0xA0A00, s0  }
0xd: {  	s15 =	sshrl.u32 s12, $0x3;
	s19 =	sadd.s32 s12, s1;
	s0 =	simm.s32 $0x0  }
0xe: {  	s16 =	ssub.s32 s7, s11;
	s7 =	sadd.s32 $0x3800, s8;
	s23 =	sadd.s32 s3, s15  }
.Ltmp0:
0xf: {  	s25 =	sadd.s32 s5, s15;
	[dreg:$0x3] =	wrdreg s23;
	(pc) =	sbr.rel .LBB2_1-.Ltmp0, $4  }
0x10: {  	s8 =	sadd.s32 $0xD600, s8;
	s26 =	sadd.s32 s4, s15;
	[dreg:$0x6] =	wrdreg s25  }
0x11: {  	s11 =	sadd.s32 $0x9C000, s1;
	s15 =	sadd.s32 s6, s15;
	[dreg:$0x7] =	wrdreg s26  }
0x12: {  	s21 =	sshrl.u32 s19, $0x3;
	s16 =	smax.u32 s16, $0x1;
	[dreg:$0x4] =	wrdreg s11  }
0x13: {  	s23 =	sshrl.u32 @!p1 s11, $0x3;
	s25 =	simm.s32 $0x9C40;
	s26 =	simm.s32 $0xB040  }
.LBB2_8:
0x14: {  	s11 =	rddreg [dreg:$0x4]  }
0x15: {  	s9 =	sadd.s32 $0x13800, s9;
	s11 =	sshrl.u32 s11, $0x3  }
0x16: {  	[hbm:s9], [sflag:s20] =	dma.local [spmem:s11], $0x80  }
0x17: {  	_ =	swait.ge [sflag:s22], $0x80  }
0x18: {  	[sflag:s22] =	ssyncset.done $0x0  }
0x19: {  	[sflag:s22] =	ssyncadd.s32 $0xFFFFFF80  }
.LBB2_9:
0x1a: {  	s0 =	sadd.s32 $0x1, s0  }
0x1b: {  	p3 =	sne.s32 s0, s16  }
.Ltmp1:
0x1c: {  	_ = 	snop;
	(pc) =	sbr.rel @!p3 .LBB2_10-.Ltmp1, $1  }
0x1d: {  	_ =	sdelay $0x3  }
.LBB2_1:
0x1e: {  	[tilespmem:s2], [sflag:$0x1] =	stream.linear.gather [hbm4b:s7+s2], $0x4E20, $0x38;
	[tilespmem:$0x16080] =	vst v63  }
0x1f: {  	_ =	swait.ge [sflag:s17], $0x4E20  }
0x20: {  	[sflag:s17] =	ssyncset.done $0x0  }
.Ltmp2:
0x21: {  	s9 =	simm.s32 $0x4E20;
	[sflag:s17] =	ssyncadd.s32 $0xFFFFB1E0;
	(pc) =	sbr.rel @!p0 .LBB2_2-.Ltmp2, $4  }
0x22: {  	[tilespmem:s9], [sflag:$0x1] =	stream.linear.gather [hbm4b:s8+s2], $0x4E20, $0x38;
	[tilespmem:$0x16080] =	vst v63  }
0x23: {  	_ =	swait.ge [sflag:s17], $0x4E20  }
0x24: {  	[sflag:s17] =	ssyncset.done $0x0  }
0x25: {  	[sflag:s17] =	ssyncadd.s32 $0xFFFFB1E0  }
0x26: {  	s9 =	rddreg [dreg:$0x7]  }
0x27: {  	[spmem:s21], [sflag:s10] =	dma.local [hbm:s9], $0x1380  }
0x28: {  	_ =	swait.ge [sflag:s22], $0x1380  }
0x29: {  	[sflag:s22] =	ssyncset.done $0x0  }
0x2a: {  	s9 =	simm.s32 @!p1 $0x3;
	[sflag:s22] =	ssyncadd.s32 $0xFFFFEC80  }
0x2b: {  	[spmem:s23], [sflag:s10] =	dma.local @!p1 [hbm:s14], $0x80  }
0x2c: {  	_ =	swait.ge @!p1 [sflag:s9], $0x80  }
0x2d: {  	[sflag:s9] =	ssyncset.done @!p1 $0x0  }
0x2e: {  	[sflag:s9] =	ssyncadd.s32 @!p1 $0xFFFFFF80  }
0x2f: {  	s11 =	simm.s32 $0x0;
	[bflag:$0x0] =	sbarrier.arrive $0xFFFF  }
0x30: {  	[tilespmem:s25], [sflag:$0x1] =	stream.indirect.gather [hbm4b:s4+s24], $0x40, s11, s24, $0xb8;
	[tilespmem:$0x16080] =	vst v63  }
0x31: {  	s12 =	simm.s32 $0x50  }
0x32: {  	[tilespmem:s26], [sflag:$0x2] =	stream.indirect.gather [hbm4b:s4+s24], $0x40, s12, s24, $0xb8;
	[tilespmem:$0x16080] =	vst v63  }
0x33: {  	_ =	swait.ge [sflag:s17], $0x1400  }
0x34: {  	[sflag:s17] =	ssyncset.done $0x0  }
0x35: {  	s13 =	simm.s32 $0x4E20;
	[sflag:s17] =	ssyncadd.s32 $0xFFFFEC00  }
0x36: {  	[spmem:s1] =	stream.indirect.scatter.add.f32 [tilespmem:s25], [sflag:$0x3], $0x40, s13, s24, $0xb8;
	[tilespmem:$0x16080] =	vst v63  }
0x37: {  	_ =	swait.ge [sflag:s22], $0x1400  }
0x38: {  	[sflag:s22] =	ssyncset.done $0x0  }
0x39: {  	s19 =	simm.s32 $0xA0;
	[sflag:s22] =	ssyncadd.s32 $0xFFFFEC00  }
0x3a: {  	[tilespmem:s25], [sflag:$0x1] =	stream.indirect.gather [hbm4b:s4+s24], $0x40, s19, s24, $0xb8;
	[tilespmem:$0x16080] =	vst v63  }
0x3b: {  	_ =	swait.ge [sflag:s28], $0x1400  }
0x3c: {  	[sflag:s28] =	ssyncset.done $0x0  }
0x3d: {  	s20 =	simm.s32 $0x4E70;
	[sflag:s28] =	ssyncadd.s32 $0xFFFFEC00  }
0x3e: {  	[spmem:s1] =	stream.indirect.scatter.add.f32 [tilespmem:s26], [sflag:$0x3], $0x40, s20, s24, $0xb8;
	[tilespmem:$0x16080] =	vst v63  }
0x3f: {  	_ =	swait.ge [sflag:s22], $0x1400  }
0x40: {  	s9 =	simm.s32 $0xA0;
	s19 =	simm.s32 $0x500;
	[sflag:s22] =	ssyncset.done $0x0  }
.LBB2_6:
0x41: {  	s11 =	sadd.s32 $0x50, s9  }
0x42: {  	[sflag:s22] =	ssyncadd.s32 $0xFFFFEC00;
	s12 =	smov.u32 s19;
	s13 =	sadd.s32 $0x280, s19  }
0x43: {  	[tilespmem:s26], [sflag:$0x2] =	stream.indirect.gather [hbm4b:s4+s24], $0x40, s11, s24, $0xb8;
	[tilespmem:$0x16080] =	vst v63  }
0x44: {  	p3 =	sne.s32 s19, $0x13380;
	_ =	swait.ge [sflag:s17], $0x1400  }
0x45: {  	[sflag:s17] =	ssyncset.done $0x0  }
0x46: {  	s11 =	sadd.s32 $0x4E20, s9;
	[sflag:s17] =	ssyncadd.s32 $0xFFFFEC00  }
0x47: {  	[spmem:s1] =	stream.indirect.scatter.add.f32 [tilespmem:s25], [sflag:$0x3], $0x40, s11, s24, $0xb8;
	[tilespmem:$0x16080] =	vst v63  }
0x48: {  	_ =	swait.ge [sflag:s22], $0x1400  }
0x49: {  	[sflag:s22] =	ssyncset.done $0x0  }
0x4a: {  	s11 =	sadd.s32 $0xA0, s9;
	[sflag:s22] =	ssyncadd.s32 $0xFFFFEC00  }
0x4b: {  	[tilespmem:s25], [sflag:$0x1] =	stream.indirect.gather [hbm4b:s4+s24], $0x40, s11, s24, $0xb8;
	[tilespmem:$0x16080] =	vst v63  }
0x4c: {  	_ =	swait.ge [sflag:s28], $0x1400  }
.Ltmp3:
0x4d: {  	[sflag:s28] =	ssyncset.done $0x0;
	(pc) =	sbr.rel @p3 .LBB2_6-.Ltmp3, $4  }
0x4e: {  	s9 =	sadd.s32 $0x4E70, s9;
	[sflag:s28] =	ssyncadd.s32 $0xFFFFEC00  }
0x4f: {  	[spmem:s1] =	stream.indirect.scatter.add.f32 [tilespmem:s26], [sflag:$0x3], $0x40, s9, s24, $0xb8;
	[tilespmem:$0x16080] =	vst v63  }
0x50: {  	_ =	swait.ge [sflag:s22], $0x1400  }
0x51: {  	s19 =	smov.u32 s13;
	s9 =	sshra.s32 s12, $0x2;
	[sflag:s22] =	ssyncset.done $0x0  }
0x52: {  	s11 =	sadd.s32 $0x50, s9;
	[sflag:s22] =	ssyncadd.s32 $0xFFFFEC00  }
0x53: {  	[tilespmem:s26], [sflag:$0x2] =	stream.indirect.gather [hbm4b:s4+s24], $0x40, s11, s24, $0xb8;
	[tilespmem:$0x16080] =	vst v63  }
0x54: {  	_ =	swait.ge [sflag:s17], $0x1400  }
0x55: {  	[sflag:s17] =	ssyncset.done $0x0  }
0x56: {  	s13 =	sadd.s32 $0x4E20, s9;
	[sflag:s17] =	ssyncadd.s32 $0xFFFFEC00  }
0x57: {  	[spmem:s1] =	stream.indirect.scatter.add.f32 [tilespmem:s25], [sflag:$0x3], $0x40, s13, s24, $0xb8;
	[tilespmem:$0x16080] =	vst v63  }
0x58: {  	_ =	swait.ge [sflag:s22], $0x1400  }
0x59: {  	[sflag:s22] =	ssyncset.done $0x0  }
0x5a: {  	s19 =	sadd.s32 $0xA0, s9;
	[sflag:s22] =	ssyncadd.s32 $0xFFFFEC00  }
0x5b: {  	[tilespmem:s25], [sflag:$0x1] =	stream.indirect.gather [hbm4b:s4+s24], $0x40, s19, s24, $0xb8;
	[tilespmem:$0x16080] =	vst v63  }
0x5c: {  	_ =	swait.ge [sflag:s28], $0x1400  }
0x5d: {  	[sflag:s28] =	ssyncset.done $0x0  }
0x5e: {  	s20 =	sadd.s32 $0x4E70, s9;
	[sflag:s28] =	ssyncadd.s32 $0xFFFFEC00  }
0x5f: {  	[spmem:s1] =	stream.indirect.scatter.add.f32 [tilespmem:s26], [sflag:$0x3], $0x40, s20, s24, $0xb8;
	[tilespmem:$0x16080] =	vst v63  }
0x60: {  	_ =	swait.ge [sflag:s22], $0x1400  }
0x61: {  	[sflag:s22] =	ssyncset.done $0x0  }
0x62: {  	[sflag:s22] =	ssyncadd.s32 $0xFFFFEC00  }
0x63: {  	[tilespmem:s26], [sflag:$0x2] =	stream.indirect.gather [hbm4b:s4+s24], $0x40, s29, s24, $0xb8;
	[tilespmem:$0x16080] =	vst v63  }
0x64: {  	_ =	swait.ge [sflag:s17], $0x1400  }
0x65: {  	[sflag:s17] =	ssyncset.done $0x0  }
0x66: {  	[sflag:s17] =	ssyncadd.s32 $0xFFFFEC00  }
0x67: {  	[spmem:s1] =	stream.indirect.scatter.add.f32 [tilespmem:s25], [sflag:$0x3], $0x40, s30, s24, $0xb8;
	[tilespmem:$0x16080] =	vst v63  }
0x68: {  	_ =	swait.ge [sflag:s22], $0x1400  }
0x69: {  	[sflag:s22] =	ssyncset.done $0x0  }
0x6a: {  	[sflag:s22] =	ssyncadd.s32 $0xFFFFEC00  }
0x6b: {  	_ =	swait.ge [sflag:s28], $0x1400  }
0x6c: {  	[sflag:s28] =	ssyncset.done $0x0  }
0x6d: {  	[sflag:s28] =	ssyncadd.s32 $0xFFFFEC00  }
0x6e: {  	[spmem:s1] =	stream.indirect.scatter.add.f32 [tilespmem:s26], [sflag:$0x3], $0x40, s31, s24, $0xb8;
	[tilespmem:$0x16080] =	vst v63  }
0x6f: {  	_ =	swait.ge [sflag:s22], $0x1400  }
0x70: {  	[sflag:s22] =	ssyncset.done $0x0  }
0x71: {  	[sflag:s22] =	ssyncadd.s32 $0xFFFFEC00  }
0x72: {  	[bflag:$0x0] =	sbarrier.arrive $0xFFFF  }
0x73: {  	[hbm:s15], [sflag:s10] =	dma.local [spmem:s21], $0x1380  }
.Ltmp4:
0x74: {  	_ = 	snop;
	(pc) =	sbr.rel @p1 .LBB2_9-.Ltmp4, $4  }
.Ltmp5:
0x75: {  	_ = 	snop;
	(pc) =	sbr.rel @!p1 .LBB2_8-.Ltmp5, $4  }
0x76: {  	_ =	swait.ge [sflag:s22], $0x1380  }
0x77: {  	[sflag:s22] =	ssyncset.done $0x0  }
0x78: {  	s9 =	smov.u32 s6;
	s20 =	smov.u32 s10;
	[sflag:s22] =	ssyncadd.s32 $0xFFFFEC80  }
0x79: {  	_ = 	snop  }
.LBB2_2:
0x7a: {  	s20 =	sor.u32 $0x1C03, s18;
	s9 =	rddreg [dreg:$0x3]  }
0x7b: {  	[spmem:s21], [sflag:s20] =	dma.local [hbm:s9], $0x1380  }
0x7c: {  	_ =	swait.ge [sflag:s22], $0x1380  }
0x7d: {  	[sflag:s22] =	ssyncset.done $0x0  }
0x7e: {  	s9 =	rddreg [dreg:$0x5];
	[sflag:s22] =	ssyncadd.s32 $0xFFFFEC80  }
0x7f: {  	[spmem:s23], [sflag:s20] =	dma.local @!p1 [hbm:s9], $0x80  }
0x80: {  	s9 =	simm.s32 @!p1 $0x3  }
0x81: {  	_ =	swait.ge @!p1 [sflag:s9], $0x80  }
0x82: {  	[sflag:s9] =	ssyncset.done @!p1 $0x0  }
0x83: {  	[sflag:s9] =	ssyncadd.s32 @!p1 $0xFFFFFF80  }
0x84: {  	s19 =	simm.s32 $0x0;
	[bflag:$0x0] =	sbarrier.arrive $0xFFFF  }
0x85: {  	[tilespmem:s25], [sflag:$0x1] =	stream.indirect.gather [hbm4b:s3+s24], $0x40, s19, s24, $0xb8;
	[tilespmem:$0x16080] =	vst v63  }
0x86: {  	s11 =	simm.s32 $0x50  }
0x87: {  	[tilespmem:s26], [sflag:$0x2] =	stream.indirect.gather [hbm4b:s3+s24], $0x40, s11, s24, $0xb8;
	[tilespmem:$0x16080] =	vst v63  }
0x88: {  	_ =	swait.ge [sflag:s17], $0x1400  }
0x89: {  	[sflag:s17] =	ssyncset.done $0x0  }
0x8a: {  	s12 =	simm.s32 $0x4E20;
	[sflag:s17] =	ssyncadd.s32 $0xFFFFEC00  }
0x8b: {  	[spmem:s1] =	stream.indirect.scatter.add.f32 [tilespmem:s25], [sflag:$0x3], $0x40, s12, s24, $0xb8;
	[tilespmem:$0x16080] =	vst v63  }
0x8c: {  	_ =	swait.ge [sflag:s22], $0x1400  }
0x8d: {  	[sflag:s22] =	ssyncset.done $0x0  }
0x8e: {  	s13 =	simm.s32 $0xA0;
	[sflag:s22] =	ssyncadd.s32 $0xFFFFEC00  }
0x8f: {  	[tilespmem:s25], [sflag:$0x1] =	stream.indirect.gather [hbm4b:s3+s24], $0x40, s13, s24, $0xb8;
	[tilespmem:$0x16080] =	vst v63  }
0x90: {  	_ =	swait.ge [sflag:s28], $0x1400  }
0x91: {  	[sflag:s28] =	ssyncset.done $0x0  }
0x92: {  	s19 =	simm.s32 $0x4E70;
	[sflag:s28] =	ssyncadd.s32 $0xFFFFEC00  }
0x93: {  	[spmem:s1] =	stream.indirect.scatter.add.f32 [tilespmem:s26], [sflag:$0x3], $0x40, s19, s24, $0xb8;
	[tilespmem:$0x16080] =	vst v63  }
0x94: {  	_ =	swait.ge [sflag:s22], $0x1400  }
0x95: {  	s9 =	simm.s32 $0xA0;
	s19 =	simm.s32 $0x500;
	[sflag:s22] =	ssyncset.done $0x0  }
.LBB2_3:
0x96: {  	s11 =	sadd.s32 $0x50, s9  }
0x97: {  	[sflag:s22] =	ssyncadd.s32 $0xFFFFEC00;
	s12 =	smov.u32 s19;
	s13 =	sadd.s32 $0x280, s19  }
0x98: {  	[tilespmem:s26], [sflag:$0x2] =	stream.indirect.gather [hbm4b:s3+s24], $0x40, s11, s24, $0xb8;
	[tilespmem:$0x16080] =	vst v63  }
0x99: {  	p3 =	sne.s32 s19, $0x13380;
	_ =	swait.ge [sflag:s17], $0x1400  }
0x9a: {  	[sflag:s17] =	ssyncset.done $0x0  }
0x9b: {  	s11 =	sadd.s32 $0x4E20, s9;
	[sflag:s17] =	ssyncadd.s32 $0xFFFFEC00  }
0x9c: {  	[spmem:s1] =	stream.indirect.scatter.add.f32 [tilespmem:s25], [sflag:$0x3], $0x40, s11, s24, $0xb8;
	[tilespmem:$0x16080] =	vst v63  }
0x9d: {  	_ =	swait.ge [sflag:s22], $0x1400  }
0x9e: {  	[sflag:s22] =	ssyncset.done $0x0  }
0x9f: {  	s11 =	sadd.s32 $0xA0, s9;
	[sflag:s22] =	ssyncadd.s32 $0xFFFFEC00  }
0xa0: {  	[tilespmem:s25], [sflag:$0x1] =	stream.indirect.gather [hbm4b:s3+s24], $0x40, s11, s24, $0xb8;
	[tilespmem:$0x16080] =	vst v63  }
0xa1: {  	_ =	swait.ge [sflag:s28], $0x1400  }
.Ltmp6:
0xa2: {  	[sflag:s28] =	ssyncset.done $0x0;
	(pc) =	sbr.rel @p3 .LBB2_3-.Ltmp6, $4  }
0xa3: {  	s9 =	sadd.s32 $0x4E70, s9;
	[sflag:s28] =	ssyncadd.s32 $0xFFFFEC00  }
0xa4: {  	[spmem:s1] =	stream.indirect.scatter.add.f32 [tilespmem:s26], [sflag:$0x3], $0x40, s9, s24, $0xb8;
	[tilespmem:$0x16080] =	vst v63  }
0xa5: {  	_ =	swait.ge [sflag:s22], $0x1400  }
0xa6: {  	s19 =	smov.u32 s13;
	s9 =	sshra.s32 s12, $0x2;
	[sflag:s22] =	ssyncset.done $0x0  }
0xa7: {  	s11 =	sadd.s32 $0x50, s9;
	[sflag:s22] =	ssyncadd.s32 $0xFFFFEC00  }
0xa8: {  	[tilespmem:s26], [sflag:$0x2] =	stream.indirect.gather [hbm4b:s3+s24], $0x40, s11, s24, $0xb8;
	[tilespmem:$0x16080] =	vst v63  }
0xa9: {  	_ =	swait.ge [sflag:s17], $0x1400  }
0xaa: {  	[sflag:s17] =	ssyncset.done $0x0  }
0xab: {  	s19 =	sadd.s32 $0x4E20, s9;
	[sflag:s17] =	ssyncadd.s32 $0xFFFFEC00  }
0xac: {  	[spmem:s1] =	stream.indirect.scatter.add.f32 [tilespmem:s25], [sflag:$0x3], $0x40, s19, s24, $0xb8;
	[tilespmem:$0x16080] =	vst v63  }
0xad: {  	_ =	swait.ge [sflag:s22], $0x1400  }
0xae: {  	[sflag:s22] =	ssyncset.done $0x0  }
0xaf: {  	s12 =	sadd.s32 $0xA0, s9;
	[sflag:s22] =	ssyncadd.s32 $0xFFFFEC00  }
0xb0: {  	[tilespmem:s25], [sflag:$0x1] =	stream.indirect.gather [hbm4b:s3+s24], $0x40, s12, s24, $0xb8;
	[tilespmem:$0x16080] =	vst v63  }
0xb1: {  	_ =	swait.ge [sflag:s28], $0x1400  }
0xb2: {  	[sflag:s28] =	ssyncset.done $0x0  }
0xb3: {  	s13 =	sadd.s32 $0x4E70, s9;
	[sflag:s28] =	ssyncadd.s32 $0xFFFFEC00  }
0xb4: {  	[spmem:s1] =	stream.indirect.scatter.add.f32 [tilespmem:s26], [sflag:$0x3], $0x40, s13, s24, $0xb8;
	[tilespmem:$0x16080] =	vst v63  }
0xb5: {  	_ =	swait.ge [sflag:s22], $0x1400  }
0xb6: {  	[sflag:s22] =	ssyncset.done $0x0  }
0xb7: {  	[sflag:s22] =	ssyncadd.s32 $0xFFFFEC00  }
0xb8: {  	[tilespmem:s26], [sflag:$0x2] =	stream.indirect.gather [hbm4b:s3+s24], $0x40, s29, s24, $0xb8;
	[tilespmem:$0x16080] =	vst v63  }
0xb9: {  	_ =	swait.ge [sflag:s17], $0x1400  }
0xba: {  	[sflag:s17] =	ssyncset.done $0x0  }
0xbb: {  	[sflag:s17] =	ssyncadd.s32 $0xFFFFEC00  }
0xbc: {  	[spmem:s1] =	stream.indirect.scatter.add.f32 [tilespmem:s25], [sflag:$0x3], $0x40, s30, s24, $0xb8;
	[tilespmem:$0x16080] =	vst v63  }
0xbd: {  	_ =	swait.ge [sflag:s22], $0x1400  }
0xbe: {  	[sflag:s22] =	ssyncset.done $0x0  }
0xbf: {  	[sflag:s22] =	ssyncadd.s32 $0xFFFFEC00  }
0xc0: {  	_ =	swait.ge [sflag:s28], $0x1400  }
0xc1: {  	[sflag:s28] =	ssyncset.done $0x0  }
0xc2: {  	[sflag:s28] =	ssyncadd.s32 $0xFFFFEC00  }
0xc3: {  	[spmem:s1] =	stream.indirect.scatter.add.f32 [tilespmem:s26], [sflag:$0x3], $0x40, s31, s24, $0xb8;
	[tilespmem:$0x16080] =	vst v63  }
0xc4: {  	_ =	swait.ge [sflag:s22], $0x1400  }
0xc5: {  	[sflag:s22] =	ssyncset.done $0x0  }
0xc6: {  	[sflag:s22] =	ssyncadd.s32 $0xFFFFEC00  }
0xc7: {  	[bflag:$0x0] =	sbarrier.arrive $0xFFFF  }
0xc8: {  	s19 =	rddreg [dreg:$0x6]  }
0xc9: {  	[hbm:s19], [sflag:s20] =	dma.local [spmem:s21], $0x1380  }
.Ltmp7:
0xca: {  	_ = 	snop;
	(pc) =	sbr.rel @!p2 .LBB2_9-.Ltmp7, $4  }
.Ltmp8:
0xcb: {  	_ = 	snop;
	(pc) =	sbr.rel @p2 .LBB2_8-.Ltmp8, $4  }
0xcc: {  	_ =	swait.ge [sflag:s22], $0x1380  }
0xcd: {  	[sflag:s22] =	ssyncset.done $0x0  }
0xce: {  	s9 =	smov.u32 s5;
	[sflag:s22] =	ssyncadd.s32 $0xFFFFEC80  }
0xcf: {  	_ = 	snop  }
.LBB2_10:
0xd0: {  	_ =	sfence.sel $0x180000  }
0xd1: {  	[bflag:$0x0] =	sbarrier.arrive $0xFFFF  }
0xd2: {  	_ =	strace $0x9000004D  }
0xd3: {  	[bflag:$0x2] =	sbarrier.arrive $0xFFFF  }
0xd4: {  	s0 =	rddreg [dreg:$0x2]  }
0xd5: {  	s0 =	sadd.s32 @!p1 $0x100000, s0  }
0xd6: {  	[sflag:s0] =	ssyncadd.tile.s32 @!p1 $0x1;
	_ =	shalt  }
.Lfunc_end2:
_tile_overlayer_lowered:
.L_overlay_start_2:
0xd7: {  	(tag) =	ssettag $0x2  }
0xd8: {  	s0 =	rddreg [dreg:$0x0];
	s2 =	stileid.u32  }
0xd9: {  	s1 =	rddreg [dreg:$0x1];
	p0 =	sne.s32 s2, $0x0  }
0xda: {  	s3 =	rddreg [dreg:$0x2];
	[bflag:$0x3] =	sbarrier.arrive $0xFFFF;
	s2 =	simm.s32 @!p0 $0x1C03  }
0xdb: {  	[timem:s3], [sflag:s2] =	dma.local @!p0 [hbm:s0], s1  }
0xdc: {  	s0 =	simm.s32 @!p0 $0x3  }
0xdd: {  	_ =	swait.ge @!p0 [sflag:s0], s1  }
0xde: {  	s1 =	ssub.s32 @!p0 $0x0, s1;
	[sflag:s0] =	ssyncset.done @!p0 $0x0  }
0xdf: {  	[sflag:s0] =	ssyncadd.s32 @!p0 s1  }
0xe0: {  	[bflag:$0x3] =	sbarrier.arrive $0xFFFF  }
0xe1: {  	_ =	shalt  }

// kernel: kernel.16.cloned.1.call-start
scs
__scs_entry_jumppad:
0x0: {  	(pc) =	sbr.rel $0x88, $3  }
0x1: {  	(tag) =	ssettag $0x0;
	lr =	simm.s32 $0x1  }
0x2: {  	[smem:$0x3F97] =	sst lr;
	_ =	strace $0xD0000000  }
0x3: {  	_ = 	snop  }
0x4: {  	_ = 	snop  }
0x5: {  	_ = 	snop  }
0x6: {  	_ = 	snop  }
0x7: {  	_ = 	snop  }
__scs_overlays_trampoline_lowered:
0x8: {  	[smem:$0x3FA6] =	sst s0  }
0x9: {  	[smem:$0x3FA7] =	sst s1  }
0xa: {  	[smem:$0x3FA8] =	sst s2  }
0xb: {  	[smem:$0x3FA9] =	sst s3  }
0xc: {  	[smem:$0x3FAA] =	sst s4  }
0xd: {  	[smem:$0x3FAB] =	sst s5  }
0xe: {  	[smem:$0x3FAC] =	sst s6  }
0xf: {  	[smem:$0x3FAD] =	sst s7  }
0x10: {  	[smem:$0x3FAE] =	sst s8  }
0x11: {  	[smem:$0x3FAF] =	sst s9;
	s0 =	simm.s32 @!p0 $0x0  }
0x12: {  	s1 =	sld [smem:$0x3F95];
	s0 =	simm.s32 @p0 $0x1  }
0x13: {  	[smem:$0x3FB0] =	sst s0;
	s0 =	simm.s32 @!p1 $0x0  }
0x14: {  	s2 =	sld [smem:$0x3F94];
	s0 =	simm.s32 @p1 $0x1  }
0x15: {  	[smem:$0x3FB1] =	sst s0;
	s0 =	simm.s32 @!p2 $0x0  }
0x16: {  	s3 =	sld [smem:$0x3FDB];
	s0 =	simm.s32 @p2 $0x1  }
0x17: {  	s4 =	simm.s32 $0x1BF5;
	[smem:$0x3FB3] =	sst s0  }
0x18: {  	s0 =	sld [smem:$0x3F96];
	_ =	swait.ge [sflag:s4], $0x0  }
0x19: {  	s7 =	sld [smem:$0x3F97]  }
0x1a: {  	s8 =	sadd.s32 $0xFFFFE003, lr  }
0x1b: {  	s9 =	sadd.s32 $0xFFFFFEF7, lr;
	s5 =	simm.s32 $0xFFFFFFFF;
	p2 =	slt.u32 s8, $0xFFFFF086  }
0x1c: {  	p1 =	slt.u32 s9, $0xF7A;
	s5 =	simm.s32 @!p2 $0x0  }
0x1d: {  	s5 =	simm.s32 @p1 $0x1;
	p0 =	seq.s32 s7, s2  }
0x1e: {  	s7 =	smul.u32 @!p0 $0xF7A, s2;
	p2 =	seq.s32 @!p0 s5, $0x0  }
0x1f: {  	s9 =	smul.u32 $0xF7A, s1;
	s8 =	simm.s32 @!p0 $0x1BF5;
	p2 =	por !p2, p0  }
0x20: {  	[sflag:s8] =	ssyncset.s32 @!p0 $0xFFFFF086;
	s6 =	sadd.s32 @!p0 s3, s7;
	s7 =	simm.s32 @!p0 $0x108  }
0x21: {  	s3 =	sadd.s32 s3, s9;
	s6 =	sadd.s32 @!p0 $0x88, s6;
	s7 =	simm.s32 @p2 $0x1082  }
0x22: {  	[simem:s7], [sflag:s8] =	dma.local @!p0 [hbm:s6], $0xF7A  }
0x23: {  	s9 =	sor.u32 $0xD0000000, s2;
	s6 =	simm.s32 $0x108;
	_ =	swait.ge @!p0 [sflag:s8], $0x0  }
0x24: {  	s3 =	sadd.s32 $0x88, s3;
	s6 =	simm.s32 @!p1 $0x1082;
	[sflag:s4] =	ssyncset.s32 $0xFFFFF086  }
0x25: {  	[simem:s6], [sflag:s4] =	dma.local [hbm:s3], $0xF7A  }
0x26: {  	[smem:$0x3F97] =	sst s1;
	(tag) =	ssettag s2;
	_ =	strace s9  }
0x27: {  	s1 =	sld [smem:$0x3FA7]  }
0x28: {  	s2 =	sld [smem:$0x3FA8]  }
0x29: {  	s4 =	sld [smem:$0x3FAA]  }
0x2a: {  	p0 =	seq.s32 s5, $0x0;
	s5 =	sld [smem:$0x3FAB]  }
0x2b: {  	s6 =	sld [smem:$0x3FAC]  }
0x2c: {  	s7 =	sld [smem:$0x3FAD]  }
0x2d: {  	s3 =	simm.s32 $0x108;
	s8 =	sld [smem:$0x3FAE]  }
0x2e: {  	s3 =	simm.s32 @!p0 $0x1082;
	s9 =	sld [smem:$0x3FAF]  }
0x2f: {  	lr =	sadd.s32 s0, s3;
	s0 =	sld [smem:$0x3FA6]  }
0x30: {  	s3 =	sld [smem:$0x3FA9]  }
0x31: {  	[smem:$0x3FB2] =	sst s10  }
0x32: {  	s10 =	sld [smem:$0x3FB0];
	_ =	sdelay $0x3  }
0x33: {  	p0 =	seq.s32 s10, $0x1;
	s10 =	sld [smem:$0x3FB2];
	_ =	sdelay $0x3  }
0x34: {  	[smem:$0x3FB2] =	sst s10  }
0x35: {  	s10 =	sld [smem:$0x3FB1];
	_ =	sdelay $0x3  }
0x36: {  	p1 =	seq.s32 s10, $0x1;
	s10 =	sld [smem:$0x3FB2];
	_ =	sdelay $0x3  }
0x37: {  	[smem:$0x3FB2] =	sst s10  }
0x38: {  	s10 =	sld [smem:$0x3FB3]  }
0x39: {  	_ = 	snop;
	(pc) =	sbr.ind lr, $3  }
0x3a: {  	_ = 	snop  }
0x3b: {  	_ = 	snop  }
0x3c: {  	p2 =	seq.s32 s10, $0x1;
	s10 =	sld [smem:$0x3FB2]  }
0x3d: {  	_ =	shalt  }
0x3e: {  	_ =	shalt  }
0x3f: {  	_ =	shalt  }
0x40: {  	_ =	shalt  }
0x41: {  	_ =	shalt  }
0x42: {  	_ =	shalt  }
0x43: {  	_ =	shalt  }
0x44: {  	_ =	shalt  }
0x45: {  	_ =	shalt  }
0x46: {  	_ =	shalt  }
0x47: {  	_ =	shalt  }
0x48: {  	_ =	shalt  }
0x49: {  	_ =	shalt  }
0x4a: {  	_ =	shalt  }
0x4b: {  	_ =	shalt  }
0x4c: {  	_ =	shalt  }
0x4d: {  	_ =	shalt  }
0x4e: {  	_ =	shalt  }
0x4f: {  	_ =	shalt  }
0x50: {  	_ =	shalt  }
0x51: {  	_ =	shalt  }
0x52: {  	_ =	shalt  }
0x53: {  	_ =	shalt  }
0x54: {  	_ =	shalt  }
0x55: {  	_ =	shalt  }
0x56: {  	_ =	shalt  }
0x57: {  	_ =	shalt  }
0x58: {  	_ =	shalt  }
0x59: {  	_ =	shalt  }
0x5a: {  	_ =	shalt  }
0x5b: {  	_ =	shalt  }
0x5c: {  	_ =	shalt  }
0x5d: {  	_ =	shalt  }
0x5e: {  	_ =	shalt  }
0x5f: {  	_ =	shalt  }
0x60: {  	_ =	shalt  }
0x61: {  	_ =	shalt  }
0x62: {  	_ =	shalt  }
0x63: {  	_ =	shalt  }
0x64: {  	_ =	shalt  }
0x65: {  	_ =	shalt  }
0x66: {  	_ =	shalt  }
0x67: {  	_ =	shalt  }
0x68: {  	_ =	shalt  }
0x69: {  	_ =	shalt  }
0x6a: {  	_ =	shalt  }
0x6b: {  	_ =	shalt  }
0x6c: {  	_ =	shalt  }
0x6d: {  	_ =	shalt  }
0x6e: {  	_ =	shalt  }
0x6f: {  	_ =	shalt  }
0x70: {  	_ =	shalt  }
0x71: {  	_ =	shalt  }
0x72: {  	_ =	shalt  }
0x73: {  	_ =	shalt  }
0x74: {  	_ =	shalt  }
0x75: {  	_ =	shalt  }
0x76: {  	_ =	shalt  }
0x77: {  	_ =	shalt  }
0x78: {  	_ =	shalt  }
0x79: {  	_ =	shalt  }
0x7a: {  	_ =	shalt  }
0x7b: {  	_ =	shalt  }
0x7c: {  	_ =	shalt  }
0x7d: {  	_ =	shalt  }
0x7e: {  	_ =	shalt  }
0x7f: {  	_ =	shalt  }
0x80: {  	_ =	shalt  }
0x81: {  	_ =	shalt  }
0x82: {  	_ =	shalt  }
0x83: {  	_ =	shalt  }
0x84: {  	_ =	shalt  }
0x85: {  	_ =	shalt  }
0x86: {  	_ =	shalt  }
0x87: {  	_ =	shalt  }
.Lfunc_end0:
.L_simem_size_0:
called_computation.2_lowered:
.L_overlay_start_0:
0x88: {  	s2 =	sld [smem:$0x3FD9]  }
0x89: {  	s3 =	sld [smem:$0x3FFE];
	_ =	sdelay $0x1  }
0x8a: {  	s1 =	srdreg.scid  }
0x8b: {  	s0 =	sand.u32 $0x1, s1  }
0x8c: {  	s16 =	sshll.u32 s0, $0xA;
	s2 =	sadd.s32 s3, s2  }
0x8d: {  	s2 =	sadd.s32 s2, s16  }
0x8e: {  	[smem:$0x3FBE] =	sst s2  }
0x8f: {  	_ = 	snop  }
0x90: {  	(tm) =	ssettm $0x1  }
0x91: {  	s17 =	sld [smem:$0x3FFB];
	_ =	sdelay $0x3  }
0x92: {  	_ =	strace s17  }
0x93: {  	s2 =	sld [smem:$0x3FFC];
	_ =	sdelay $0x3  }
0x94: {  	_ =	strace s2  }
0x95: {  	s2 =	sld [smem:$0x3FFD];
	_ =	sdelay $0x3  }
0x96: {  	_ =	strace s2  }
0x97: {  	_ =	strace $0x8FFFFFFF  }
0x98: {  	s18 =	sld [smem:$0x3FDB];
	_ =	sdelay $0x1  }
0x99: {  	s19 =	simm.s32 $_scs_section_size  }
0x9a: {  	s4 =	simm.s32 $_size__tile_overlayer_lowered;
	s5 =	simm.s32 $_tile_overlayer_lowered  }
0x9b: {  	s22 =	simm.s32 $0x1BFF;
	s21 =	sshll.u32 s5, $0x1;
	s2 =	sadd.s32 s19, s18  }
0x9c: {  	s6 =	simm.s32 $0x0;
	s20 =	sshll.u32 s4, $0x1;
	s4 =	sadd.s32 s21, s2  }
0x9d: {  	[timem:s6], [sflag:s22] =	dma.local [hbm:s4], s20  }
0x9e: {  	_ =	swait.ge [sflag:s22], s20  }
0x9f: {  	s3 =	ssub.s32 $0x0, s20;
	[sflag:s22] =	ssyncset.done $0x0  }
0xa0: {  	[sflag:s22] =	ssyncadd.s32 s3;
	_ =	sdelay $0x1  }
0xa1: {  	s23 =	simm.s32 $0x1B8B  }
0xa2: {  	_ =	swait.ge [sflag:s23], $0x1  }
0xa3: {  	[sflag:s23] =	ssyncset.done $0x0  }
0xa4: {  	s25 =	simm.s32 $0x1B8E;
	s24 =	sld [smem:$0x3FFE];
	[sflag:s23] =	ssyncadd.s32 $0xFFFFFFFF  }
0xa5: {  	s26 =	simm.s32 $execute0_lowered;
	[smem:$0x3FD2] =	sst s25  }
0xa6: {  	s4 =	sshll.u32 s26, $0x1;
	_ =	strace $0x80000049;
	[dreg:$0x1] =	wrdreg $0xFFFFFFFF  }
0xa7: {  	s28 =	simm.s32 $_size_execute0_lowered;
	s2 =	sadd.s32 s2, s4;
	[dreg:$0x0] =	wrdreg $0x0  }
0xa8: {  	s4 =	sshll.u32 s28, $0x1;
	[dreg:$0x2] =	wrdreg s2  }
0xa9: {  	[dreg:$0x3] =	wrdreg s4  }
0xaa: {  	[dreg:$0x4] =	wrdreg $0xC0  }
0xab: {  	_ =	task [dreg:s6], $0x5FFFF  }
0xac: {  	[dreg:$0x1] =	wrdreg $0xFFFFFFFF  }
0xad: {  	[dreg:$0x0] =	wrdreg $0x60  }
0xae: {  	[dreg:$0x2] =	wrdreg s24  }
0xaf: {  	[dreg:$0x3] =	wrdreg $0xC4400  }
0xb0: {  	[dreg:$0x4] =	wrdreg $0xA  }
0xb1: {  	_ =	task.clear_ibuf [dreg:s6], $0x5FFFF;
	_ =	strace $0x90000049  }
0xb2: {  	s29 =	simm.s32 $0xA;
	_ =	strace $0x8000004B  }
0xb3: {  	_ =	swait.ge [sflag:s29], $0x1  }
0xb4: {  	[sflag:s29] =	ssyncadd.s32 $0xFFFFFFFF  }
0xb5: {  	_ =	strace $0x9000004B  }
0xb6: {  	_ =	sfence  }
0xb7: {  	s30 =	sld [smem:$0x0];
	_ =	sdelay $0x2  }
0xb8: {  	s31 =	sshll.u32 s1, $0xD;
	s1 =	sshrl.u32 s1, $0x2  }
0xb9: {  	s3 =	sand.u32 $0x4000, s31;
	s1 =	sadd.s32 s1, s30  }
0xba: {  	s0 =	sor.u32 s3, s0;
	s1 =	sshll.u32 s1, $0x11  }
0xbb: {  	s0 =	sor.u32 s1, s0  }
0xbc: {  	s0 =	sadd.s32 $0x8F2B, s0  }
0xbd: {  	[sflag:s0] =	ssyncadd.remote.s32 $0x1  }
0xbe: {  	_ =	sfence.sel $0xFFFF  }
0xbf: {  	[dreg:$0x0] =	wrdreg $0xFFFFFFFF;
	(pc) =	sbr.abs _section_cstart, $3  }
0xc0: {  	[dreg:$0x1] =	wrdreg $0xFFFFFFFF  }
0xc1: {  	_ =	task.clear_ibuf [dreg:s6], $0x2FFFF;
	_ =	strace $0x9FFFFFFF  }
0xc2: {  	(tm) =	ssettm $0x7FFFFFFF  }
0xc3: {  	_ =	shalt  }
tec
execute0_lowered:
.L_overlay_start_1:
0x0: {  	(tag) =	ssettag $0x1  }
0x1: {  	s0 =	rddreg [dreg:$0x0]  }
0x2: {  	s1 =	rddreg [dreg:$0x1]  }
0x3: {  	s2 =	simm.s32 $0x0;
	s9 =	stileid.u32;
	s3 =	srdreg.scid  }
0x4: {  	s17 =	simm.s32 $0x1;
	s22 =	simm.s32 $0x3;
	s28 =	simm.s32 $0x2  }
0x5: {  	s29 =	simm.s32 $0x4DD0;
	s30 =	simm.s32 $0x9BA0;
	s31 =	simm.s32 $0x9BF0  }
0x6: {  	[smem:$0x7FF] =	sst s2;
	s5 =	smul.u32 $0x9C4, s9;
	s10 =	sand.u32 $0x1, s3  }
0x7: {  	s3 =	sadd.s32 $0x17400, s0;
	s4 =	sadd.s32 $0x2AE00, s0;
	s12 =	smul.u32 $0x9C00, s9  }
0x8: {  	s6 =	sadd.s32 $0x3E800, s0;
	s24 =	sadd.s32 $0x2AC00, s0;
	s14 =	sadd.s32 $0x3E600, s0  }
0x9: {  	s18 =	sshll.u32 s9, $0x6;
	p1 =	sne.s32 s9, $0x0;
	p2 =	seq.s32 s9, $0x0  }
0xa: {  	_ =	strace $0x8000004A;
	s7 =	ssub.s32 $0x2, s10;
	p0 =	seq.s32 s10, $0x1  }
0xb: {  	[dreg:$0x5] =	wrdreg s24;
	s10 =	sor.u32 $0x1C03, s18;
	s24 =	simm.s32 $0x50  }
0xc: {  	s8 =	sadd.s32 s5, s0;
	s11 =	sshrl.u32 s7, $0x1;
	s5 =	sadd.s32 $0x52200, s0  }
0xd: {  	s15 =	sshrl.u32 s12, $0x3;
	s19 =	sadd.s32 s12, s1;
	s0 =	simm.s32 $0x0  }
0xe: {  	s16 =	ssub.s32 s7, s11;
	s7 =	sadd.s32 $0x3800, s8;
	s23 =	sadd.s32 s3, s15  }
.Ltmp0:
0xf: {  	s25 =	sadd.s32 s5, s15;
	[dreg:$0x3] =	wrdreg s23;
	(pc) =	sbr.rel .LBB2_1-.Ltmp0, $4  }
0x10: {  	s8 =	sadd.s32 $0xD600, s8;
	s26 =	sadd.s32 s4, s15;
	[dreg:$0x6] =	wrdreg s25  }
0x11: {  	s11 =	sadd.s32 $0x9C000, s1;
	s15 =	sadd.s32 s6, s15;
	[dreg:$0x7] =	wrdreg s26  }
0x12: {  	s21 =	sshrl.u32 s19, $0x3;
	s16 =	smax.u32 s16, $0x1;
	[dreg:$0x4] =	wrdreg s11  }
0x13: {  	s23 =	sshrl.u32 @!p1 s11, $0x3;
	s25 =	simm.s32 $0x9C40;
	s26 =	simm.s32 $0xB040  }
.LBB2_8:
0x14: {  	s11 =	rddreg [dreg:$0x4]  }
0x15: {  	s9 =	sadd.s32 $0x13800, s9;
	s11 =	sshrl.u32 s11, $0x3  }
0x16: {  	[hbm:s9], [sflag:s20] =	dma.local [spmem:s11], $0x80  }
0x17: {  	_ =	swait.ge [sflag:s22], $0x80  }
0x18: {  	[sflag:s22] =	ssyncset.done $0x0  }
0x19: {  	[sflag:s22] =	ssyncadd.s32 $0xFFFFFF80  }
.LBB2_9:
0x1a: {  	s0 =	sadd.s32 $0x1, s0  }
0x1b: {  	p3 =	sne.s32 s0, s16  }
.Ltmp1:
0x1c: {  	_ = 	snop;
	(pc) =	sbr.rel @!p3 .LBB2_10-.Ltmp1, $1  }
0x1d: {  	_ =	sdelay $0x3  }
.LBB2_1:
0x1e: {  	[tilespmem:s2], [sflag:$0x1] =	stream.linear.gather [hbm4b:s7+s2], $0x4E20, $0x38;
	[tilespmem:$0x16080] =	vst v63  }
0x1f: {  	_ =	swait.ge [sflag:s17], $0x4E20  }
0x20: {  	[sflag:s17] =	ssyncset.done $0x0  }
.Ltmp2:
0x21: {  	s9 =	simm.s32 $0x4E20;
	[sflag:s17] =	ssyncadd.s32 $0xFFFFB1E0;
	(pc) =	sbr.rel @!p0 .LBB2_2-.Ltmp2, $4  }
0x22: {  	[tilespmem:s9], [sflag:$0x1] =	stream.linear.gather [hbm4b:s8+s2], $0x4E20, $0x38;
	[tilespmem:$0x16080] =	vst v63  }
0x23: {  	_ =	swait.ge [sflag:s17], $0x4E20  }
0x24: {  	[sflag:s17] =	ssyncset.done $0x0  }
0x25: {  	[sflag:s17] =	ssyncadd.s32 $0xFFFFB1E0  }
0x26: {  	s9 =	rddreg [dreg:$0x7]  }
0x27: {  	[spmem:s21], [sflag:s10] =	dma.local [hbm:s9], $0x1380  }
0x28: {  	_ =	swait.ge [sflag:s22], $0x1380  }
0x29: {  	[sflag:s22] =	ssyncset.done $0x0  }
0x2a: {  	s9 =	simm.s32 @!p1 $0x3;
	[sflag:s22] =	ssyncadd.s32 $0xFFFFEC80  }
0x2b: {  	[spmem:s23], [sflag:s10] =	dma.local @!p1 [hbm:s14], $0x80  }
0x2c: {  	_ =	swait.ge @!p1 [sflag:s9], $0x80  }
0x2d: {  	[sflag:s9] =	ssyncset.done @!p1 $0x0  }
0x2e: {  	[sflag:s9] =	ssyncadd.s32 @!p1 $0xFFFFFF80  }
0x2f: {  	s11 =	simm.s32 $0x0;
	[bflag:$0x0] =	sbarrier.arrive $0xFFFF  }
0x30: {  	[tilespmem:s25], [sflag:$0x1] =	stream.indirect.gather [hbm4b:s4+s24], $0x40, s11, s24, $0xb8;
	[tilespmem:$0x16080] =	vst v63  }
0x31: {  	s12 =	simm.s32 $0x50  }
0x32: {  	[tilespmem:s26], [sflag:$0x2] =	stream.indirect.gather [hbm4b:s4+s24], $0x40, s12, s24, $0xb8;
	[tilespmem:$0x16080] =	vst v63  }
0x33: {  	_ =	swait.ge [sflag:s17], $0x1400  }
0x34: {  	[sflag:s17] =	ssyncset.done $0x0  }
0x35: {  	s13 =	simm.s32 $0x4E20;
	[sflag:s17] =	ssyncadd.s32 $0xFFFFEC00  }
0x36: {  	[spmem:s1] =	stream.indirect.scatter.add.f32 [tilespmem:s25], [sflag:$0x3], $0x40, s13, s24, $0xb8;
	[tilespmem:$0x16080] =	vst v63  }
0x37: {  	_ =	swait.ge [sflag:s22], $0x1400  }
0x38: {  	[sflag:s22] =	ssyncset.done $0x0  }
0x39: {  	s19 =	simm.s32 $0xA0;
	[sflag:s22] =	ssyncadd.s32 $0xFFFFEC00  }
0x3a: {  	[tilespmem:s25], [sflag:$0x1] =	stream.indirect.gather [hbm4b:s4+s24], $0x40, s19, s24, $0xb8;
	[tilespmem:$0x16080] =	vst v63  }
0x3b: {  	_ =	swait.ge [sflag:s28], $0x1400  }
0x3c: {  	[sflag:s28] =	ssyncset.done $0x0  }
0x3d: {  	s20 =	simm.s32 $0x4E70;
	[sflag:s28] =	ssyncadd.s32 $0xFFFFEC00  }
0x3e: {  	[spmem:s1] =	stream.indirect.scatter.add.f32 [tilespmem:s26], [sflag:$0x3], $0x40, s20, s24, $0xb8;
	[tilespmem:$0x16080] =	vst v63  }
0x3f: {  	_ =	swait.ge [sflag:s22], $0x1400  }
0x40: {  	s9 =	simm.s32 $0xA0;
	s19 =	simm.s32 $0x500;
	[sflag:s22] =	ssyncset.done $0x0  }
.LBB2_6:
0x41: {  	s11 =	sadd.s32 $0x50, s9  }
0x42: {  	[sflag:s22] =	ssyncadd.s32 $0xFFFFEC00;
	s12 =	smov.u32 s19;
	s13 =	sadd.s32 $0x280, s19  }
0x43: {  	[tilespmem:s26], [sflag:$0x2] =	stream.indirect.gather [hbm4b:s4+s24], $0x40, s11, s24, $0xb8;
	[tilespmem:$0x16080] =	vst v63  }
0x44: {  	p3 =	sne.s32 s19, $0x13380;
	_ =	swait.ge [sflag:s17], $0x1400  }
0x45: {  	[sflag:s17] =	ssyncset.done $0x0  }
0x46: {  	s11 =	sadd.s32 $0x4E20, s9;
	[sflag:s17] =	ssyncadd.s32 $0xFFFFEC00  }
0x47: {  	[spmem:s1] =	stream.indirect.scatter.add.f32 [tilespmem:s25], [sflag:$0x3], $0x40, s11, s24, $0xb8;
	[tilespmem:$0x16080] =	vst v63  }
0x48: {  	_ =	swait.ge [sflag:s22], $0x1400  }
0x49: {  	[sflag:s22] =	ssyncset.done $0x0  }
0x4a: {  	s11 =	sadd.s32 $0xA0, s9;
	[sflag:s22] =	ssyncadd.s32 $0xFFFFEC00  }
0x4b: {  	[tilespmem:s25], [sflag:$0x1] =	stream.indirect.gather [hbm4b:s4+s24], $0x40, s11, s24, $0xb8;
	[tilespmem:$0x16080] =	vst v63  }
0x4c: {  	_ =	swait.ge [sflag:s28], $0x1400  }
.Ltmp3:
0x4d: {  	[sflag:s28] =	ssyncset.done $0x0;
	(pc) =	sbr.rel @p3 .LBB2_6-.Ltmp3, $4  }
0x4e: {  	s9 =	sadd.s32 $0x4E70, s9;
	[sflag:s28] =	ssyncadd.s32 $0xFFFFEC00  }
0x4f: {  	[spmem:s1] =	stream.indirect.scatter.add.f32 [tilespmem:s26], [sflag:$0x3], $0x40, s9, s24, $0xb8;
	[tilespmem:$0x16080] =	vst v63  }
0x50: {  	_ =	swait.ge [sflag:s22], $0x1400  }
0x51: {  	s19 =	smov.u32 s13;
	s9 =	sshra.s32 s12, $0x2;
	[sflag:s22] =	ssyncset.done $0x0  }
0x52: {  	s11 =	sadd.s32 $0x50, s9;
	[sflag:s22] =	ssyncadd.s32 $0xFFFFEC00  }
0x53: {  	[tilespmem:s26], [sflag:$0x2] =	stream.indirect.gather [hbm4b:s4+s24], $0x40, s11, s24, $0xb8;
	[tilespmem:$0x16080] =	vst v63  }
0x54: {  	_ =	swait.ge [sflag:s17], $0x1400  }
0x55: {  	[sflag:s17] =	ssyncset.done $0x0  }
0x56: {  	s13 =	sadd.s32 $0x4E20, s9;
	[sflag:s17] =	ssyncadd.s32 $0xFFFFEC00  }
0x57: {  	[spmem:s1] =	stream.indirect.scatter.add.f32 [tilespmem:s25], [sflag:$0x3], $0x40, s13, s24, $0xb8;
	[tilespmem:$0x16080] =	vst v63  }
0x58: {  	_ =	swait.ge [sflag:s22], $0x1400  }
0x59: {  	[sflag:s22] =	ssyncset.done $0x0  }
0x5a: {  	s19 =	sadd.s32 $0xA0, s9;
	[sflag:s22] =	ssyncadd.s32 $0xFFFFEC00  }
0x5b: {  	[tilespmem:s25], [sflag:$0x1] =	stream.indirect.gather [hbm4b:s4+s24], $0x40, s19, s24, $0xb8;
	[tilespmem:$0x16080] =	vst v63  }
0x5c: {  	_ =	swait.ge [sflag:s28], $0x1400  }
0x5d: {  	[sflag:s28] =	ssyncset.done $0x0  }
0x5e: {  	s20 =	sadd.s32 $0x4E70, s9;
	[sflag:s28] =	ssyncadd.s32 $0xFFFFEC00  }
0x5f: {  	[spmem:s1] =	stream.indirect.scatter.add.f32 [tilespmem:s26], [sflag:$0x3], $0x40, s20, s24, $0xb8;
	[tilespmem:$0x16080] =	vst v63  }
0x60: {  	_ =	swait.ge [sflag:s22], $0x1400  }
0x61: {  	[sflag:s22] =	ssyncset.done $0x0  }
0x62: {  	[sflag:s22] =	ssyncadd.s32 $0xFFFFEC00  }
0x63: {  	[tilespmem:s26], [sflag:$0x2] =	stream.indirect.gather [hbm4b:s4+s24], $0x40, s29, s24, $0xb8;
	[tilespmem:$0x16080] =	vst v63  }
0x64: {  	_ =	swait.ge [sflag:s17], $0x1400  }
0x65: {  	[sflag:s17] =	ssyncset.done $0x0  }
0x66: {  	[sflag:s17] =	ssyncadd.s32 $0xFFFFEC00  }
0x67: {  	[spmem:s1] =	stream.indirect.scatter.add.f32 [tilespmem:s25], [sflag:$0x3], $0x40, s30, s24, $0xb8;
	[tilespmem:$0x16080] =	vst v63  }
0x68: {  	_ =	swait.ge [sflag:s22], $0x1400  }
0x69: {  	[sflag:s22] =	ssyncset.done $0x0  }
0x6a: {  	[sflag:s22] =	ssyncadd.s32 $0xFFFFEC00  }
0x6b: {  	_ =	swait.ge [sflag:s28], $0x1400  }
0x6c: {  	[sflag:s28] =	ssyncset.done $0x0  }
0x6d: {  	[sflag:s28] =	ssyncadd.s32 $0xFFFFEC00  }
0x6e: {  	[spmem:s1] =	stream.indirect.scatter.add.f32 [tilespmem:s26], [sflag:$0x3], $0x40, s31, s24, $0xb8;
	[tilespmem:$0x16080] =	vst v63  }
0x6f: {  	_ =	swait.ge [sflag:s22], $0x1400  }
0x70: {  	[sflag:s22] =	ssyncset.done $0x0  }
0x71: {  	[sflag:s22] =	ssyncadd.s32 $0xFFFFEC00  }
0x72: {  	[bflag:$0x0] =	sbarrier.arrive $0xFFFF  }
0x73: {  	[hbm:s15], [sflag:s10] =	dma.local [spmem:s21], $0x1380  }
.Ltmp4:
0x74: {  	_ = 	snop;
	(pc) =	sbr.rel @p1 .LBB2_9-.Ltmp4, $4  }
.Ltmp5:
0x75: {  	_ = 	snop;
	(pc) =	sbr.rel @!p1 .LBB2_8-.Ltmp5, $4  }
0x76: {  	_ =	swait.ge [sflag:s22], $0x1380  }
0x77: {  	[sflag:s22] =	ssyncset.done $0x0  }
0x78: {  	s9 =	smov.u32 s6;
	s20 =	smov.u32 s10;
	[sflag:s22] =	ssyncadd.s32 $0xFFFFEC80  }
0x79: {  	_ = 	snop  }
.LBB2_2:
0x7a: {  	s20 =	sor.u32 $0x1C03, s18;
	s9 =	rddreg [dreg:$0x3]  }
0x7b: {  	[spmem:s21], [sflag:s20] =	dma.local [hbm:s9], $0x1380  }
0x7c: {  	_ =	swait.ge [sflag:s22], $0x1380  }
0x7d: {  	[sflag:s22] =	ssyncset.done $0x0  }
0x7e: {  	s9 =	rddreg [dreg:$0x5];
	[sflag:s22] =	ssyncadd.s32 $0xFFFFEC80  }
0x7f: {  	[spmem:s23], [sflag:s20] =	dma.local @!p1 [hbm:s9], $0x80  }
0x80: {  	s9 =	simm.s32 @!p1 $0x3  }
0x81: {  	_ =	swait.ge @!p1 [sflag:s9], $0x80  }
0x82: {  	[sflag:s9] =	ssyncset.done @!p1 $0x0  }
0x83: {  	[sflag:s9] =	ssyncadd.s32 @!p1 $0xFFFFFF80  }
0x84: {  	s19 =	simm.s32 $0x0;
	[bflag:$0x0] =	sbarrier.arrive $0xFFFF  }
0x85: {  	[tilespmem:s25], [sflag:$0x1] =	stream.indirect.gather [hbm4b:s3+s24], $0x40, s19, s24, $0xb8;
	[tilespmem:$0x16080] =	vst v63  }
0x86: {  	s11 =	simm.s32 $0x50  }
0x87: {  	[tilespmem:s26], [sflag:$0x2] =	stream.indirect.gather [hbm4b:s3+s24], $0x40, s11, s24, $0xb8;
	[tilespmem:$0x16080] =	vst v63  }
0x88: {  	_ =	swait.ge [sflag:s17], $0x1400  }
0x89: {  	[sflag:s17] =	ssyncset.done $0x0  }
0x8a: {  	s12 =	simm.s32 $0x4E20;
	[sflag:s17] =	ssyncadd.s32 $0xFFFFEC00  }
0x8b: {  	[spmem:s1] =	stream.indirect.scatter.add.f32 [tilespmem:s25], [sflag:$0x3], $0x40, s12, s24, $0xb8;
	[tilespmem:$0x16080] =	vst v63  }
0x8c: {  	_ =	swait.ge [sflag:s22], $0x1400  }
0x8d: {  	[sflag:s22] =	ssyncset.done $0x0  }
0x8e: {  	s13 =	simm.s32 $0xA0;
	[sflag:s22] =	ssyncadd.s32 $0xFFFFEC00  }
0x8f: {  	[tilespmem:s25], [sflag:$0x1] =	stream.indirect.gather [hbm4b:s3+s24], $0x40, s13, s24, $0xb8;
	[tilespmem:$0x16080] =	vst v63  }
0x90: {  	_ =	swait.ge [sflag:s28], $0x1400  }
0x91: {  	[sflag:s28] =	ssyncset.done $0x0  }
0x92: {  	s19 =	simm.s32 $0x4E70;
	[sflag:s28] =	ssyncadd.s32 $0xFFFFEC00  }
0x93: {  	[spmem:s1] =	stream.indirect.scatter.add.f32 [tilespmem:s26], [sflag:$0x3], $0x40, s19, s24, $0xb8;
	[tilespmem:$0x16080] =	vst v63  }
0x94: {  	_ =	swait.ge [sflag:s22], $0x1400  }
0x95: {  	s9 =	simm.s32 $0xA0;
	s19 =	simm.s32 $0x500;
	[sflag:s22] =	ssyncset.done $0x0  }
.LBB2_3:
0x96: {  	s11 =	sadd.s32 $0x50, s9  }
0x97: {  	[sflag:s22] =	ssyncadd.s32 $0xFFFFEC00;
	s12 =	smov.u32 s19;
	s13 =	sadd.s32 $0x280, s19  }
0x98: {  	[tilespmem:s26], [sflag:$0x2] =	stream.indirect.gather [hbm4b:s3+s24], $0x40, s11, s24, $0xb8;
	[tilespmem:$0x16080] =	vst v63  }
0x99: {  	p3 =	sne.s32 s19, $0x13380;
	_ =	swait.ge [sflag:s17], $0x1400  }
0x9a: {  	[sflag:s17] =	ssyncset.done $0x0  }
0x9b: {  	s11 =	sadd.s32 $0x4E20, s9;
	[sflag:s17] =	ssyncadd.s32 $0xFFFFEC00  }
0x9c: {  	[spmem:s1] =	stream.indirect.scatter.add.f32 [tilespmem:s25], [sflag:$0x3], $0x40, s11, s24, $0xb8;
	[tilespmem:$0x16080] =	vst v63  }
0x9d: {  	_ =	swait.ge [sflag:s22], $0x1400  }
0x9e: {  	[sflag:s22] =	ssyncset.done $0x0  }
0x9f: {  	s11 =	sadd.s32 $0xA0, s9;
	[sflag:s22] =	ssyncadd.s32 $0xFFFFEC00  }
0xa0: {  	[tilespmem:s25], [sflag:$0x1] =	stream.indirect.gather [hbm4b:s3+s24], $0x40, s11, s24, $0xb8;
	[tilespmem:$0x16080] =	vst v63  }
0xa1: {  	_ =	swait.ge [sflag:s28], $0x1400  }
.Ltmp6:
0xa2: {  	[sflag:s28] =	ssyncset.done $0x0;
	(pc) =	sbr.rel @p3 .LBB2_3-.Ltmp6, $4  }
0xa3: {  	s9 =	sadd.s32 $0x4E70, s9;
	[sflag:s28] =	ssyncadd.s32 $0xFFFFEC00  }
0xa4: {  	[spmem:s1] =	stream.indirect.scatter.add.f32 [tilespmem:s26], [sflag:$0x3], $0x40, s9, s24, $0xb8;
	[tilespmem:$0x16080] =	vst v63  }
0xa5: {  	_ =	swait.ge [sflag:s22], $0x1400  }
0xa6: {  	s19 =	smov.u32 s13;
	s9 =	sshra.s32 s12, $0x2;
	[sflag:s22] =	ssyncset.done $0x0  }
0xa7: {  	s11 =	sadd.s32 $0x50, s9;
	[sflag:s22] =	ssyncadd.s32 $0xFFFFEC00  }
0xa8: {  	[tilespmem:s26], [sflag:$0x2] =	stream.indirect.gather [hbm4b:s3+s24], $0x40, s11, s24, $0xb8;
	[tilespmem:$0x16080] =	vst v63  }
0xa9: {  	_ =	swait.ge [sflag:s17], $0x1400  }
0xaa: {  	[sflag:s17] =	ssyncset.done $0x0  }
0xab: {  	s19 =	sadd.s32 $0x4E20, s9;
	[sflag:s17] =	ssyncadd.s32 $0xFFFFEC00  }
0xac: {  	[spmem:s1] =	stream.indirect.scatter.add.f32 [tilespmem:s25], [sflag:$0x3], $0x40, s19, s24, $0xb8;
	[tilespmem:$0x16080] =	vst v63  }
0xad: {  	_ =	swait.ge [sflag:s22], $0x1400  }
0xae: {  	[sflag:s22] =	ssyncset.done $0x0  }
0xaf: {  	s12 =	sadd.s32 $0xA0, s9;
	[sflag:s22] =	ssyncadd.s32 $0xFFFFEC00  }
0xb0: {  	[tilespmem:s25], [sflag:$0x1] =	stream.indirect.gather [hbm4b:s3+s24], $0x40, s12, s24, $0xb8;
	[tilespmem:$0x16080] =	vst v63  }
0xb1: {  	_ =	swait.ge [sflag:s28], $0x1400  }
0xb2: {  	[sflag:s28] =	ssyncset.done $0x0  }
0xb3: {  	s13 =	sadd.s32 $0x4E70, s9;
	[sflag:s28] =	ssyncadd.s32 $0xFFFFEC00  }
0xb4: {  	[spmem:s1] =	stream.indirect.scatter.add.f32 [tilespmem:s26], [sflag:$0x3], $0x40, s13, s24, $0xb8;
	[tilespmem:$0x16080] =	vst v63  }
0xb5: {  	_ =	swait.ge [sflag:s22], $0x1400  }
0xb6: {  	[sflag:s22] =	ssyncset.done $0x0  }
0xb7: {  	[sflag:s22] =	ssyncadd.s32 $0xFFFFEC00  }
0xb8: {  	[tilespmem:s26], [sflag:$0x2] =	stream.indirect.gather [hbm4b:s3+s24], $0x40, s29, s24, $0xb8;
	[tilespmem:$0x16080] =	vst v63  }
0xb9: {  	_ =	swait.ge [sflag:s17], $0x1400  }
0xba: {  	[sflag:s17] =	ssyncset.done $0x0  }
0xbb: {  	[sflag:s17] =	ssyncadd.s32 $0xFFFFEC00  }
0xbc: {  	[spmem:s1] =	stream.indirect.scatter.add.f32 [tilespmem:s25], [sflag:$0x3], $0x40, s30, s24, $0xb8;
	[tilespmem:$0x16080] =	vst v63  }
0xbd: {  	_ =	swait.ge [sflag:s22], $0x1400  }
0xbe: {  	[sflag:s22] =	ssyncset.done $0x0  }
0xbf: {  	[sflag:s22] =	ssyncadd.s32 $0xFFFFEC00  }
0xc0: {  	_ =	swait.ge [sflag:s28], $0x1400  }
0xc1: {  	[sflag:s28] =	ssyncset.done $0x0  }
0xc2: {  	[sflag:s28] =	ssyncadd.s32 $0xFFFFEC00  }
0xc3: {  	[spmem:s1] =	stream.indirect.scatter.add.f32 [tilespmem:s26], [sflag:$0x3], $0x40, s31, s24, $0xb8;
	[tilespmem:$0x16080] =	vst v63  }
0xc4: {  	_ =	swait.ge [sflag:s22], $0x1400  }
0xc5: {  	[sflag:s22] =	ssyncset.done $0x0  }
0xc6: {  	[sflag:s22] =	ssyncadd.s32 $0xFFFFEC00  }
0xc7: {  	[bflag:$0x0] =	sbarrier.arrive $0xFFFF  }
0xc8: {  	s19 =	rddreg [dreg:$0x6]  }
0xc9: {  	[hbm:s19], [sflag:s20] =	dma.local [spmem:s21], $0x1380  }
.Ltmp7:
0xca: {  	_ = 	snop;
	(pc) =	sbr.rel @!p2 .LBB2_9-.Ltmp7, $4  }
.Ltmp8:
0xcb: {  	_ = 	snop;
	(pc) =	sbr.rel @p2 .LBB2_8-.Ltmp8, $4  }
0xcc: {  	_ =	swait.ge [sflag:s22], $0x1380  }
0xcd: {  	[sflag:s22] =	ssyncset.done $0x0  }
0xce: {  	s9 =	smov.u32 s5;
	[sflag:s22] =	ssyncadd.s32 $0xFFFFEC80  }
0xcf: {  	_ = 	snop  }
.LBB2_10:
0xd0: {  	_ =	sfence.sel $0x180000  }
0xd1: {  	[bflag:$0x0] =	sbarrier.arrive $0xFFFF  }
0xd2: {  	_ =	strace $0x9000004A  }
0xd3: {  	[bflag:$0x2] =	sbarrier.arrive $0xFFFF  }
0xd4: {  	s0 =	rddreg [dreg:$0x2]  }
0xd5: {  	s0 =	sadd.s32 @!p1 $0x100000, s0  }
0xd6: {  	[sflag:s0] =	ssyncadd.tile.s32 @!p1 $0x1;
	_ =	shalt  }
.Lfunc_end2:
_tile_overlayer_lowered:
.L_overlay_start_2:
0xd7: {  	(tag) =	ssettag $0x2  }
0xd8: {  	s0 =	rddreg [dreg:$0x0];
	s2 =	stileid.u32  }
0xd9: {  	s1 =	rddreg [dreg:$0x1];
	p0 =	sne.s32 s2, $0x0  }
0xda: {  	s3 =	rddreg [dreg:$0x2];
	[bflag:$0x3] =	sbarrier.arrive $0xFFFF;
	s2 =	simm.s32 @!p0 $0x1C03  }
0xdb: {  	[timem:s3], [sflag:s2] =	dma.local @!p0 [hbm:s0], s1  }
0xdc: {  	s0 =	simm.s32 @!p0 $0x3  }
0xdd: {  	_ =	swait.ge @!p0 [sflag:s0], s1  }
0xde: {  	s1 =	ssub.s32 @!p0 $0x0, s1;
	[sflag:s0] =	ssyncset.done @!p0 $0x0  }
0xdf: {  	[sflag:s0] =	ssyncadd.s32 @!p0 s1  }
0xe0: {  	[bflag:$0x3] =	sbarrier.arrive $0xFFFF  }
0xe1: {  	_ =	shalt  }

// kernel: kernel.19.cloned.1.call-start
scs
__scs_entry_jumppad:
0x0: {  	(pc) =	sbr.rel $0x88, $3  }
0x1: {  	(tag) =	ssettag $0x0;
	lr =	simm.s32 $0x1  }
0x2: {  	[smem:$0x3F97] =	sst lr;
	_ =	strace $0xD0000000  }
0x3: {  	_ = 	snop  }
0x4: {  	_ = 	snop  }
0x5: {  	_ = 	snop  }
0x6: {  	_ = 	snop  }
0x7: {  	_ = 	snop  }
__scs_overlays_trampoline_lowered:
0x8: {  	[smem:$0x3FA6] =	sst s0  }
0x9: {  	[smem:$0x3FA7] =	sst s1  }
0xa: {  	[smem:$0x3FA8] =	sst s2  }
0xb: {  	[smem:$0x3FA9] =	sst s3  }
0xc: {  	[smem:$0x3FAA] =	sst s4  }
0xd: {  	[smem:$0x3FAB] =	sst s5  }
0xe: {  	[smem:$0x3FAC] =	sst s6  }
0xf: {  	[smem:$0x3FAD] =	sst s7  }
0x10: {  	[smem:$0x3FAE] =	sst s8  }
0x11: {  	[smem:$0x3FAF] =	sst s9;
	s0 =	simm.s32 @!p0 $0x0  }
0x12: {  	s1 =	sld [smem:$0x3F95];
	s0 =	simm.s32 @p0 $0x1  }
0x13: {  	[smem:$0x3FB0] =	sst s0;
	s0 =	simm.s32 @!p1 $0x0  }
0x14: {  	s2 =	sld [smem:$0x3F94];
	s0 =	simm.s32 @p1 $0x1  }
0x15: {  	[smem:$0x3FB1] =	sst s0;
	s0 =	simm.s32 @!p2 $0x0  }
0x16: {  	s3 =	sld [smem:$0x3FDB];
	s0 =	simm.s32 @p2 $0x1  }
0x17: {  	s4 =	simm.s32 $0x1BF5;
	[smem:$0x3FB3] =	sst s0  }
0x18: {  	s0 =	sld [smem:$0x3F96];
	_ =	swait.ge [sflag:s4], $0x0  }
0x19: {  	s7 =	sld [smem:$0x3F97]  }
0x1a: {  	s8 =	sadd.s32 $0xFFFFE003, lr  }
0x1b: {  	s9 =	sadd.s32 $0xFFFFFEF7, lr;
	s5 =	simm.s32 $0xFFFFFFFF;
	p2 =	slt.u32 s8, $0xFFFFF086  }
0x1c: {  	p1 =	slt.u32 s9, $0xF7A;
	s5 =	simm.s32 @!p2 $0x0  }
0x1d: {  	s5 =	simm.s32 @p1 $0x1;
	p0 =	seq.s32 s7, s2  }
0x1e: {  	s7 =	smul.u32 @!p0 $0xF7A, s2;
	p2 =	seq.s32 @!p0 s5, $0x0  }
0x1f: {  	s9 =	smul.u32 $0xF7A, s1;
	s8 =	simm.s32 @!p0 $0x1BF5;
	p2 =	por !p2, p0  }
0x20: {  	[sflag:s8] =	ssyncset.s32 @!p0 $0xFFFFF086;
	s6 =	sadd.s32 @!p0 s3, s7;
	s7 =	simm.s32 @!p0 $0x108  }
0x21: {  	s3 =	sadd.s32 s3, s9;
	s6 =	sadd.s32 @!p0 $0x88, s6;
	s7 =	simm.s32 @p2 $0x1082  }
0x22: {  	[simem:s7], [sflag:s8] =	dma.local @!p0 [hbm:s6], $0xF7A  }
0x23: {  	s9 =	sor.u32 $0xD0000000, s2;
	s6 =	simm.s32 $0x108;
	_ =	swait.ge @!p0 [sflag:s8], $0x0  }
0x24: {  	s3 =	sadd.s32 $0x88, s3;
	s6 =	simm.s32 @!p1 $0x1082;
	[sflag:s4] =	ssyncset.s32 $0xFFFFF086  }
0x25: {  	[simem:s6], [sflag:s4] =	dma.local [hbm:s3], $0xF7A  }
0x26: {  	[smem:$0x3F97] =	sst s1;
	(tag) =	ssettag s2;
	_ =	strace s9  }
0x27: {  	s1 =	sld [smem:$0x3FA7]  }
0x28: {  	s2 =	sld [smem:$0x3FA8]  }
0x29: {  	s4 =	sld [smem:$0x3FAA]  }
0x2a: {  	p0 =	seq.s32 s5, $0x0;
	s5 =	sld [smem:$0x3FAB]  }
0x2b: {  	s6 =	sld [smem:$0x3FAC]  }
0x2c: {  	s7 =	sld [smem:$0x3FAD]  }
0x2d: {  	s3 =	simm.s32 $0x108;
	s8 =	sld [smem:$0x3FAE]  }
0x2e: {  	s3 =	simm.s32 @!p0 $0x1082;
	s9 =	sld [smem:$0x3FAF]  }
0x2f: {  	lr =	sadd.s32 s0, s3;
	s0 =	sld [smem:$0x3FA6]  }
0x30: {  	s3 =	sld [smem:$0x3FA9]  }
0x31: {  	[smem:$0x3FB2] =	sst s10  }
0x32: {  	s10 =	sld [smem:$0x3FB0];
	_ =	sdelay $0x3  }
0x33: {  	p0 =	seq.s32 s10, $0x1;
	s10 =	sld [smem:$0x3FB2];
	_ =	sdelay $0x3  }
0x34: {  	[smem:$0x3FB2] =	sst s10  }
0x35: {  	s10 =	sld [smem:$0x3FB1];
	_ =	sdelay $0x3  }
0x36: {  	p1 =	seq.s32 s10, $0x1;
	s10 =	sld [smem:$0x3FB2];
	_ =	sdelay $0x3  }
0x37: {  	[smem:$0x3FB2] =	sst s10  }
0x38: {  	s10 =	sld [smem:$0x3FB3]  }
0x39: {  	_ = 	snop;
	(pc) =	sbr.ind lr, $3  }
0x3a: {  	_ = 	snop  }
0x3b: {  	_ = 	snop  }
0x3c: {  	p2 =	seq.s32 s10, $0x1;
	s10 =	sld [smem:$0x3FB2]  }
0x3d: {  	_ =	shalt  }
0x3e: {  	_ =	shalt  }
0x3f: {  	_ =	shalt  }
0x40: {  	_ =	shalt  }
0x41: {  	_ =	shalt  }
0x42: {  	_ =	shalt  }
0x43: {  	_ =	shalt  }
0x44: {  	_ =	shalt  }
0x45: {  	_ =	shalt  }
0x46: {  	_ =	shalt  }
0x47: {  	_ =	shalt  }
0x48: {  	_ =	shalt  }
0x49: {  	_ =	shalt  }
0x4a: {  	_ =	shalt  }
0x4b: {  	_ =	shalt  }
0x4c: {  	_ =	shalt  }
0x4d: {  	_ =	shalt  }
0x4e: {  	_ =	shalt  }
0x4f: {  	_ =	shalt  }
0x50: {  	_ =	shalt  }
0x51: {  	_ =	shalt  }
0x52: {  	_ =	shalt  }
0x53: {  	_ =	shalt  }
0x54: {  	_ =	shalt  }
0x55: {  	_ =	shalt  }
0x56: {  	_ =	shalt  }
0x57: {  	_ =	shalt  }
0x58: {  	_ =	shalt  }
0x59: {  	_ =	shalt  }
0x5a: {  	_ =	shalt  }
0x5b: {  	_ =	shalt  }
0x5c: {  	_ =	shalt  }
0x5d: {  	_ =	shalt  }
0x5e: {  	_ =	shalt  }
0x5f: {  	_ =	shalt  }
0x60: {  	_ =	shalt  }
0x61: {  	_ =	shalt  }
0x62: {  	_ =	shalt  }
0x63: {  	_ =	shalt  }
0x64: {  	_ =	shalt  }
0x65: {  	_ =	shalt  }
0x66: {  	_ =	shalt  }
0x67: {  	_ =	shalt  }
0x68: {  	_ =	shalt  }
0x69: {  	_ =	shalt  }
0x6a: {  	_ =	shalt  }
0x6b: {  	_ =	shalt  }
0x6c: {  	_ =	shalt  }
0x6d: {  	_ =	shalt  }
0x6e: {  	_ =	shalt  }
0x6f: {  	_ =	shalt  }
0x70: {  	_ =	shalt  }
0x71: {  	_ =	shalt  }
0x72: {  	_ =	shalt  }
0x73: {  	_ =	shalt  }
0x74: {  	_ =	shalt  }
0x75: {  	_ =	shalt  }
0x76: {  	_ =	shalt  }
0x77: {  	_ =	shalt  }
0x78: {  	_ =	shalt  }
0x79: {  	_ =	shalt  }
0x7a: {  	_ =	shalt  }
0x7b: {  	_ =	shalt  }
0x7c: {  	_ =	shalt  }
0x7d: {  	_ =	shalt  }
0x7e: {  	_ =	shalt  }
0x7f: {  	_ =	shalt  }
0x80: {  	_ =	shalt  }
0x81: {  	_ =	shalt  }
0x82: {  	_ =	shalt  }
0x83: {  	_ =	shalt  }
0x84: {  	_ =	shalt  }
0x85: {  	_ =	shalt  }
0x86: {  	_ =	shalt  }
0x87: {  	_ =	shalt  }
.Lfunc_end0:
.L_simem_size_0:
called_computation.3_lowered:
.L_overlay_start_0:
0x88: {  	s2 =	sld [smem:$0x3FD9]  }
0x89: {  	s3 =	sld [smem:$0x3FFE];
	_ =	sdelay $0x1  }
0x8a: {  	s1 =	srdreg.scid  }
0x8b: {  	s0 =	sand.u32 $0x1, s1  }
0x8c: {  	s16 =	sshll.u32 s0, $0xA;
	s2 =	sadd.s32 s3, s2  }
0x8d: {  	s2 =	sadd.s32 s2, s16  }
0x8e: {  	[smem:$0x3FBE] =	sst s2  }
0x8f: {  	_ = 	snop  }
0x90: {  	(tm) =	ssettm $0x1  }
0x91: {  	s17 =	sld [smem:$0x3FFB];
	_ =	sdelay $0x3  }
0x92: {  	_ =	strace s17  }
0x93: {  	s2 =	sld [smem:$0x3FFC];
	_ =	sdelay $0x3  }
0x94: {  	_ =	strace s2  }
0x95: {  	s2 =	sld [smem:$0x3FFD];
	_ =	sdelay $0x3  }
0x96: {  	_ =	strace s2  }
0x97: {  	_ =	strace $0x8FFFFFFF  }
0x98: {  	s18 =	sld [smem:$0x3FDB];
	_ =	sdelay $0x1  }
0x99: {  	s19 =	simm.s32 $_scs_section_size  }
0x9a: {  	s4 =	simm.s32 $_size__tile_overlayer_lowered;
	s5 =	simm.s32 $_tile_overlayer_lowered  }
0x9b: {  	s22 =	simm.s32 $0x1BFF;
	s21 =	sshll.u32 s5, $0x1;
	s2 =	sadd.s32 s19, s18  }
0x9c: {  	s6 =	simm.s32 $0x0;
	s20 =	sshll.u32 s4, $0x1;
	s4 =	sadd.s32 s21, s2  }
0x9d: {  	[timem:s6], [sflag:s22] =	dma.local [hbm:s4], s20  }
0x9e: {  	_ =	swait.ge [sflag:s22], s20  }
0x9f: {  	s3 =	ssub.s32 $0x0, s20;
	[sflag:s22] =	ssyncset.done $0x0  }
0xa0: {  	[sflag:s22] =	ssyncadd.s32 s3;
	_ =	sdelay $0x1  }
0xa1: {  	s23 =	simm.s32 $0x1B8B  }
0xa2: {  	_ =	swait.ge [sflag:s23], $0x1  }
0xa3: {  	[sflag:s23] =	ssyncset.done $0x0  }
0xa4: {  	s25 =	simm.s32 $0x1B8E;
	s24 =	sld [smem:$0x3FFE];
	[sflag:s23] =	ssyncadd.s32 $0xFFFFFFFF  }
0xa5: {  	s26 =	simm.s32 $execute0_lowered;
	[smem:$0x3FD2] =	sst s25  }
0xa6: {  	s4 =	sshll.u32 s26, $0x1;
	_ =	strace $0x8000004F;
	[dreg:$0x1] =	wrdreg $0xFFFFFFFF  }
0xa7: {  	s28 =	simm.s32 $_size_execute0_lowered;
	s2 =	sadd.s32 s2, s4;
	[dreg:$0x0] =	wrdreg $0x0  }
0xa8: {  	s4 =	sshll.u32 s28, $0x1;
	[dreg:$0x2] =	wrdreg s2  }
0xa9: {  	[dreg:$0x3] =	wrdreg s4  }
0xaa: {  	[dreg:$0x4] =	wrdreg $0xC0  }
0xab: {  	_ =	task [dreg:s6], $0x5FFFF  }
0xac: {  	[dreg:$0x1] =	wrdreg $0xFFFFFFFF  }
0xad: {  	[dreg:$0x0] =	wrdreg $0x60  }
0xae: {  	[dreg:$0x2] =	wrdreg s24  }
0xaf: {  	[dreg:$0x3] =	wrdreg $0xC4400  }
0xb0: {  	[dreg:$0x4] =	wrdreg $0x9  }
0xb1: {  	_ =	task.clear_ibuf [dreg:s6], $0x5FFFF;
	_ =	strace $0x9000004F  }
0xb2: {  	s29 =	simm.s32 $0x9;
	_ =	strace $0x80000051  }
0xb3: {  	_ =	swait.ge [sflag:s29], $0x1  }
0xb4: {  	[sflag:s29] =	ssyncadd.s32 $0xFFFFFFFF  }
0xb5: {  	_ =	strace $0x90000051  }
0xb6: {  	_ =	sfence  }
0xb7: {  	s30 =	sld [smem:$0x0];
	_ =	sdelay $0x2  }
0xb8: {  	s31 =	sshll.u32 s1, $0xD;
	s1 =	sshrl.u32 s1, $0x2  }
0xb9: {  	s3 =	sand.u32 $0x4000, s31;
	s1 =	sadd.s32 s1, s30  }
0xba: {  	s0 =	sor.u32 s3, s0;
	s1 =	sshll.u32 s1, $0x11  }
0xbb: {  	s0 =	sor.u32 s1, s0  }
0xbc: {  	s0 =	sadd.s32 $0x8F2B, s0  }
0xbd: {  	[sflag:s0] =	ssyncadd.remote.s32 $0x1  }
0xbe: {  	_ =	sfence.sel $0xFFFF  }
0xbf: {  	[dreg:$0x0] =	wrdreg $0xFFFFFFFF;
	(pc) =	sbr.abs _section_cstart, $3  }
0xc0: {  	[dreg:$0x1] =	wrdreg $0xFFFFFFFF  }
0xc1: {  	_ =	task.clear_ibuf [dreg:s6], $0x2FFFF;
	_ =	strace $0x9FFFFFFF  }
0xc2: {  	(tm) =	ssettm $0x7FFFFFFF  }
0xc3: {  	_ =	shalt  }
tec
execute0_lowered:
.L_overlay_start_1:
0x0: {  	(tag) =	ssettag $0x1  }
0x1: {  	s0 =	rddreg [dreg:$0x0]  }
0x2: {  	s1 =	rddreg [dreg:$0x1]  }
0x3: {  	s2 =	simm.s32 $0x0;
	s9 =	stileid.u32;
	s3 =	srdreg.scid  }
0x4: {  	s17 =	simm.s32 $0x1;
	s22 =	simm.s32 $0x3;
	s28 =	simm.s32 $0x2  }
0x5: {  	s29 =	simm.s32 $0x4DD0;
	s30 =	simm.s32 $0x9BA0;
	s31 =	simm.s32 $0x9BF0  }
0x6: {  	[smem:$0x7FF] =	sst s2;
	s5 =	smul.u32 $0x9C4, s9;
	s10 =	sand.u32 $0x1, s3  }
0x7: {  	s3 =	sadd.s32 $0x17400, s0;
	s4 =	sadd.s32 $0x2AE00, s0;
	s12 =	smul.u32 $0x9C00, s9  }
0x8: {  	s6 =	sadd.s32 $0x3E800, s0;
	s24 =	sadd.s32 $0x2AC00, s0;
	s14 =	sadd.s32 $0x3E600, s0  }
0x9: {  	s18 =	sshll.u32 s9, $0x6;
	p1 =	sne.s32 s9, $0x0;
	p2 =	seq.s32 s9, $0x0  }
0xa: {  	_ =	strace $0x80000050;
	s7 =	ssub.s32 $0x2, s10;
	p0 =	seq.s32 s10, $0x1  }
0xb: {  	[dreg:$0x5] =	wrdreg s24;
	s10 =	sor.u32 $0x1C03, s18;
	s24 =	simm.s32 $0x50  }
0xc: {  	s8 =	sadd.s32 s5, s0;
	s11 =	sshrl.u32 s7, $0x1;
	s5 =	sadd.s32 $0x52200, s0  }
0xd: {  	s15 =	sshrl.u32 s12, $0x3;
	s19 =	sadd.s32 s12, s1;
	s0 =	simm.s32 $0x0  }
0xe: {  	s16 =	ssub.s32 s7, s11;
	s7 =	sadd.s32 $0x3800, s8;
	s23 =	sadd.s32 s3, s15  }
.Ltmp0:
0xf: {  	s25 =	sadd.s32 s5, s15;
	[dreg:$0x3] =	wrdreg s23;
	(pc) =	sbr.rel .LBB2_1-.Ltmp0, $4  }
0x10: {  	s8 =	sadd.s32 $0xD600, s8;
	s26 =	sadd.s32 s4, s15;
	[dreg:$0x6] =	wrdreg s25  }
0x11: {  	s11 =	sadd.s32 $0x9C000, s1;
	s15 =	sadd.s32 s6, s15;
	[dreg:$0x7] =	wrdreg s26  }
0x12: {  	s21 =	sshrl.u32 s19, $0x3;
	s16 =	smax.u32 s16, $0x1;
	[dreg:$0x4] =	wrdreg s11  }
0x13: {  	s23 =	sshrl.u32 @!p1 s11, $0x3;
	s25 =	simm.s32 $0x9C40;
	s26 =	simm.s32 $0xB040  }
.LBB2_8:
0x14: {  	s11 =	rddreg [dreg:$0x4]  }
0x15: {  	s9 =	sadd.s32 $0x13800, s9;
	s11 =	sshrl.u32 s11, $0x3  }
0x16: {  	[hbm:s9], [sflag:s20] =	dma.local [spmem:s11], $0x80  }
0x17: {  	_ =	swait.ge [sflag:s22], $0x80  }
0x18: {  	[sflag:s22] =	ssyncset.done $0x0  }
0x19: {  	[sflag:s22] =	ssyncadd.s32 $0xFFFFFF80  }
.LBB2_9:
0x1a: {  	s0 =	sadd.s32 $0x1, s0  }
0x1b: {  	p3 =	sne.s32 s0, s16  }
.Ltmp1:
0x1c: {  	_ = 	snop;
	(pc) =	sbr.rel @!p3 .LBB2_10-.Ltmp1, $1  }
0x1d: {  	_ =	sdelay $0x3  }
.LBB2_1:
0x1e: {  	[tilespmem:s2], [sflag:$0x1] =	stream.linear.gather [hbm4b:s7+s2], $0x4E20, $0x38;
	[tilespmem:$0x16080] =	vst v63  }
0x1f: {  	_ =	swait.ge [sflag:s17], $0x4E20  }
0x20: {  	[sflag:s17] =	ssyncset.done $0x0  }
.Ltmp2:
0x21: {  	s9 =	simm.s32 $0x4E20;
	[sflag:s17] =	ssyncadd.s32 $0xFFFFB1E0;
	(pc) =	sbr.rel @!p0 .LBB2_2-.Ltmp2, $4  }
0x22: {  	[tilespmem:s9], [sflag:$0x1] =	stream.linear.gather [hbm4b:s8+s2], $0x4E20, $0x38;
	[tilespmem:$0x16080] =	vst v63  }
0x23: {  	_ =	swait.ge [sflag:s17], $0x4E20  }
0x24: {  	[sflag:s17] =	ssyncset.done $0x0  }
0x25: {  	[sflag:s17] =	ssyncadd.s32 $0xFFFFB1E0  }
0x26: {  	s9 =	rddreg [dreg:$0x7]  }
0x27: {  	[spmem:s21], [sflag:s10] =	dma.local [hbm:s9], $0x1380  }
0x28: {  	_ =	swait.ge [sflag:s22], $0x1380  }
0x29: {  	[sflag:s22] =	ssyncset.done $0x0  }
0x2a: {  	s9 =	simm.s32 @!p1 $0x3;
	[sflag:s22] =	ssyncadd.s32 $0xFFFFEC80  }
0x2b: {  	[spmem:s23], [sflag:s10] =	dma.local @!p1 [hbm:s14], $0x80  }
0x2c: {  	_ =	swait.ge @!p1 [sflag:s9], $0x80  }
0x2d: {  	[sflag:s9] =	ssyncset.done @!p1 $0x0  }
0x2e: {  	[sflag:s9] =	ssyncadd.s32 @!p1 $0xFFFFFF80  }
0x2f: {  	s11 =	simm.s32 $0x0;
	[bflag:$0x0] =	sbarrier.arrive $0xFFFF  }
0x30: {  	[tilespmem:s25], [sflag:$0x1] =	stream.indirect.gather [hbm4b:s4+s24], $0x40, s11, s24, $0xb8;
	[tilespmem:$0x16080] =	vst v63  }
0x31: {  	s12 =	simm.s32 $0x50  }
0x32: {  	[tilespmem:s26], [sflag:$0x2] =	stream.indirect.gather [hbm4b:s4+s24], $0x40, s12, s24, $0xb8;
	[tilespmem:$0x16080] =	vst v63  }
0x33: {  	_ =	swait.ge [sflag:s17], $0x1400  }
0x34: {  	[sflag:s17] =	ssyncset.done $0x0  }
0x35: {  	s13 =	simm.s32 $0x4E20;
	[sflag:s17] =	ssyncadd.s32 $0xFFFFEC00  }
0x36: {  	[spmem:s1] =	stream.indirect.scatter.add.f32 [tilespmem:s25], [sflag:$0x3], $0x40, s13, s24, $0xb8;
	[tilespmem:$0x16080] =	vst v63  }
0x37: {  	_ =	swait.ge [sflag:s22], $0x1400  }
0x38: {  	[sflag:s22] =	ssyncset.done $0x0  }
0x39: {  	s19 =	simm.s32 $0xA0;
	[sflag:s22] =	ssyncadd.s32 $0xFFFFEC00  }
0x3a: {  	[tilespmem:s25], [sflag:$0x1] =	stream.indirect.gather [hbm4b:s4+s24], $0x40, s19, s24, $0xb8;
	[tilespmem:$0x16080] =	vst v63  }
0x3b: {  	_ =	swait.ge [sflag:s28], $0x1400  }
0x3c: {  	[sflag:s28] =	ssyncset.done $0x0  }
0x3d: {  	s20 =	simm.s32 $0x4E70;
	[sflag:s28] =	ssyncadd.s32 $0xFFFFEC00  }
0x3e: {  	[spmem:s1] =	stream.indirect.scatter.add.f32 [tilespmem:s26], [sflag:$0x3], $0x40, s20, s24, $0xb8;
	[tilespmem:$0x16080] =	vst v63  }
0x3f: {  	_ =	swait.ge [sflag:s22], $0x1400  }
0x40: {  	s9 =	simm.s32 $0xA0;
	s19 =	simm.s32 $0x500;
	[sflag:s22] =	ssyncset.done $0x0  }
.LBB2_6:
0x41: {  	s11 =	sadd.s32 $0x50, s9  }
0x42: {  	[sflag:s22] =	ssyncadd.s32 $0xFFFFEC00;
	s12 =	smov.u32 s19;
	s13 =	sadd.s32 $0x280, s19  }
0x43: {  	[tilespmem:s26], [sflag:$0x2] =	stream.indirect.gather [hbm4b:s4+s24], $0x40, s11, s24, $0xb8;
	[tilespmem:$0x16080] =	vst v63  }
0x44: {  	p3 =	sne.s32 s19, $0x13380;
	_ =	swait.ge [sflag:s17], $0x1400  }
0x45: {  	[sflag:s17] =	ssyncset.done $0x0  }
0x46: {  	s11 =	sadd.s32 $0x4E20, s9;
	[sflag:s17] =	ssyncadd.s32 $0xFFFFEC00  }
0x47: {  	[spmem:s1] =	stream.indirect.scatter.add.f32 [tilespmem:s25], [sflag:$0x3], $0x40, s11, s24, $0xb8;
	[tilespmem:$0x16080] =	vst v63  }
0x48: {  	_ =	swait.ge [sflag:s22], $0x1400  }
0x49: {  	[sflag:s22] =	ssyncset.done $0x0  }
0x4a: {  	s11 =	sadd.s32 $0xA0, s9;
	[sflag:s22] =	ssyncadd.s32 $0xFFFFEC00  }
0x4b: {  	[tilespmem:s25], [sflag:$0x1] =	stream.indirect.gather [hbm4b:s4+s24], $0x40, s11, s24, $0xb8;
	[tilespmem:$0x16080] =	vst v63  }
0x4c: {  	_ =	swait.ge [sflag:s28], $0x1400  }
.Ltmp3:
0x4d: {  	[sflag:s28] =	ssyncset.done $0x0;
	(pc) =	sbr.rel @p3 .LBB2_6-.Ltmp3, $4  }
0x4e: {  	s9 =	sadd.s32 $0x4E70, s9;
	[sflag:s28] =	ssyncadd.s32 $0xFFFFEC00  }
0x4f: {  	[spmem:s1] =	stream.indirect.scatter.add.f32 [tilespmem:s26], [sflag:$0x3], $0x40, s9, s24, $0xb8;
	[tilespmem:$0x16080] =	vst v63  }
0x50: {  	_ =	swait.ge [sflag:s22], $0x1400  }
0x51: {  	s19 =	smov.u32 s13;
	s9 =	sshra.s32 s12, $0x2;
	[sflag:s22] =	ssyncset.done $0x0  }
0x52: {  	s11 =	sadd.s32 $0x50, s9;
	[sflag:s22] =	ssyncadd.s32 $0xFFFFEC00  }
0x53: {  	[tilespmem:s26], [sflag:$0x2] =	stream.indirect.gather [hbm4b:s4+s24], $0x40, s11, s24, $0xb8;
	[tilespmem:$0x16080] =	vst v63  }
0x54: {  	_ =	swait.ge [sflag:s17], $0x1400  }
0x55: {  	[sflag:s17] =	ssyncset.done $0x0  }
0x56: {  	s13 =	sadd.s32 $0x4E20, s9;
	[sflag:s17] =	ssyncadd.s32 $0xFFFFEC00  }
0x57: {  	[spmem:s1] =	stream.indirect.scatter.add.f32 [tilespmem:s25], [sflag:$0x3], $0x40, s13, s24, $0xb8;
	[tilespmem:$0x16080] =	vst v63  }
0x58: {  	_ =	swait.ge [sflag:s22], $0x1400  }
0x59: {  	[sflag:s22] =	ssyncset.done $0x0  }
0x5a: {  	s19 =	sadd.s32 $0xA0, s9;
	[sflag:s22] =	ssyncadd.s32 $0xFFFFEC00  }
0x5b: {  	[tilespmem:s25], [sflag:$0x1] =	stream.indirect.gather [hbm4b:s4+s24], $0x40, s19, s24, $0xb8;
	[tilespmem:$0x16080] =	vst v63  }
0x5c: {  	_ =	swait.ge [sflag:s28], $0x1400  }
0x5d: {  	[sflag:s28] =	ssyncset.done $0x0  }
0x5e: {  	s20 =	sadd.s32 $0x4E70, s9;
	[sflag:s28] =	ssyncadd.s32 $0xFFFFEC00  }
0x5f: {  	[spmem:s1] =	stream.indirect.scatter.add.f32 [tilespmem:s26], [sflag:$0x3], $0x40, s20, s24, $0xb8;
	[tilespmem:$0x16080] =	vst v63  }
0x60: {  	_ =	swait.ge [sflag:s22], $0x1400  }
0x61: {  	[sflag:s22] =	ssyncset.done $0x0  }
0x62: {  	[sflag:s22] =	ssyncadd.s32 $0xFFFFEC00  }
0x63: {  	[tilespmem:s26], [sflag:$0x2] =	stream.indirect.gather [hbm4b:s4+s24], $0x40, s29, s24, $0xb8;
	[tilespmem:$0x16080] =	vst v63  }
0x64: {  	_ =	swait.ge [sflag:s17], $0x1400  }
0x65: {  	[sflag:s17] =	ssyncset.done $0x0  }
0x66: {  	[sflag:s17] =	ssyncadd.s32 $0xFFFFEC00  }
0x67: {  	[spmem:s1] =	stream.indirect.scatter.add.f32 [tilespmem:s25], [sflag:$0x3], $0x40, s30, s24, $0xb8;
	[tilespmem:$0x16080] =	vst v63  }
0x68: {  	_ =	swait.ge [sflag:s22], $0x1400  }
0x69: {  	[sflag:s22] =	ssyncset.done $0x0  }
0x6a: {  	[sflag:s22] =	ssyncadd.s32 $0xFFFFEC00  }
0x6b: {  	_ =	swait.ge [sflag:s28], $0x1400  }
0x6c: {  	[sflag:s28] =	ssyncset.done $0x0  }
0x6d: {  	[sflag:s28] =	ssyncadd.s32 $0xFFFFEC00  }
0x6e: {  	[spmem:s1] =	stream.indirect.scatter.add.f32 [tilespmem:s26], [sflag:$0x3], $0x40, s31, s24, $0xb8;
	[tilespmem:$0x16080] =	vst v63  }
0x6f: {  	_ =	swait.ge [sflag:s22], $0x1400  }
0x70: {  	[sflag:s22] =	ssyncset.done $0x0  }
0x71: {  	[sflag:s22] =	ssyncadd.s32 $0xFFFFEC00  }
0x72: {  	[bflag:$0x0] =	sbarrier.arrive $0xFFFF  }
0x73: {  	[hbm:s15], [sflag:s10] =	dma.local [spmem:s21], $0x1380  }
.Ltmp4:
0x74: {  	_ = 	snop;
	(pc) =	sbr.rel @p1 .LBB2_9-.Ltmp4, $4  }
.Ltmp5:
0x75: {  	_ = 	snop;
	(pc) =	sbr.rel @!p1 .LBB2_8-.Ltmp5, $4  }
0x76: {  	_ =	swait.ge [sflag:s22], $0x1380  }
0x77: {  	[sflag:s22] =	ssyncset.done $0x0  }
0x78: {  	s9 =	smov.u32 s6;
	s20 =	smov.u32 s10;
	[sflag:s22] =	ssyncadd.s32 $0xFFFFEC80  }
0x79: {  	_ = 	snop  }
.LBB2_2:
0x7a: {  	s20 =	sor.u32 $0x1C03, s18;
	s9 =	rddreg [dreg:$0x3]  }
0x7b: {  	[spmem:s21], [sflag:s20] =	dma.local [hbm:s9], $0x1380  }
0x7c: {  	_ =	swait.ge [sflag:s22], $0x1380  }
0x7d: {  	[sflag:s22] =	ssyncset.done $0x0  }
0x7e: {  	s9 =	rddreg [dreg:$0x5];
	[sflag:s22] =	ssyncadd.s32 $0xFFFFEC80  }
0x7f: {  	[spmem:s23], [sflag:s20] =	dma.local @!p1 [hbm:s9], $0x80  }
0x80: {  	s9 =	simm.s32 @!p1 $0x3  }
0x81: {  	_ =	swait.ge @!p1 [sflag:s9], $0x80  }
0x82: {  	[sflag:s9] =	ssyncset.done @!p1 $0x0  }
0x83: {  	[sflag:s9] =	ssyncadd.s32 @!p1 $0xFFFFFF80  }
0x84: {  	s19 =	simm.s32 $0x0;
	[bflag:$0x0] =	sbarrier.arrive $0xFFFF  }
0x85: {  	[tilespmem:s25], [sflag:$0x1] =	stream.indirect.gather [hbm4b:s3+s24], $0x40, s19, s24, $0xb8;
	[tilespmem:$0x16080] =	vst v63  }
0x86: {  	s11 =	simm.s32 $0x50  }
0x87: {  	[tilespmem:s26], [sflag:$0x2] =	stream.indirect.gather [hbm4b:s3+s24], $0x40, s11, s24, $0xb8;
	[tilespmem:$0x16080] =	vst v63  }
0x88: {  	_ =	swait.ge [sflag:s17], $0x1400  }
0x89: {  	[sflag:s17] =	ssyncset.done $0x0  }
0x8a: {  	s12 =	simm.s32 $0x4E20;
	[sflag:s17] =	ssyncadd.s32 $0xFFFFEC00  }
0x8b: {  	[spmem:s1] =	stream.indirect.scatter.add.f32 [tilespmem:s25], [sflag:$0x3], $0x40, s12, s24, $0xb8;
	[tilespmem:$0x16080] =	vst v63  }
0x8c: {  	_ =	swait.ge [sflag:s22], $0x1400  }
0x8d: {  	[sflag:s22] =	ssyncset.done $0x0  }
0x8e: {  	s13 =	simm.s32 $0xA0;
	[sflag:s22] =	ssyncadd.s32 $0xFFFFEC00  }
0x8f: {  	[tilespmem:s25], [sflag:$0x1] =	stream.indirect.gather [hbm4b:s3+s24], $0x40, s13, s24, $0xb8;
	[tilespmem:$0x16080] =	vst v63  }
0x90: {  	_ =	swait.ge [sflag:s28], $0x1400  }
0x91: {  	[sflag:s28] =	ssyncset.done $0x0  }
0x92: {  	s19 =	simm.s32 $0x4E70;
	[sflag:s28] =	ssyncadd.s32 $0xFFFFEC00  }
0x93: {  	[spmem:s1] =	stream.indirect.scatter.add.f32 [tilespmem:s26], [sflag:$0x3], $0x40, s19, s24, $0xb8;
	[tilespmem:$0x16080] =	vst v63  }
0x94: {  	_ =	swait.ge [sflag:s22], $0x1400  }
0x95: {  	s9 =	simm.s32 $0xA0;
	s19 =	simm.s32 $0x500;
	[sflag:s22] =	ssyncset.done $0x0  }
.LBB2_3:
0x96: {  	s11 =	sadd.s32 $0x50, s9  }
0x97: {  	[sflag:s22] =	ssyncadd.s32 $0xFFFFEC00;
	s12 =	smov.u32 s19;
	s13 =	sadd.s32 $0x280, s19  }
0x98: {  	[tilespmem:s26], [sflag:$0x2] =	stream.indirect.gather [hbm4b:s3+s24], $0x40, s11, s24, $0xb8;
	[tilespmem:$0x16080] =	vst v63  }
0x99: {  	p3 =	sne.s32 s19, $0x13380;
	_ =	swait.ge [sflag:s17], $0x1400  }
0x9a: {  	[sflag:s17] =	ssyncset.done $0x0  }
0x9b: {  	s11 =	sadd.s32 $0x4E20, s9;
	[sflag:s17] =	ssyncadd.s32 $0xFFFFEC00  }
0x9c: {  	[spmem:s1] =	stream.indirect.scatter.add.f32 [tilespmem:s25], [sflag:$0x3], $0x40, s11, s24, $0xb8;
	[tilespmem:$0x16080] =	vst v63  }
0x9d: {  	_ =	swait.ge [sflag:s22], $0x1400  }
0x9e: {  	[sflag:s22] =	ssyncset.done $0x0  }
0x9f: {  	s11 =	sadd.s32 $0xA0, s9;
	[sflag:s22] =	ssyncadd.s32 $0xFFFFEC00  }
0xa0: {  	[tilespmem:s25], [sflag:$0x1] =	stream.indirect.gather [hbm4b:s3+s24], $0x40, s11, s24, $0xb8;
	[tilespmem:$0x16080] =	vst v63  }
0xa1: {  	_ =	swait.ge [sflag:s28], $0x1400  }
.Ltmp6:
0xa2: {  	[sflag:s28] =	ssyncset.done $0x0;
	(pc) =	sbr.rel @p3 .LBB2_3-.Ltmp6, $4  }
0xa3: {  	s9 =	sadd.s32 $0x4E70, s9;
	[sflag:s28] =	ssyncadd.s32 $0xFFFFEC00  }
0xa4: {  	[spmem:s1] =	stream.indirect.scatter.add.f32 [tilespmem:s26], [sflag:$0x3], $0x40, s9, s24, $0xb8;
	[tilespmem:$0x16080] =	vst v63  }
0xa5: {  	_ =	swait.ge [sflag:s22], $0x1400  }
0xa6: {  	s19 =	smov.u32 s13;
	s9 =	sshra.s32 s12, $0x2;
	[sflag:s22] =	ssyncset.done $0x0  }
0xa7: {  	s11 =	sadd.s32 $0x50, s9;
	[sflag:s22] =	ssyncadd.s32 $0xFFFFEC00  }
0xa8: {  	[tilespmem:s26], [sflag:$0x2] =	stream.indirect.gather [hbm4b:s3+s24], $0x40, s11, s24, $0xb8;
	[tilespmem:$0x16080] =	vst v63  }
0xa9: {  	_ =	swait.ge [sflag:s17], $0x1400  }
0xaa: {  	[sflag:s17] =	ssyncset.done $0x0  }
0xab: {  	s19 =	sadd.s32 $0x4E20, s9;
	[sflag:s17] =	ssyncadd.s32 $0xFFFFEC00  }
0xac: {  	[spmem:s1] =	stream.indirect.scatter.add.f32 [tilespmem:s25], [sflag:$0x3], $0x40, s19, s24, $0xb8;
	[tilespmem:$0x16080] =	vst v63  }
0xad: {  	_ =	swait.ge [sflag:s22], $0x1400  }
0xae: {  	[sflag:s22] =	ssyncset.done $0x0  }
0xaf: {  	s12 =	sadd.s32 $0xA0, s9;
	[sflag:s22] =	ssyncadd.s32 $0xFFFFEC00  }
0xb0: {  	[tilespmem:s25], [sflag:$0x1] =	stream.indirect.gather [hbm4b:s3+s24], $0x40, s12, s24, $0xb8;
	[tilespmem:$0x16080] =	vst v63  }
0xb1: {  	_ =	swait.ge [sflag:s28], $0x1400  }
0xb2: {  	[sflag:s28] =	ssyncset.done $0x0  }
0xb3: {  	s13 =	sadd.s32 $0x4E70, s9;
	[sflag:s28] =	ssyncadd.s32 $0xFFFFEC00  }
0xb4: {  	[spmem:s1] =	stream.indirect.scatter.add.f32 [tilespmem:s26], [sflag:$0x3], $0x40, s13, s24, $0xb8;
	[tilespmem:$0x16080] =	vst v63  }
0xb5: {  	_ =	swait.ge [sflag:s22], $0x1400  }
0xb6: {  	[sflag:s22] =	ssyncset.done $0x0  }
0xb7: {  	[sflag:s22] =	ssyncadd.s32 $0xFFFFEC00  }
0xb8: {  	[tilespmem:s26], [sflag:$0x2] =	stream.indirect.gather [hbm4b:s3+s24], $0x40, s29, s24, $0xb8;
	[tilespmem:$0x16080] =	vst v63  }
0xb9: {  	_ =	swait.ge [sflag:s17], $0x1400  }
0xba: {  	[sflag:s17] =	ssyncset.done $0x0  }
0xbb: {  	[sflag:s17] =	ssyncadd.s32 $0xFFFFEC00  }
0xbc: {  	[spmem:s1] =	stream.indirect.scatter.add.f32 [tilespmem:s25], [sflag:$0x3], $0x40, s30, s24, $0xb8;
	[tilespmem:$0x16080] =	vst v63  }
0xbd: {  	_ =	swait.ge [sflag:s22], $0x1400  }
0xbe: {  	[sflag:s22] =	ssyncset.done $0x0  }
0xbf: {  	[sflag:s22] =	ssyncadd.s32 $0xFFFFEC00  }
0xc0: {  	_ =	swait.ge [sflag:s28], $0x1400  }
0xc1: {  	[sflag:s28] =	ssyncset.done $0x0  }
0xc2: {  	[sflag:s28] =	ssyncadd.s32 $0xFFFFEC00  }
0xc3: {  	[spmem:s1] =	stream.indirect.scatter.add.f32 [tilespmem:s26], [sflag:$0x3], $0x40, s31, s24, $0xb8;
	[tilespmem:$0x16080] =	vst v63  }
0xc4: {  	_ =	swait.ge [sflag:s22], $0x1400  }
0xc5: {  	[sflag:s22] =	ssyncset.done $0x0  }
0xc6: {  	[sflag:s22] =	ssyncadd.s32 $0xFFFFEC00  }
0xc7: {  	[bflag:$0x0] =	sbarrier.arrive $0xFFFF  }
0xc8: {  	s19 =	rddreg [dreg:$0x6]  }
0xc9: {  	[hbm:s19], [sflag:s20] =	dma.local [spmem:s21], $0x1380  }
.Ltmp7:
0xca: {  	_ = 	snop;
	(pc) =	sbr.rel @!p2 .LBB2_9-.Ltmp7, $4  }
.Ltmp8:
0xcb: {  	_ = 	snop;
	(pc) =	sbr.rel @p2 .LBB2_8-.Ltmp8, $4  }
0xcc: {  	_ =	swait.ge [sflag:s22], $0x1380  }
0xcd: {  	[sflag:s22] =	ssyncset.done $0x0  }
0xce: {  	s9 =	smov.u32 s5;
	[sflag:s22] =	ssyncadd.s32 $0xFFFFEC80  }
0xcf: {  	_ = 	snop  }
.LBB2_10:
0xd0: {  	_ =	sfence.sel $0x180000  }
0xd1: {  	[bflag:$0x0] =	sbarrier.arrive $0xFFFF  }
0xd2: {  	_ =	strace $0x90000050  }
0xd3: {  	[bflag:$0x2] =	sbarrier.arrive $0xFFFF  }
0xd4: {  	s0 =	rddreg [dreg:$0x2]  }
0xd5: {  	s0 =	sadd.s32 @!p1 $0x100000, s0  }
0xd6: {  	[sflag:s0] =	ssyncadd.tile.s32 @!p1 $0x1;
	_ =	shalt  }
.Lfunc_end2:
_tile_overlayer_lowered:
.L_overlay_start_2:
0xd7: {  	(tag) =	ssettag $0x2  }
0xd8: {  	s0 =	rddreg [dreg:$0x0];
	s2 =	stileid.u32  }
0xd9: {  	s1 =	rddreg [dreg:$0x1];
	p0 =	sne.s32 s2, $0x0  }
0xda: {  	s3 =	rddreg [dreg:$0x2];
	[bflag:$0x3] =	sbarrier.arrive $0xFFFF;
	s2 =	simm.s32 @!p0 $0x1C03  }
0xdb: {  	[timem:s3], [sflag:s2] =	dma.local @!p0 [hbm:s0], s1  }
0xdc: {  	s0 =	simm.s32 @!p0 $0x3  }
0xdd: {  	_ =	swait.ge @!p0 [sflag:s0], s1  }
0xde: {  	s1 =	ssub.s32 @!p0 $0x0, s1;
	[sflag:s0] =	ssyncset.done @!p0 $0x0  }
0xdf: {  	[sflag:s0] =	ssyncadd.s32 @!p0 s1  }
0xe0: {  	[bflag:$0x3] =	sbarrier.arrive $0xFFFF  }
0xe1: {  	_ =	shalt  }

</sc_bundles>
